<compile_context>
chip_gen: v7x
topology: tpu7x:2x2x1
jax: 0.10.2.dev20260603
libtpu: 0.0.44.dev20260713+nightly
codegen_flags: <defaults>
</compile_context>

<pallas_src>
import functools

import jax
import jax.numpy as jnp
import numpy as np
from jax import lax
from jax.experimental import pallas as pl
from jax.experimental.pallas import tpu as pltpu
from jax.experimental.pallas import tpu_sc as plsc

B = 4096
D_DENSE = 13
N_SPARSE = 26
VOCAB = 100000
EMB = 64
N = N_SPARSE + 1
PROJ = 128

NW = 32
ROWS_PER_W = (N_SPARSE * B) // NW
CHUNK = 128
NCHUNK = ROWS_PER_W // CHUNK

BB = 512


def _sc_gather(gidx2, tables_pair):
    mesh = plsc.VectorSubcoreMesh(core_axis_name="c", subcore_axis_name="s")

    @functools.partial(
        pl.kernel,
        mesh=mesh,
        out_type=jax.ShapeDtypeStruct((N_SPARSE * B, EMB), jnp.float32),
        compiler_params=pltpu.CompilerParams(use_tc_tiling_on_sc=False),
        scratch_types=[
            pltpu.VMEM((NCHUNK, CHUNK), jnp.int32),
            pltpu.VMEM((2, CHUNK, EMB), jnp.float32),
            pltpu.SemaphoreType.DMA,
            pltpu.SemaphoreType.DMA,
            pltpu.SemaphoreType.DMA,
            pltpu.SemaphoreType.DMA,
        ],
    )
    def gather_kernel(gidx_hbm, table_hbm, out_hbm, idx_v, rows_v,
                      g0, g1, o0, o1):
        wid = lax.axis_index("s") * 2 + lax.axis_index("c")
        pltpu.sync_copy(gidx_hbm.at[wid], idx_v)
        gsem = (g0, g1)
        osem = (o0, o1)

        gh = [None, None]
        oh = [None, None]
        gh[0] = pltpu.async_copy(table_hbm.at[idx_v.at[0]], rows_v.at[0],
                                 gsem[0])
        for j in range(NCHUNK):
            b = j & 1
            nb = 1 - b
            if j + 1 < NCHUNK:
                if oh[nb] is not None:
                    oh[nb].wait()
                gh[nb] = pltpu.async_copy(
                    table_hbm.at[idx_v.at[j + 1]], rows_v.at[nb], gsem[nb])
            gh[b].wait()
            oh[b] = pltpu.async_copy(
                rows_v.at[b],
                out_hbm.at[pl.ds(wid * ROWS_PER_W + j * CHUNK, CHUNK)],
                osem[b])
        oh[0].wait()
        oh[1].wait()

    return gather_kernel(gidx2, tables_pair)


def _tc_body(dense_ref, emb_ref, W0_ref, b0_ref, W1_ref, b1_ref,
             W2_ref, b2_ref, Wph_ref, S2_ref, bp_ref, out_ref):
    f32 = jnp.float32
    h = jnp.maximum(
        jnp.dot(dense_ref[...], W0_ref[...], preferred_element_type=f32)
        + b0_ref[...], 0.0)
    h = jnp.maximum(
        jnp.dot(h, W1_ref[...], preferred_element_type=f32) + b1_ref[...], 0.0)
    h = jnp.dot(h, W2_ref[...], preferred_element_type=f32) + b2_ref[...]
    emb = emb_ref[...].reshape(BB, N_SPARSE, EMB)
    T3 = jnp.concatenate([h[:, None, :], emb], axis=1)
    Z = lax.dot_general(T3, T3, (((2,), (2,)), ((0,), (0,))),
                        preferred_element_type=f32)
    Zr = Z.reshape(BB, N * N)
    out = (jnp.dot(h, Wph_ref[...], preferred_element_type=f32)
           + jnp.dot(Zr, S2_ref[...], preferred_element_type=f32)
           + bp_ref[...])
    out_ref[...] = out


def _tc_dense(dense_p, emb3, W0p, b0, W1, b1, W2, b2, Wph, S2, bp):
    grid = (B // BB,)
    full = lambda shape: pl.BlockSpec(shape, lambda i: (0,) * len(shape))
    return pl.pallas_call(
        _tc_body,
        grid=grid,
        in_specs=[
            pl.BlockSpec((BB, 16), lambda i: (i, 0)),
            pl.BlockSpec((BB * N_SPARSE, EMB), lambda i: (i, 0)),
            full((16, 512)),
            full((1, 512)),
            full((512, 256)),
            full((1, 256)),
            full((256, EMB)),
            full((1, EMB)),
            full((EMB, PROJ)),
            full((N * N, PROJ)),
            full((1, PROJ)),
        ],
        out_specs=pl.BlockSpec((BB, PROJ), lambda i: (i, 0)),
        out_shape=jax.ShapeDtypeStruct((B, PROJ), jnp.float32),
    )(dense_p, emb3, W0p, b0, W1, b1, W2, b2, Wph, S2, bp)


_TRIU_ROW, _TRIU_COL = np.triu_indices(N, k=1)
_TRIU_FLAT = np.asarray(_TRIU_ROW * N + _TRIU_COL, dtype=np.int32)


def kernel(dense, emb_indices, tables, W0, b0, W1, b1, W2, b2, Wp, bp):
    offs = (jnp.arange(N_SPARSE, dtype=jnp.int32) * VOCAB)[:, None]
    gflat = (emb_indices.astype(jnp.int32) + offs).T
    gidx = gflat.reshape(NW, NCHUNK, CHUNK)
    tables_pair = tables.reshape(N_SPARSE * VOCAB, EMB)
    dense_p = jnp.pad(dense, ((0, 0), (0, 16 - D_DENSE)))
    W0p = jnp.pad(W0, ((0, 16 - D_DENSE), (0, 0)))
    S2 = jnp.zeros((N * N, PROJ), jnp.float32).at[_TRIU_FLAT].set(Wp[EMB:])
    Wph = Wp[:EMB]

    emb_flat = _sc_gather(gidx, tables_pair)

    return _tc_dense(dense_p, emb_flat, W0p, b0.reshape(1, -1), W1,
                     b1.reshape(1, -1), W2, b2.reshape(1, -1), Wph, S2,
                     bp.reshape(1, -1))

# --- scband reference (transcript-rebuilt; emitter-appended) ---
"""Pipeline reference for scband-dlrmtower-23218593202348 (READ-ONLY COPY).

The authoritative reference and input builder live on the scoring server;
editing this copy changes nothing except your own understanding.
"""

import jax, jax.numpy as jnp
import numpy as np

B = 4096
D_DENSE = 13
N_SPARSE = 26
VOCAB = 100000
EMB = 64
LAYERS = [512, 256, 64]
PROJ = 128


def _xavier(key, shape):
    fan_in, fan_out = shape[0], shape[1]
    std = (2.0 / (fan_in + fan_out)) ** 0.5
    return jax.random.normal(key, shape, dtype=jnp.float32) * std


def setup_inputs(seed: int = 0) -> dict:
    key = jax.random.key(seed)
    ks = jax.random.split(key, 12)
    dense = jax.random.normal(ks[0], (B, D_DENSE), dtype=jnp.float32)
    emb_indices = jax.random.randint(ks[1], (N_SPARSE, B), 0, VOCAB, dtype=jnp.int64) if jax.config.jax_enable_x64 else jax.random.randint(ks[1], (N_SPARSE, B), 0, VOCAB)
    # one EmbeddingBag table per sparse field, xavier-normal init, stacked
    emb_std = (2.0 / (VOCAB + EMB)) ** 0.5
    tables = jax.random.normal(ks[2], (N_SPARSE, VOCAB, EMB), dtype=jnp.float32) * emb_std
    W0 = _xavier(ks[3], (D_DENSE, LAYERS[0]))
    b0 = jnp.zeros((LAYERS[0],), dtype=jnp.float32)
    W1 = _xavier(ks[4], (LAYERS[0], LAYERS[1]))
    b1 = jnp.zeros((LAYERS[1],), dtype=jnp.float32)
    W2 = _xavier(ks[5], (LAYERS[1], LAYERS[2]))
    b2 = jnp.zeros((LAYERS[2],), dtype=jnp.float32)
    N = N_SPARSE + 1  # dense bottom-mlp output joins the interaction
    interaction_out = (N * N - N) // 2
    proj_in = LAYERS[-1] + interaction_out
    Wp = _xavier(ks[6], (proj_in, PROJ))
    bp = jnp.zeros((PROJ,), dtype=jnp.float32)
    return {
        'dense': dense,
        'emb_indices': emb_indices,
        'tables': tables,
        'W0': W0, 'b0': b0, 'W1': W1, 'b1': b1, 'W2': W2, 'b2': b2,
        'Wp': Wp, 'bp': bp,
    }


def reference(dense, emb_indices, tables, W0, b0, W1, b1, W2, b2, Wp, bp):
    # bottom MLP (ReLU between layers, no ReLU after the last)
    h = jax.nn.relu(dense @ W0 + b0)
    h = jax.nn.relu(h @ W1 + b1)
    h = h @ W2 + b2  # (B, EMB)
    # EmbeddingBag with offsets=arange(B): one index per bag -> plain gather
    emb = jax.vmap(lambda t, idx: jnp.take(t, idx, axis=0))(tables, emb_indices)  # (N_SPARSE, B, EMB)
    emb = jnp.transpose(emb, (1, 0, 2))  # (B, N_SPARSE, EMB)
    # interaction: pairwise dots over [dense_out] + sparse embeddings
    T = jnp.concatenate([h[:, None, :], emb], axis=1)  # (B, N_SPARSE+1, EMB)
    Z = jnp.einsum('bnd,bmd->bnm', T, T)  # (B, N, N)
    row, col = jnp.triu_indices(N_SPARSE + 1, k=1)
    Z_flat = Z[:, row, col]  # (B, (N^2-N)/2)
    combined = jnp.concatenate([h, Z_flat], axis=1)
    return combined @ Wp + bp

if __name__ == "__main__":
    import jax
    _d = setup_inputs()
    print(jax.jit(kernel)(*tuple(_d.values())))

</pallas_src>

<mosaic_0001>
#map = affine_map<(d0, d1) -> (0, 0, 0)>
#map1 = affine_map<(d0, d1) -> (0, 0)>
module attributes {stable_mosaic.version = 14 : i64} {
  func.func @gather_kernel(%arg0: i32, %arg1: i32, %arg2: memref<32x26x128xi32, #tpu.memory_space<hbm>>, %arg3: memref<2600000x64xf32, #tpu.memory_space<hbm>>, %arg4: memref<106496x64xf32, #tpu.memory_space<hbm>>, %arg5: memref<26x128xi32, #tpu.memory_space<vmem>>, %arg6: memref<2x128x64xf32, #tpu.memory_space<vmem>>, %arg7: memref<!tpu.dma_semaphore, #tpu.memory_space<semaphore_mem>>, %arg8: memref<!tpu.dma_semaphore, #tpu.memory_space<semaphore_mem>>, %arg9: memref<!tpu.dma_semaphore, #tpu.memory_space<semaphore_mem>>, %arg10: memref<!tpu.dma_semaphore, #tpu.memory_space<semaphore_mem>>) attributes {dimension_semantics = [#tpu.dimension_semantics<core_parallel>, #tpu.dimension_semantics<subcore_parallel>], iteration_bounds = array<i64: 2, 16>, scalar_prefetch = 0 : i64, scratch_operands = 6 : i64, tpu.core_type = #tpu.core_type<sc_vector_subcore>, window_params = [{transform_indices = #map}, {transform_indices = #map1}, {transform_indices = #map1}]} {
    %mul3A = arith.constant 2 : i32
    %mul3A_0 = arith.muli %arg1, %mul3A : i32
    %add3A = arith.addi %mul3A_0, %arg0 : i32
    "tpu.region"() ({
      %run_scoped3A = tpu.sem_alloc : memref<!tpu.dma_semaphore, #tpu.memory_space<semaphore_mem>>
      %dma_start3A_1403 = arith.constant 0 : i32
      %dma_start3A_1404 = arith.constant 0 : i32
      %dma_start3A_1405 = tpu.memref_slice %arg2[%add3A, %dma_start3A_1403, %dma_start3A_1404] : memref<32x26x128xi32, #tpu.memory_space<hbm>> -> memref<1x26x128xi32, #tpu.memory_space<hbm>>
      %dma_start3A_1406 = tpu.memref_squeeze %dma_start3A_1405 : memref<1x26x128xi32, #tpu.memory_space<hbm>> -> memref<26x128xi32, #tpu.memory_space<hbm>>
      %dma_start3A_1407 = arith.constant 0 : i32
      %dma_start3A_1408 = arith.constant 0 : i32
      %dma_start3A_1409 = tpu.memref_slice %arg2[%add3A, %dma_start3A_1407, %dma_start3A_1408] : memref<32x26x128xi32, #tpu.memory_space<hbm>> -> memref<1x26x128xi32, #tpu.memory_space<hbm>>
      %dma_start3A_1410 = tpu.memref_squeeze %dma_start3A_1409 : memref<1x26x128xi32, #tpu.memory_space<hbm>> -> memref<26x128xi32, #tpu.memory_space<hbm>>
      tpu.enqueue_dma source(%dma_start3A_1410 : memref<26x128xi32, #tpu.memory_space<hbm>>) target(%arg5 : memref<26x128xi32, #tpu.memory_space<vmem>>) target_semaphore(%run_scoped3A : memref<!tpu.dma_semaphore, #tpu.memory_space<semaphore_mem>>)
      %dma_wait3A_1411 = arith.constant 0 : i32
      %dma_wait3A_1412 = arith.constant 0 : i32
      %dma_wait3A_1413 = tpu.memref_slice %arg2[%add3A, %dma_wait3A_1411, %dma_wait3A_1412] : memref<32x26x128xi32, #tpu.memory_space<hbm>> -> memref<1x26x128xi32, #tpu.memory_space<hbm>>
      %dma_wait3A_1414 = tpu.memref_squeeze %dma_wait3A_1413 : memref<1x26x128xi32, #tpu.memory_space<hbm>> -> memref<26x128xi32, #tpu.memory_space<hbm>>
      %dma_wait3A_1415 = arith.constant 0 : i32
      %dma_wait3A_1416 = arith.constant 0 : i32
      %dma_wait3A_1417 = tpu.memref_slice %arg2[%add3A, %dma_wait3A_1415, %dma_wait3A_1416] : memref<32x26x128xi32, #tpu.memory_space<hbm>> -> memref<1x26x128xi32, #tpu.memory_space<hbm>>
      %dma_wait3A_1418 = tpu.memref_squeeze %dma_wait3A_1417 : memref<1x26x128xi32, #tpu.memory_space<hbm>> -> memref<26x128xi32, #tpu.memory_space<hbm>>
      tpu.wait_dma2 semaphore(%run_scoped3A : memref<!tpu.dma_semaphore, #tpu.memory_space<semaphore_mem>>) src(%dma_wait3A_1418 : memref<26x128xi32, #tpu.memory_space<hbm>>) dst(%arg5 : memref<26x128xi32, #tpu.memory_space<vmem>>)
      tpu.yield
    }) : () -> ()
    %dma_start3A = arith.constant 0 : i32
    %dma_start3A_1 = arith.constant 0 : i32
    %dma_start3A_2 = arith.constant 0 : i32
    %dma_start3A_3 = arith.constant 0 : i32
    %dma_start3A_4 = tpu.memref_slice %arg6[%dma_start3A_1, %dma_start3A_2, %dma_start3A_3] : memref<2x128x64xf32, #tpu.memory_space<vmem>> -> memref<1x128x64xf32, #tpu.memory_space<vmem>>
    %dma_start3A_5 = tpu.memref_squeeze %dma_start3A_4 : memref<1x128x64xf32, #tpu.memory_space<vmem>> -> memref<128x64xf32, #tpu.memory_space<vmem>>
    %dma_start3A_6 = arith.constant 0 : i32
    %dma_start3A_7 = tpu.memref_slice %arg5[%dma_start3A, %dma_start3A_6] : memref<26x128xi32, #tpu.memory_space<vmem>> -> memref<1x128xi32, #tpu.memory_space<vmem>>
    %dma_start3A_8 = tpu.memref_squeeze %dma_start3A_7 : memref<1x128xi32, #tpu.memory_space<vmem>> -> memref<128xi32, #tpu.memory_space<vmem>>
    %dma_start3A_9 = arith.constant 0 : i32
    %dma_start3A_10 = arith.constant 0 : i32
    %dma_start3A_11 = tpu.memref_slice %arg3[%dma_start3A_9, %dma_start3A_10] : memref<2600000x64xf32, #tpu.memory_space<hbm>> -> memref<2600000x64xf32, #tpu.memory_space<hbm>>
    tpu.enqueue_indirect_dma source(%dma_start3A_11 : memref<2600000x64xf32, #tpu.memory_space<hbm>>) target(%dma_start3A_5 : memref<128x64xf32, #tpu.memory_space<vmem>>) offsets(%dma_start3A_8 : memref<128xi32, #tpu.memory_space<vmem>>) semaphore(%arg7 : memref<!tpu.dma_semaphore, #tpu.memory_space<semaphore_mem>>)
    %dma_start3A_12 = arith.constant 1 : i32
    %dma_start3A_13 = arith.constant 1 : i32
    %dma_start3A_14 = arith.constant 0 : i32
    %dma_start3A_15 = arith.constant 0 : i32
    %dma_start3A_16 = tpu.memref_slice %arg6[%dma_start3A_13, %dma_start3A_14, %dma_start3A_15] : memref<2x128x64xf32, #tpu.memory_space<vmem>> -> memref<1x128x64xf32, #tpu.memory_space<vmem>>
    %dma_start3A_17 = tpu.memref_squeeze %dma_start3A_16 : memref<1x128x64xf32, #tpu.memory_space<vmem>> -> memref<128x64xf32, #tpu.memory_space<vmem>>
    %dma_start3A_18 = arith.constant 0 : i32
    %dma_start3A_19 = tpu.memref_slice %arg5[%dma_start3A_12, %dma_start3A_18] : memref<26x128xi32, #tpu.memory_space<vmem>> -> memref<1x128xi32, #tpu.memory_space<vmem>>
    %dma_start3A_20 = tpu.memref_squeeze %dma_start3A_19 : memref<1x128xi32, #tpu.memory_space<vmem>> -> memref<128xi32, #tpu.memory_space<vmem>>
    %dma_start3A_21 = arith.constant 0 : i32
    %dma_start3A_22 = arith.constant 0 : i32
    %dma_start3A_23 = tpu.memref_slice %arg3[%dma_start3A_21, %dma_start3A_22] : memref<2600000x64xf32, #tpu.memory_space<hbm>> -> memref<2600000x64xf32, #tpu.memory_space<hbm>>
    tpu.enqueue_indirect_dma source(%dma_start3A_23 : memref<2600000x64xf32, #tpu.memory_space<hbm>>) target(%dma_start3A_17 : memref<128x64xf32, #tpu.memory_space<vmem>>) offsets(%dma_start3A_20 : memref<128xi32, #tpu.memory_space<vmem>>) semaphore(%arg8 : memref<!tpu.dma_semaphore, #tpu.memory_space<semaphore_mem>>)
    %dma_wait3A = arith.constant 0 : i32
    %dma_wait3A_24 = arith.constant 0 : i32
    %dma_wait3A_25 = arith.constant 0 : i32
    %dma_wait3A_26 = arith.constant 0 : i32
    %dma_wait3A_27 = tpu.memref_slice %arg6[%dma_wait3A_24, %dma_wait3A_25, %dma_wait3A_26] : memref<2x128x64xf32, #tpu.memory_space<vmem>> -> memref<1x128x64xf32, #tpu.memory_space<vmem>>
    %dma_wait3A_28 = tpu.memref_squeeze %dma_wait3A_27 : memref<1x128x64xf32, #tpu.memory_space<vmem>> -> memref<128x64xf32, #tpu.memory_space<vmem>>
    %dma_wait3A_29 = arith.constant 0 : i32
    %dma_wait3A_30 = tpu.memref_slice %arg5[%dma_wait3A, %dma_wait3A_29] : memref<26x128xi32, #tpu.memory_space<vmem>> -> memref<1x128xi32, #tpu.memory_space<vmem>>
    %dma_wait3A_31 = tpu.memref_squeeze %dma_wait3A_30 : memref<1x128xi32, #tpu.memory_space<vmem>> -> memref<128xi32, #tpu.memory_space<vmem>>
    %dma_wait3A_32 = arith.constant 0 : i32
    %dma_wait3A_33 = arith.constant 0 : i32
    %dma_wait3A_34 = tpu.memref_slice %arg3[%dma_wait3A_32, %dma_wait3A_33] : memref<2600000x64xf32, #tpu.memory_space<hbm>> -> memref<2600000x64xf32, #tpu.memory_space<hbm>>
    tpu.wait_indirect_dma semaphore(%arg7 : memref<!tpu.dma_semaphore, #tpu.memory_space<semaphore_mem>>) src(%dma_wait3A_34 : memref<2600000x64xf32, #tpu.memory_space<hbm>>) dst(%dma_wait3A_28 : memref<128x64xf32, #tpu.memory_space<vmem>>)
    %mul3A_35 = arith.constant 3328 : i32
    %mul3A_36 = arith.muli %add3A, %mul3A_35 : i32
    %add3A_37 = arith.constant 0 : i32
    %add3A_38 = arith.addi %mul3A_36, %add3A_37 : i32
    %dma_start3A_39 = arith.constant 0 : i32
    %dma_start3A_40 = arith.constant 0 : i32
    %dma_start3A_41 = arith.constant 0 : i32
    %dma_start3A_42 = tpu.memref_slice %arg6[%dma_start3A_39, %dma_start3A_40, %dma_start3A_41] : memref<2x128x64xf32, #tpu.memory_space<vmem>> -> memref<1x128x64xf32, #tpu.memory_space<vmem>>
    %dma_start3A_43 = tpu.memref_squeeze %dma_start3A_42 : memref<1x128x64xf32, #tpu.memory_space<vmem>> -> memref<128x64xf32, #tpu.memory_space<vmem>>
    %dma_start3A_44 = arith.constant 0 : i32
    %dma_start3A_45 = tpu.memref_slice %arg4[%add3A_38, %dma_start3A_44] : memref<106496x64xf32, #tpu.memory_space<hbm>> -> memref<128x64xf32, #tpu.memory_space<hbm>>
    %dma_start3A_46 = arith.constant 0 : i32
    %dma_start3A_47 = tpu.memref_slice %arg4[%add3A_38, %dma_start3A_46] : memref<106496x64xf32, #tpu.memory_space<hbm>> -> memref<128x64xf32, #tpu.memory_space<hbm>>
    %dma_start3A_48 = arith.constant 0 : i32
    %dma_start3A_49 = arith.constant 0 : i32
    %dma_start3A_50 = tpu.memref_slice %arg6[%dma_start3A_39, %dma_start3A_48, %dma_start3A_49] : memref<2x128x64xf32, #tpu.memory_space<vmem>> -> memref<1x128x64xf32, #tpu.memory_space<vmem>>
    %dma_start3A_51 = tpu.memref_squeeze %dma_start3A_50 : memref<1x128x64xf32, #tpu.memory_space<vmem>> -> memref<128x64xf32, #tpu.memory_space<vmem>>
    tpu.enqueue_dma source(%dma_start3A_51 : memref<128x64xf32, #tpu.memory_space<vmem>>) target(%dma_start3A_47 : memref<128x64xf32, #tpu.memory_space<hbm>>) target_semaphore(%arg9 : memref<!tpu.dma_semaphore, #tpu.memory_space<semaphore_mem>>)
    %dma_wait3A_52 = arith.constant 0 : i32
    %dma_wait3A_53 = arith.constant 0 : i32
    %dma_wait3A_54 = arith.constant 0 : i32
    %dma_wait3A_55 = tpu.memref_slice %arg6[%dma_wait3A_52, %dma_wait3A_53, %dma_wait3A_54] : memref<2x128x64xf32, #tpu.memory_space<vmem>> -> memref<1x128x64xf32, #tpu.memory_space<vmem>>
    %dma_wait3A_56 = tpu.memref_squeeze %dma_wait3A_55 : memref<1x128x64xf32, #tpu.memory_space<vmem>> -> memref<128x64xf32, #tpu.memory_space<vmem>>
    %dma_wait3A_57 = arith.constant 0 : i32
    %dma_wait3A_58 = tpu.memref_slice %arg4[%add3A_38, %dma_wait3A_57] : memref<106496x64xf32, #tpu.memory_space<hbm>> -> memref<128x64xf32, #tpu.memory_space<hbm>>
    %dma_wait3A_59 = arith.constant 0 : i32
    %dma_wait3A_60 = tpu.memref_slice %arg4[%add3A_38, %dma_wait3A_59] : memref<106496x64xf32, #tpu.memory_space<hbm>> -> memref<128x64xf32, #tpu.memory_space<hbm>>
    %dma_wait3A_61 = arith.constant 0 : i32
    %dma_wait3A_62 = arith.constant 0 : i32
    %dma_wait3A_63 = tpu.memref_slice %arg6[%dma_wait3A_52, %dma_wait3A_61, %dma_wait3A_62] : memref<2x128x64xf32, #tpu.memory_space<vmem>> -> memref<1x128x64xf32, #tpu.memory_space<vmem>>
    %dma_wait3A_64 = tpu.memref_squeeze %dma_wait3A_63 : memref<1x128x64xf32, #tpu.memory_space<vmem>> -> memref<128x64xf32, #tpu.memory_space<vmem>>
    tpu.wait_dma2 semaphore(%arg9 : memref<!tpu.dma_semaphore, #tpu.memory_space<semaphore_mem>>) src(%dma_wait3A_64 : memref<128x64xf32, #tpu.memory_space<vmem>>) dst(%dma_wait3A_60 : memref<128x64xf32, #tpu.memory_space<hbm>>)
    %dma_start3A_65 = arith.constant 2 : i32
    %dma_start3A_66 = arith.constant 0 : i32
    %dma_start3A_67 = arith.constant 0 : i32
    %dma_start3A_68 = arith.constant 0 : i32
    %dma_start3A_69 = tpu.memref_slice %arg6[%dma_start3A_66, %dma_start3A_67, %dma_start3A_68] : memref<2x128x64xf32, #tpu.memory_space<vmem>> -> memref<1x128x64xf32, #tpu.memory_space<vmem>>
    %dma_start3A_70 = tpu.memref_squeeze %dma_start3A_69 : memref<1x128x64xf32, #tpu.memory_space<vmem>> -> memref<128x64xf32, #tpu.memory_space<vmem>>
    %dma_start3A_71 = arith.constant 0 : i32
    %dma_start3A_72 = tpu.memref_slice %arg5[%dma_start3A_65, %dma_start3A_71] : memref<26x128xi32, #tpu.memory_space<vmem>> -> memref<1x128xi32, #tpu.memory_space<vmem>>
    %dma_start3A_73 = tpu.memref_squeeze %dma_start3A_72 : memref<1x128xi32, #tpu.memory_space<vmem>> -> memref<128xi32, #tpu.memory_space<vmem>>
    %dma_start3A_74 = arith.constant 0 : i32
    %dma_start3A_75 = arith.constant 0 : i32
    %dma_start3A_76 = tpu.memref_slice %arg3[%dma_start3A_74, %dma_start3A_75] : memref<2600000x64xf32, #tpu.memory_space<hbm>> -> memref<2600000x64xf32, #tpu.memory_space<hbm>>
    tpu.enqueue_indirect_dma source(%dma_start3A_76 : memref<2600000x64xf32, #tpu.memory_space<hbm>>) target(%dma_start3A_70 : memref<128x64xf32, #tpu.memory_space<vmem>>) offsets(%dma_start3A_73 : memref<128xi32, #tpu.memory_space<vmem>>) semaphore(%arg7 : memref<!tpu.dma_semaphore, #tpu.memory_space<semaphore_mem>>)
    %dma_wait3A_77 = arith.constant 1 : i32
    %dma_wait3A_78 = arith.constant 1 : i32
    %dma_wait3A_79 = arith.constant 0 : i32
    %dma_wait3A_80 = arith.constant 0 : i32
    %dma_wait3A_81 = tpu.memref_slice %arg6[%dma_wait3A_78, %dma_wait3A_79, %dma_wait3A_80] : memref<2x128x64xf32, #tpu.memory_space<vmem>> -> memref<1x128x64xf32, #tpu.memory_space<vmem>>
    %dma_wait3A_82 = tpu.memref_squeeze %dma_wait3A_81 : memref<1x128x64xf32, #tpu.memory_space<vmem>> -> memref<128x64xf32, #tpu.memory_space<vmem>>
    %dma_wait3A_83 = arith.constant 0 : i32
    %dma_wait3A_84 = tpu.memref_slice %arg5[%dma_wait3A_77, %dma_wait3A_83] : memref<26x128xi32, #tpu.memory_space<vmem>> -> memref<1x128xi32, #tpu.memory_space<vmem>>
    %dma_wait3A_85 = tpu.memref_squeeze %dma_wait3A_84 : memref<1x128xi32, #tpu.memory_space<vmem>> -> memref<128xi32, #tpu.memory_space<vmem>>
    %dma_wait3A_86 = arith.constant 0 : i32
    %dma_wait3A_87 = arith.constant 0 : i32
    %dma_wait3A_88 = tpu.memref_slice %arg3[%dma_wait3A_86, %dma_wait3A_87] : memref<2600000x64xf32, #tpu.memory_space<hbm>> -> memref<2600000x64xf32, #tpu.memory_space<hbm>>
    tpu.wait_indirect_dma semaphore(%arg8 : memref<!tpu.dma_semaphore, #tpu.memory_space<semaphore_mem>>) src(%dma_wait3A_88 : memref<2600000x64xf32, #tpu.memory_space<hbm>>) dst(%dma_wait3A_82 : memref<128x64xf32, #tpu.memory_space<vmem>>)
    %mul3A_89 = arith.constant 3328 : i32
    %mul3A_90 = arith.muli %add3A, %mul3A_89 : i32
    %add3A_91 = arith.constant 128 : i32
    %add3A_92 = arith.addi %mul3A_90, %add3A_91 : i32
    %dma_start3A_93 = arith.constant 1 : i32
    %dma_start3A_94 = arith.constant 0 : i32
    %dma_start3A_95 = arith.constant 0 : i32
    %dma_start3A_96 = tpu.memref_slice %arg6[%dma_start3A_93, %dma_start3A_94, %dma_start3A_95] : memref<2x128x64xf32, #tpu.memory_space<vmem>> -> memref<1x128x64xf32, #tpu.memory_space<vmem>>
    %dma_start3A_97 = tpu.memref_squeeze %dma_start3A_96 : memref<1x128x64xf32, #tpu.memory_space<vmem>> -> memref<128x64xf32, #tpu.memory_space<vmem>>
    %dma_start3A_98 = arith.constant 0 : i32
    %dma_start3A_99 = tpu.memref_slice %arg4[%add3A_92, %dma_start3A_98] : memref<106496x64xf32, #tpu.memory_space<hbm>> -> memref<128x64xf32, #tpu.memory_space<hbm>>
    %dma_start3A_100 = arith.constant 0 : i32
    %dma_start3A_101 = tpu.memref_slice %arg4[%add3A_92, %dma_start3A_100] : memref<106496x64xf32, #tpu.memory_space<hbm>> -> memref<128x64xf32, #tpu.memory_space<hbm>>
    %dma_start3A_102 = arith.constant 0 : i32
    %dma_start3A_103 = arith.constant 0 : i32
    %dma_start3A_104 = tpu.memref_slice %arg6[%dma_start3A_93, %dma_start3A_102, %dma_start3A_103] : memref<2x128x64xf32, #tpu.memory_space<vmem>> -> memref<1x128x64xf32, #tpu.memory_space<vmem>>
    %dma_start3A_105 = tpu.memref_squeeze %dma_start3A_104 : memref<1x128x64xf32, #tpu.memory_space<vmem>> -> memref<128x64xf32, #tpu.memory_space<vmem>>
    tpu.enqueue_dma source(%dma_start3A_105 : memref<128x64xf32, #tpu.memory_space<vmem>>) target(%dma_start3A_101 : memref<128x64xf32, #tpu.memory_space<hbm>>) target_semaphore(%arg10 : memref<!tpu.dma_semaphore, #tpu.memory_space<semaphore_mem>>)
    %dma_wait3A_106 = arith.constant 1 : i32
    %dma_wait3A_107 = arith.constant 0 : i32
    %dma_wait3A_108 = arith.constant 0 : i32
    %dma_wait3A_109 = tpu.memref_slice %arg6[%dma_wait3A_106, %dma_wait3A_107, %dma_wait3A_108] : memref<2x128x64xf32, #tpu.memory_space<vmem>> -> memref<1x128x64xf32, #tpu.memory_space<vmem>>
    %dma_wait3A_110 = tpu.memref_squeeze %dma_wait3A_109 : memref<1x128x64xf32, #tpu.memory_space<vmem>> -> memref<128x64xf32, #tpu.memory_space<vmem>>
    %dma_wait3A_111 = arith.constant 0 : i32
    %dma_wait3A_112 = tpu.memref_slice %arg4[%add3A_92, %dma_wait3A_111] : memref<106496x64xf32, #tpu.memory_space<hbm>> -> memref<128x64xf32, #tpu.memory_space<hbm>>
    %dma_wait3A_113 = arith.constant 0 : i32
    %dma_wait3A_114 = tpu.memref_slice %arg4[%add3A_92, %dma_wait3A_113] : memref<106496x64xf32, #tpu.memory_space<hbm>> -> memref<128x64xf32, #tpu.memory_space<hbm>>
    %dma_wait3A_115 = arith.constant 0 : i32
    %dma_wait3A_116 = arith.constant 0 : i32
    %dma_wait3A_117 = tpu.memref_slice %arg6[%dma_wait3A_106, %dma_wait3A_115, %dma_wait3A_116] : memref<2x128x64xf32, #tpu.memory_space<vmem>> -> memref<1x128x64xf32, #tpu.memory_space<vmem>>
    %dma_wait3A_118 = tpu.memref_squeeze %dma_wait3A_117 : memref<1x128x64xf32, #tpu.memory_space<vmem>> -> memref<128x64xf32, #tpu.memory_space<vmem>>
    tpu.wait_dma2 semaphore(%arg10 : memref<!tpu.dma_semaphore, #tpu.memory_space<semaphore_mem>>) src(%dma_wait3A_118 : memref<128x64xf32, #tpu.memory_space<vmem>>) dst(%dma_wait3A_114 : memref<128x64xf32, #tpu.memory_space<hbm>>)
    %dma_start3A_119 = arith.constant 3 : i32
    %dma_start3A_120 = arith.constant 1 : i32
    %dma_start3A_121 = arith.constant 0 : i32
    %dma_start3A_122 = arith.constant 0 : i32
    %dma_start3A_123 = tpu.memref_slice %arg6[%dma_start3A_120, %dma_start3A_121, %dma_start3A_122] : memref<2x128x64xf32, #tpu.memory_space<vmem>> -> memref<1x128x64xf32, #tpu.memory_space<vmem>>
    %dma_start3A_124 = tpu.memref_squeeze %dma_start3A_123 : memref<1x128x64xf32, #tpu.memory_space<vmem>> -> memref<128x64xf32, #tpu.memory_space<vmem>>
    %dma_start3A_125 = arith.constant 0 : i32
    %dma_start3A_126 = tpu.memref_slice %arg5[%dma_start3A_119, %dma_start3A_125] : memref<26x128xi32, #tpu.memory_space<vmem>> -> memref<1x128xi32, #tpu.memory_space<vmem>>
    %dma_start3A_127 = tpu.memref_squeeze %dma_start3A_126 : memref<1x128xi32, #tpu.memory_space<vmem>> -> memref<128xi32, #tpu.memory_space<vmem>>
    %dma_start3A_128 = arith.constant 0 : i32
    %dma_start3A_129 = arith.constant 0 : i32
    %dma_start3A_130 = tpu.memref_slice %arg3[%dma_start3A_128, %dma_start3A_129] : memref<2600000x64xf32, #tpu.memory_space<hbm>> -> memref<2600000x64xf32, #tpu.memory_space<hbm>>
    tpu.enqueue_indirect_dma source(%dma_start3A_130 : memref<2600000x64xf32, #tpu.memory_space<hbm>>) target(%dma_start3A_124 : memref<128x64xf32, #tpu.memory_space<vmem>>) offsets(%dma_start3A_127 : memref<128xi32, #tpu.memory_space<vmem>>) semaphore(%arg8 : memref<!tpu.dma_semaphore, #tpu.memory_space<semaphore_mem>>)
    %dma_wait3A_131 = arith.constant 2 : i32
    %dma_wait3A_132 = arith.constant 0 : i32
    %dma_wait3A_133 = arith.constant 0 : i32
    %dma_wait3A_134 = arith.constant 0 : i32
    %dma_wait3A_135 = tpu.memref_slice %arg6[%dma_wait3A_132, %dma_wait3A_133, %dma_wait3A_134] : memref<2x128x64xf32, #tpu.memory_space<vmem>> -> memref<1x128x64xf32, #tpu.memory_space<vmem>>
    %dma_wait3A_136 = tpu.memref_squeeze %dma_wait3A_135 : memref<1x128x64xf32, #tpu.memory_space<vmem>> -> memref<128x64xf32, #tpu.memory_space<vmem>>
    %dma_wait3A_137 = arith.constant 0 : i32
    %dma_wait3A_138 = tpu.memref_slice %arg5[%dma_wait3A_131, %dma_wait3A_137] : memref<26x128xi32, #tpu.memory_space<vmem>> -> memref<1x128xi32, #tpu.memory_space<vmem>>
    %dma_wait3A_139 = tpu.memref_squeeze %dma_wait3A_138 : memref<1x128xi32, #tpu.memory_space<vmem>> -> memref<128xi32, #tpu.memory_space<vmem>>
    %dma_wait3A_140 = arith.constant 0 : i32
    %dma_wait3A_141 = arith.constant 0 : i32
    %dma_wait3A_142 = tpu.memref_slice %arg3[%dma_wait3A_140, %dma_wait3A_141] : memref<2600000x64xf32, #tpu.memory_space<hbm>> -> memref<2600000x64xf32, #tpu.memory_space<hbm>>
    tpu.wait_indirect_dma semaphore(%arg7 : memref<!tpu.dma_semaphore, #tpu.memory_space<semaphore_mem>>) src(%dma_wait3A_142 : memref<2600000x64xf32, #tpu.memory_space<hbm>>) dst(%dma_wait3A_136 : memref<128x64xf32, #tpu.memory_space<vmem>>)
    %mul3A_143 = arith.constant 3328 : i32
    %mul3A_144 = arith.muli %add3A, %mul3A_143 : i32
    %add3A_145 = arith.constant 256 : i32
    %add3A_146 = arith.addi %mul3A_144, %add3A_145 : i32
    %dma_start3A_147 = arith.constant 0 : i32
    %dma_start3A_148 = arith.constant 0 : i32
    %dma_start3A_149 = arith.constant 0 : i32
    %dma_start3A_150 = tpu.memref_slice %arg6[%dma_start3A_147, %dma_start3A_148, %dma_start3A_149] : memref<2x128x64xf32, #tpu.memory_space<vmem>> -> memref<1x128x64xf32, #tpu.memory_space<vmem>>
    %dma_start3A_151 = tpu.memref_squeeze %dma_start3A_150 : memref<1x128x64xf32, #tpu.memory_space<vmem>> -> memref<128x64xf32, #tpu.memory_space<vmem>>
    %dma_start3A_152 = arith.constant 0 : i32
    %dma_start3A_153 = tpu.memref_slice %arg4[%add3A_146, %dma_start3A_152] : memref<106496x64xf32, #tpu.memory_space<hbm>> -> memref<128x64xf32, #tpu.memory_space<hbm>>
    %dma_start3A_154 = arith.constant 0 : i32
    %dma_start3A_155 = tpu.memref_slice %arg4[%add3A_146, %dma_start3A_154] : memref<106496x64xf32, #tpu.memory_space<hbm>> -> memref<128x64xf32, #tpu.memory_space<hbm>>
    %dma_start3A_156 = arith.constant 0 : i32
    %dma_start3A_157 = arith.constant 0 : i32
    %dma_start3A_158 = tpu.memref_slice %arg6[%dma_start3A_147, %dma_start3A_156, %dma_start3A_157] : memref<2x128x64xf32, #tpu.memory_space<vmem>> -> memref<1x128x64xf32, #tpu.memory_space<vmem>>
    %dma_start3A_159 = tpu.memref_squeeze %dma_start3A_158 : memref<1x128x64xf32, #tpu.memory_space<vmem>> -> memref<128x64xf32, #tpu.memory_space<vmem>>
    tpu.enqueue_dma source(%dma_start3A_159 : memref<128x64xf32, #tpu.memory_space<vmem>>) target(%dma_start3A_155 : memref<128x64xf32, #tpu.memory_space<hbm>>) target_semaphore(%arg9 : memref<!tpu.dma_semaphore, #tpu.memory_space<semaphore_mem>>)
    %dma_wait3A_160 = arith.constant 0 : i32
    %dma_wait3A_161 = arith.constant 0 : i32
    %dma_wait3A_162 = arith.constant 0 : i32
    %dma_wait3A_163 = tpu.memref_slice %arg6[%dma_wait3A_160, %dma_wait3A_161, %dma_wait3A_162] : memref<2x128x64xf32, #tpu.memory_space<vmem>> -> memref<1x128x64xf32, #tpu.memory_space<vmem>>
    %dma_wait3A_164 = tpu.memref_squeeze %dma_wait3A_163 : memref<1x128x64xf32, #tpu.memory_space<vmem>> -> memref<128x64xf32, #tpu.memory_space<vmem>>
    %dma_wait3A_165 = arith.constant 0 : i32
    %dma_wait3A_166 = tpu.memref_slice %arg4[%add3A_146, %dma_wait3A_165] : memref<106496x64xf32, #tpu.memory_space<hbm>> -> memref<128x64xf32, #tpu.memory_space<hbm>>
    %dma_wait3A_167 = arith.constant 0 : i32
    %dma_wait3A_168 = tpu.memref_slice %arg4[%add3A_146, %dma_wait3A_167] : memref<106496x64xf32, #tpu.memory_space<hbm>> -> memref<128x64xf32, #tpu.memory_space<hbm>>
    %dma_wait3A_169 = arith.constant 0 : i32
    %dma_wait3A_170 = arith.constant 0 : i32
    %dma_wait3A_171 = tpu.memref_slice %arg6[%dma_wait3A_160, %dma_wait3A_169, %dma_wait3A_170] : memref<2x128x64xf32, #tpu.memory_space<vmem>> -> memref<1x128x64xf32, #tpu.memory_space<vmem>>
    %dma_wait3A_172 = tpu.memref_squeeze %dma_wait3A_171 : memref<1x128x64xf32, #tpu.memory_space<vmem>> -> memref<128x64xf32, #tpu.memory_space<vmem>>
    tpu.wait_dma2 semaphore(%arg9 : memref<!tpu.dma_semaphore, #tpu.memory_space<semaphore_mem>>) src(%dma_wait3A_172 : memref<128x64xf32, #tpu.memory_space<vmem>>) dst(%dma_wait3A_168 : memref<128x64xf32, #tpu.memory_space<hbm>>)
    %dma_start3A_173 = arith.constant 4 : i32
    %dma_start3A_174 = arith.constant 0 : i32
    %dma_start3A_175 = arith.constant 0 : i32
    %dma_start3A_176 = arith.constant 0 : i32
    %dma_start3A_177 = tpu.memref_slice %arg6[%dma_start3A_174, %dma_start3A_175, %dma_start3A_176] : memref<2x128x64xf32, #tpu.memory_space<vmem>> -> memref<1x128x64xf32, #tpu.memory_space<vmem>>
    %dma_start3A_178 = tpu.memref_squeeze %dma_start3A_177 : memref<1x128x64xf32, #tpu.memory_space<vmem>> -> memref<128x64xf32, #tpu.memory_space<vmem>>
    %dma_start3A_179 = arith.constant 0 : i32
    %dma_start3A_180 = tpu.memref_slice %arg5[%dma_start3A_173, %dma_start3A_179] : memref<26x128xi32, #tpu.memory_space<vmem>> -> memref<1x128xi32, #tpu.memory_space<vmem>>
    %dma_start3A_181 = tpu.memref_squeeze %dma_start3A_180 : memref<1x128xi32, #tpu.memory_space<vmem>> -> memref<128xi32, #tpu.memory_space<vmem>>
    %dma_start3A_182 = arith.constant 0 : i32
    %dma_start3A_183 = arith.constant 0 : i32
    %dma_start3A_184 = tpu.memref_slice %arg3[%dma_start3A_182, %dma_start3A_183] : memref<2600000x64xf32, #tpu.memory_space<hbm>> -> memref<2600000x64xf32, #tpu.memory_space<hbm>>
    tpu.enqueue_indirect_dma source(%dma_start3A_184 : memref<2600000x64xf32, #tpu.memory_space<hbm>>) target(%dma_start3A_178 : memref<128x64xf32, #tpu.memory_space<vmem>>) offsets(%dma_start3A_181 : memref<128xi32, #tpu.memory_space<vmem>>) semaphore(%arg7 : memref<!tpu.dma_semaphore, #tpu.memory_space<semaphore_mem>>)
    %dma_wait3A_185 = arith.constant 3 : i32
    %dma_wait3A_186 = arith.constant 1 : i32
    %dma_wait3A_187 = arith.constant 0 : i32
    %dma_wait3A_188 = arith.constant 0 : i32
    %dma_wait3A_189 = tpu.memref_slice %arg6[%dma_wait3A_186, %dma_wait3A_187, %dma_wait3A_188] : memref<2x128x64xf32, #tpu.memory_space<vmem>> -> memref<1x128x64xf32, #tpu.memory_space<vmem>>
    %dma_wait3A_190 = tpu.memref_squeeze %dma_wait3A_189 : memref<1x128x64xf32, #tpu.memory_space<vmem>> -> memref<128x64xf32, #tpu.memory_space<vmem>>
    %dma_wait3A_191 = arith.constant 0 : i32
    %dma_wait3A_192 = tpu.memref_slice %arg5[%dma_wait3A_185, %dma_wait3A_191] : memref<26x128xi32, #tpu.memory_space<vmem>> -> memref<1x128xi32, #tpu.memory_space<vmem>>
    %dma_wait3A_193 = tpu.memref_squeeze %dma_wait3A_192 : memref<1x128xi32, #tpu.memory_space<vmem>> -> memref<128xi32, #tpu.memory_space<vmem>>
    %dma_wait3A_194 = arith.constant 0 : i32
    %dma_wait3A_195 = arith.constant 0 : i32
    %dma_wait3A_196 = tpu.memref_slice %arg3[%dma_wait3A_194, %dma_wait3A_195] : memref<2600000x64xf32, #tpu.memory_space<hbm>> -> memref<2600000x64xf32, #tpu.memory_space<hbm>>
    tpu.wait_indirect_dma semaphore(%arg8 : memref<!tpu.dma_semaphore, #tpu.memory_space<semaphore_mem>>) src(%dma_wait3A_196 : memref<2600000x64xf32, #tpu.memory_space<hbm>>) dst(%dma_wait3A_190 : memref<128x64xf32, #tpu.memory_space<vmem>>)
    %mul3A_197 = arith.constant 3328 : i32
    %mul3A_198 = arith.muli %add3A, %mul3A_197 : i32
    %add3A_199 = arith.constant 384 : i32
    %add3A_200 = arith.addi %mul3A_198, %add3A_199 : i32
    %dma_start3A_201 = arith.constant 1 : i32
    %dma_start3A_202 = arith.constant 0 : i32
    %dma_start3A_203 = arith.constant 0 : i32
    %dma_start3A_204 = tpu.memref_slice %arg6[%dma_start3A_201, %dma_start3A_202, %dma_start3A_203] : memref<2x128x64xf32, #tpu.memory_space<vmem>> -> memref<1x128x64xf32, #tpu.memory_space<vmem>>
    %dma_start3A_205 = tpu.memref_squeeze %dma_start3A_204 : memref<1x128x64xf32, #tpu.memory_space<vmem>> -> memref<128x64xf32, #tpu.memory_space<vmem>>
    %dma_start3A_206 = arith.constant 0 : i32
    %dma_start3A_207 = tpu.memref_slice %arg4[%add3A_200, %dma_start3A_206] : memref<106496x64xf32, #tpu.memory_space<hbm>> -> memref<128x64xf32, #tpu.memory_space<hbm>>
    %dma_start3A_208 = arith.constant 0 : i32
    %dma_start3A_209 = tpu.memref_slice %arg4[%add3A_200, %dma_start3A_208] : memref<106496x64xf32, #tpu.memory_space<hbm>> -> memref<128x64xf32, #tpu.memory_space<hbm>>
    %dma_start3A_210 = arith.constant 0 : i32
    %dma_start3A_211 = arith.constant 0 : i32
    %dma_start3A_212 = tpu.memref_slice %arg6[%dma_start3A_201, %dma_start3A_210, %dma_start3A_211] : memref<2x128x64xf32, #tpu.memory_space<vmem>> -> memref<1x128x64xf32, #tpu.memory_space<vmem>>
    %dma_start3A_213 = tpu.memref_squeeze %dma_start3A_212 : memref<1x128x64xf32, #tpu.memory_space<vmem>> -> memref<128x64xf32, #tpu.memory_space<vmem>>
    tpu.enqueue_dma source(%dma_start3A_213 : memref<128x64xf32, #tpu.memory_space<vmem>>) target(%dma_start3A_209 : memref<128x64xf32, #tpu.memory_space<hbm>>) target_semaphore(%arg10 : memref<!tpu.dma_semaphore, #tpu.memory_space<semaphore_mem>>)
    %dma_wait3A_214 = arith.constant 1 : i32
    %dma_wait3A_215 = arith.constant 0 : i32
    %dma_wait3A_216 = arith.constant 0 : i32
    %dma_wait3A_217 = tpu.memref_slice %arg6[%dma_wait3A_214, %dma_wait3A_215, %dma_wait3A_216] : memref<2x128x64xf32, #tpu.memory_space<vmem>> -> memref<1x128x64xf32, #tpu.memory_space<vmem>>
    %dma_wait3A_218 = tpu.memref_squeeze %dma_wait3A_217 : memref<1x128x64xf32, #tpu.memory_space<vmem>> -> memref<128x64xf32, #tpu.memory_space<vmem>>
    %dma_wait3A_219 = arith.constant 0 : i32
    %dma_wait3A_220 = tpu.memref_slice %arg4[%add3A_200, %dma_wait3A_219] : memref<106496x64xf32, #tpu.memory_space<hbm>> -> memref<128x64xf32, #tpu.memory_space<hbm>>
    %dma_wait3A_221 = arith.constant 0 : i32
    %dma_wait3A_222 = tpu.memref_slice %arg4[%add3A_200, %dma_wait3A_221] : memref<106496x64xf32, #tpu.memory_space<hbm>> -> memref<128x64xf32, #tpu.memory_space<hbm>>
    %dma_wait3A_223 = arith.constant 0 : i32
    %dma_wait3A_224 = arith.constant 0 : i32
    %dma_wait3A_225 = tpu.memref_slice %arg6[%dma_wait3A_214, %dma_wait3A_223, %dma_wait3A_224] : memref<2x128x64xf32, #tpu.memory_space<vmem>> -> memref<1x128x64xf32, #tpu.memory_space<vmem>>
    %dma_wait3A_226 = tpu.memref_squeeze %dma_wait3A_225 : memref<1x128x64xf32, #tpu.memory_space<vmem>> -> memref<128x64xf32, #tpu.memory_space<vmem>>
    tpu.wait_dma2 semaphore(%arg10 : memref<!tpu.dma_semaphore, #tpu.memory_space<semaphore_mem>>) src(%dma_wait3A_226 : memref<128x64xf32, #tpu.memory_space<vmem>>) dst(%dma_wait3A_222 : memref<128x64xf32, #tpu.memory_space<hbm>>)
    %dma_start3A_227 = arith.constant 5 : i32
    %dma_start3A_228 = arith.constant 1 : i32
    %dma_start3A_229 = arith.constant 0 : i32
    %dma_start3A_230 = arith.constant 0 : i32
    %dma_start3A_231 = tpu.memref_slice %arg6[%dma_start3A_228, %dma_start3A_229, %dma_start3A_230] : memref<2x128x64xf32, #tpu.memory_space<vmem>> -> memref<1x128x64xf32, #tpu.memory_space<vmem>>
    %dma_start3A_232 = tpu.memref_squeeze %dma_start3A_231 : memref<1x128x64xf32, #tpu.memory_space<vmem>> -> memref<128x64xf32, #tpu.memory_space<vmem>>
    %dma_start3A_233 = arith.constant 0 : i32
    %dma_start3A_234 = tpu.memref_slice %arg5[%dma_start3A_227, %dma_start3A_233] : memref<26x128xi32, #tpu.memory_space<vmem>> -> memref<1x128xi32, #tpu.memory_space<vmem>>
    %dma_start3A_235 = tpu.memref_squeeze %dma_start3A_234 : memref<1x128xi32, #tpu.memory_space<vmem>> -> memref<128xi32, #tpu.memory_space<vmem>>
    %dma_start3A_236 = arith.constant 0 : i32
    %dma_start3A_237 = arith.constant 0 : i32
    %dma_start3A_238 = tpu.memref_slice %arg3[%dma_start3A_236, %dma_start3A_237] : memref<2600000x64xf32, #tpu.memory_space<hbm>> -> memref<2600000x64xf32, #tpu.memory_space<hbm>>
    tpu.enqueue_indirect_dma source(%dma_start3A_238 : memref<2600000x64xf32, #tpu.memory_space<hbm>>) target(%dma_start3A_232 : memref<128x64xf32, #tpu.memory_space<vmem>>) offsets(%dma_start3A_235 : memref<128xi32, #tpu.memory_space<vmem>>) semaphore(%arg8 : memref<!tpu.dma_semaphore, #tpu.memory_space<semaphore_mem>>)
    %dma_wait3A_239 = arith.constant 4 : i32
    %dma_wait3A_240 = arith.constant 0 : i32
    %dma_wait3A_241 = arith.constant 0 : i32
    %dma_wait3A_242 = arith.constant 0 : i32
    %dma_wait3A_243 = tpu.memref_slice %arg6[%dma_wait3A_240, %dma_wait3A_241, %dma_wait3A_242] : memref<2x128x64xf32, #tpu.memory_space<vmem>> -> memref<1x128x64xf32, #tpu.memory_space<vmem>>
    %dma_wait3A_244 = tpu.memref_squeeze %dma_wait3A_243 : memref<1x128x64xf32, #tpu.memory_space<vmem>> -> memref<128x64xf32, #tpu.memory_space<vmem>>
    %dma_wait3A_245 = arith.constant 0 : i32
    %dma_wait3A_246 = tpu.memref_slice %arg5[%dma_wait3A_239, %dma_wait3A_245] : memref<26x128xi32, #tpu.memory_space<vmem>> -> memref<1x128xi32, #tpu.memory_space<vmem>>
    %dma_wait3A_247 = tpu.memref_squeeze %dma_wait3A_246 : memref<1x128xi32, #tpu.memory_space<vmem>> -> memref<128xi32, #tpu.memory_space<vmem>>
    %dma_wait3A_248 = arith.constant 0 : i32
    %dma_wait3A_249 = arith.constant 0 : i32
    %dma_wait3A_250 = tpu.memref_slice %arg3[%dma_wait3A_248, %dma_wait3A_249] : memref<2600000x64xf32, #tpu.memory_space<hbm>> -> memref<2600000x64xf32, #tpu.memory_space<hbm>>
    tpu.wait_indirect_dma semaphore(%arg7 : memref<!tpu.dma_semaphore, #tpu.memory_space<semaphore_mem>>) src(%dma_wait3A_250 : memref<2600000x64xf32, #tpu.memory_space<hbm>>) dst(%dma_wait3A_244 : memref<128x64xf32, #tpu.memory_space<vmem>>)
    %mul3A_251 = arith.constant 3328 : i32
    %mul3A_252 = arith.muli %add3A, %mul3A_251 : i32
    %add3A_253 = arith.constant 512 : i32
    %add3A_254 = arith.addi %mul3A_252, %add3A_253 : i32
    %dma_start3A_255 = arith.constant 0 : i32
    %dma_start3A_256 = arith.constant 0 : i32
    %dma_start3A_257 = arith.constant 0 : i32
    %dma_start3A_258 = tpu.memref_slice %arg6[%dma_start3A_255, %dma_start3A_256, %dma_start3A_257] : memref<2x128x64xf32, #tpu.memory_space<vmem>> -> memref<1x128x64xf32, #tpu.memory_space<vmem>>
    %dma_start3A_259 = tpu.memref_squeeze %dma_start3A_258 : memref<1x128x64xf32, #tpu.memory_space<vmem>> -> memref<128x64xf32, #tpu.memory_space<vmem>>
    %dma_start3A_260 = arith.constant 0 : i32
    %dma_start3A_261 = tpu.memref_slice %arg4[%add3A_254, %dma_start3A_260] : memref<106496x64xf32, #tpu.memory_space<hbm>> -> memref<128x64xf32, #tpu.memory_space<hbm>>
    %dma_start3A_262 = arith.constant 0 : i32
    %dma_start3A_263 = tpu.memref_slice %arg4[%add3A_254, %dma_start3A_262] : memref<106496x64xf32, #tpu.memory_space<hbm>> -> memref<128x64xf32, #tpu.memory_space<hbm>>
    %dma_start3A_264 = arith.constant 0 : i32
    %dma_start3A_265 = arith.constant 0 : i32
    %dma_start3A_266 = tpu.memref_slice %arg6[%dma_start3A_255, %dma_start3A_264, %dma_start3A_265] : memref<2x128x64xf32, #tpu.memory_space<vmem>> -> memref<1x128x64xf32, #tpu.memory_space<vmem>>
    %dma_start3A_267 = tpu.memref_squeeze %dma_start3A_266 : memref<1x128x64xf32, #tpu.memory_space<vmem>> -> memref<128x64xf32, #tpu.memory_space<vmem>>
    tpu.enqueue_dma source(%dma_start3A_267 : memref<128x64xf32, #tpu.memory_space<vmem>>) target(%dma_start3A_263 : memref<128x64xf32, #tpu.memory_space<hbm>>) target_semaphore(%arg9 : memref<!tpu.dma_semaphore, #tpu.memory_space<semaphore_mem>>)
    %dma_wait3A_268 = arith.constant 0 : i32
    %dma_wait3A_269 = arith.constant 0 : i32
    %dma_wait3A_270 = arith.constant 0 : i32
    %dma_wait3A_271 = tpu.memref_slice %arg6[%dma_wait3A_268, %dma_wait3A_269, %dma_wait3A_270] : memref<2x128x64xf32, #tpu.memory_space<vmem>> -> memref<1x128x64xf32, #tpu.memory_space<vmem>>
    %dma_wait3A_272 = tpu.memref_squeeze %dma_wait3A_271 : memref<1x128x64xf32, #tpu.memory_space<vmem>> -> memref<128x64xf32, #tpu.memory_space<vmem>>
    %dma_wait3A_273 = arith.constant 0 : i32
    %dma_wait3A_274 = tpu.memref_slice %arg4[%add3A_254, %dma_wait3A_273] : memref<106496x64xf32, #tpu.memory_space<hbm>> -> memref<128x64xf32, #tpu.memory_space<hbm>>
    %dma_wait3A_275 = arith.constant 0 : i32
    %dma_wait3A_276 = tpu.memref_slice %arg4[%add3A_254, %dma_wait3A_275] : memref<106496x64xf32, #tpu.memory_space<hbm>> -> memref<128x64xf32, #tpu.memory_space<hbm>>
    %dma_wait3A_277 = arith.constant 0 : i32
    %dma_wait3A_278 = arith.constant 0 : i32
    %dma_wait3A_279 = tpu.memref_slice %arg6[%dma_wait3A_268, %dma_wait3A_277, %dma_wait3A_278] : memref<2x128x64xf32, #tpu.memory_space<vmem>> -> memref<1x128x64xf32, #tpu.memory_space<vmem>>
    %dma_wait3A_280 = tpu.memref_squeeze %dma_wait3A_279 : memref<1x128x64xf32, #tpu.memory_space<vmem>> -> memref<128x64xf32, #tpu.memory_space<vmem>>
    tpu.wait_dma2 semaphore(%arg9 : memref<!tpu.dma_semaphore, #tpu.memory_space<semaphore_mem>>) src(%dma_wait3A_280 : memref<128x64xf32, #tpu.memory_space<vmem>>) dst(%dma_wait3A_276 : memref<128x64xf32, #tpu.memory_space<hbm>>)
    %dma_start3A_281 = arith.constant 6 : i32
    %dma_start3A_282 = arith.constant 0 : i32
    %dma_start3A_283 = arith.constant 0 : i32
    %dma_start3A_284 = arith.constant 0 : i32
    %dma_start3A_285 = tpu.memref_slice %arg6[%dma_start3A_282, %dma_start3A_283, %dma_start3A_284] : memref<2x128x64xf32, #tpu.memory_space<vmem>> -> memref<1x128x64xf32, #tpu.memory_space<vmem>>
    %dma_start3A_286 = tpu.memref_squeeze %dma_start3A_285 : memref<1x128x64xf32, #tpu.memory_space<vmem>> -> memref<128x64xf32, #tpu.memory_space<vmem>>
    %dma_start3A_287 = arith.constant 0 : i32
    %dma_start3A_288 = tpu.memref_slice %arg5[%dma_start3A_281, %dma_start3A_287] : memref<26x128xi32, #tpu.memory_space<vmem>> -> memref<1x128xi32, #tpu.memory_space<vmem>>
    %dma_start3A_289 = tpu.memref_squeeze %dma_start3A_288 : memref<1x128xi32, #tpu.memory_space<vmem>> -> memref<128xi32, #tpu.memory_space<vmem>>
    %dma_start3A_290 = arith.constant 0 : i32
    %dma_start3A_291 = arith.constant 0 : i32
    %dma_start3A_292 = tpu.memref_slice %arg3[%dma_start3A_290, %dma_start3A_291] : memref<2600000x64xf32, #tpu.memory_space<hbm>> -> memref<2600000x64xf32, #tpu.memory_space<hbm>>
    tpu.enqueue_indirect_dma source(%dma_start3A_292 : memref<2600000x64xf32, #tpu.memory_space<hbm>>) target(%dma_start3A_286 : memref<128x64xf32, #tpu.memory_space<vmem>>) offsets(%dma_start3A_289 : memref<128xi32, #tpu.memory_space<vmem>>) semaphore(%arg7 : memref<!tpu.dma_semaphore, #tpu.memory_space<semaphore_mem>>)
    %dma_wait3A_293 = arith.constant 5 : i32
    %dma_wait3A_294 = arith.constant 1 : i32
    %dma_wait3A_295 = arith.constant 0 : i32
    %dma_wait3A_296 = arith.constant 0 : i32
    %dma_wait3A_297 = tpu.memref_slice %arg6[%dma_wait3A_294, %dma_wait3A_295, %dma_wait3A_296] : memref<2x128x64xf32, #tpu.memory_space<vmem>> -> memref<1x128x64xf32, #tpu.memory_space<vmem>>
    %dma_wait3A_298 = tpu.memref_squeeze %dma_wait3A_297 : memref<1x128x64xf32, #tpu.memory_space<vmem>> -> memref<128x64xf32, #tpu.memory_space<vmem>>
    %dma_wait3A_299 = arith.constant 0 : i32
    %dma_wait3A_300 = tpu.memref_slice %arg5[%dma_wait3A_293, %dma_wait3A_299] : memref<26x128xi32, #tpu.memory_space<vmem>> -> memref<1x128xi32, #tpu.memory_space<vmem>>
    %dma_wait3A_301 = tpu.memref_squeeze %dma_wait3A_300 : memref<1x128xi32, #tpu.memory_space<vmem>> -> memref<128xi32, #tpu.memory_space<vmem>>
    %dma_wait3A_302 = arith.constant 0 : i32
    %dma_wait3A_303 = arith.constant 0 : i32
    %dma_wait3A_304 = tpu.memref_slice %arg3[%dma_wait3A_302, %dma_wait3A_303] : memref<2600000x64xf32, #tpu.memory_space<hbm>> -> memref<2600000x64xf32, #tpu.memory_space<hbm>>
    tpu.wait_indirect_dma semaphore(%arg8 : memref<!tpu.dma_semaphore, #tpu.memory_space<semaphore_mem>>) src(%dma_wait3A_304 : memref<2600000x64xf32, #tpu.memory_space<hbm>>) dst(%dma_wait3A_298 : memref<128x64xf32, #tpu.memory_space<vmem>>)
    %mul3A_305 = arith.constant 3328 : i32
    %mul3A_306 = arith.muli %add3A, %mul3A_305 : i32
    %add3A_307 = arith.constant 640 : i32
    %add3A_308 = arith.addi %mul3A_306, %add3A_307 : i32
    %dma_start3A_309 = arith.constant 1 : i32
    %dma_start3A_310 = arith.constant 0 : i32
    %dma_start3A_311 = arith.constant 0 : i32
    %dma_start3A_312 = tpu.memref_slice %arg6[%dma_start3A_309, %dma_start3A_310, %dma_start3A_311] : memref<2x128x64xf32, #tpu.memory_space<vmem>> -> memref<1x128x64xf32, #tpu.memory_space<vmem>>
    %dma_start3A_313 = tpu.memref_squeeze %dma_start3A_312 : memref<1x128x64xf32, #tpu.memory_space<vmem>> -> memref<128x64xf32, #tpu.memory_space<vmem>>
    %dma_start3A_314 = arith.constant 0 : i32
    %dma_start3A_315 = tpu.memref_slice %arg4[%add3A_308, %dma_start3A_314] : memref<106496x64xf32, #tpu.memory_space<hbm>> -> memref<128x64xf32, #tpu.memory_space<hbm>>
    %dma_start3A_316 = arith.constant 0 : i32
    %dma_start3A_317 = tpu.memref_slice %arg4[%add3A_308, %dma_start3A_316] : memref<106496x64xf32, #tpu.memory_space<hbm>> -> memref<128x64xf32, #tpu.memory_space<hbm>>
    %dma_start3A_318 = arith.constant 0 : i32
    %dma_start3A_319 = arith.constant 0 : i32
    %dma_start3A_320 = tpu.memref_slice %arg6[%dma_start3A_309, %dma_start3A_318, %dma_start3A_319] : memref<2x128x64xf32, #tpu.memory_space<vmem>> -> memref<1x128x64xf32, #tpu.memory_space<vmem>>
    %dma_start3A_321 = tpu.memref_squeeze %dma_start3A_320 : memref<1x128x64xf32, #tpu.memory_space<vmem>> -> memref<128x64xf32, #tpu.memory_space<vmem>>
    tpu.enqueue_dma source(%dma_start3A_321 : memref<128x64xf32, #tpu.memory_space<vmem>>) target(%dma_start3A_317 : memref<128x64xf32, #tpu.memory_space<hbm>>) target_semaphore(%arg10 : memref<!tpu.dma_semaphore, #tpu.memory_space<semaphore_mem>>)
    %dma_wait3A_322 = arith.constant 1 : i32
    %dma_wait3A_323 = arith.constant 0 : i32
    %dma_wait3A_324 = arith.constant 0 : i32
    %dma_wait3A_325 = tpu.memref_slice %arg6[%dma_wait3A_322, %dma_wait3A_323, %dma_wait3A_324] : memref<2x128x64xf32, #tpu.memory_space<vmem>> -> memref<1x128x64xf32, #tpu.memory_space<vmem>>
    %dma_wait3A_326 = tpu.memref_squeeze %dma_wait3A_325 : memref<1x128x64xf32, #tpu.memory_space<vmem>> -> memref<128x64xf32, #tpu.memory_space<vmem>>
    %dma_wait3A_327 = arith.constant 0 : i32
    %dma_wait3A_328 = tpu.memref_slice %arg4[%add3A_308, %dma_wait3A_327] : memref<106496x64xf32, #tpu.memory_space<hbm>> -> memref<128x64xf32, #tpu.memory_space<hbm>>
    %dma_wait3A_329 = arith.constant 0 : i32
    %dma_wait3A_330 = tpu.memref_slice %arg4[%add3A_308, %dma_wait3A_329] : memref<106496x64xf32, #tpu.memory_space<hbm>> -> memref<128x64xf32, #tpu.memory_space<hbm>>
    %dma_wait3A_331 = arith.constant 0 : i32
    %dma_wait3A_332 = arith.constant 0 : i32
    %dma_wait3A_333 = tpu.memref_slice %arg6[%dma_wait3A_322, %dma_wait3A_331, %dma_wait3A_332] : memref<2x128x64xf32, #tpu.memory_space<vmem>> -> memref<1x128x64xf32, #tpu.memory_space<vmem>>
    %dma_wait3A_334 = tpu.memref_squeeze %dma_wait3A_333 : memref<1x128x64xf32, #tpu.memory_space<vmem>> -> memref<128x64xf32, #tpu.memory_space<vmem>>
    tpu.wait_dma2 semaphore(%arg10 : memref<!tpu.dma_semaphore, #tpu.memory_space<semaphore_mem>>) src(%dma_wait3A_334 : memref<128x64xf32, #tpu.memory_space<vmem>>) dst(%dma_wait3A_330 : memref<128x64xf32, #tpu.memory_space<hbm>>)
    %dma_start3A_335 = arith.constant 7 : i32
    %dma_start3A_336 = arith.constant 1 : i32
    %dma_start3A_337 = arith.constant 0 : i32
    %dma_start3A_338 = arith.constant 0 : i32
    %dma_start3A_339 = tpu.memref_slice %arg6[%dma_start3A_336, %dma_start3A_337, %dma_start3A_338] : memref<2x128x64xf32, #tpu.memory_space<vmem>> -> memref<1x128x64xf32, #tpu.memory_space<vmem>>
    %dma_start3A_340 = tpu.memref_squeeze %dma_start3A_339 : memref<1x128x64xf32, #tpu.memory_space<vmem>> -> memref<128x64xf32, #tpu.memory_space<vmem>>
    %dma_start3A_341 = arith.constant 0 : i32
    %dma_start3A_342 = tpu.memref_slice %arg5[%dma_start3A_335, %dma_start3A_341] : memref<26x128xi32, #tpu.memory_space<vmem>> -> memref<1x128xi32, #tpu.memory_space<vmem>>
    %dma_start3A_343 = tpu.memref_squeeze %dma_start3A_342 : memref<1x128xi32, #tpu.memory_space<vmem>> -> memref<128xi32, #tpu.memory_space<vmem>>
    %dma_start3A_344 = arith.constant 0 : i32
    %dma_start3A_345 = arith.constant 0 : i32
    %dma_start3A_346 = tpu.memref_slice %arg3[%dma_start3A_344, %dma_start3A_345] : memref<2600000x64xf32, #tpu.memory_space<hbm>> -> memref<2600000x64xf32, #tpu.memory_space<hbm>>
    tpu.enqueue_indirect_dma source(%dma_start3A_346 : memref<2600000x64xf32, #tpu.memory_space<hbm>>) target(%dma_start3A_340 : memref<128x64xf32, #tpu.memory_space<vmem>>) offsets(%dma_start3A_343 : memref<128xi32, #tpu.memory_space<vmem>>) semaphore(%arg8 : memref<!tpu.dma_semaphore, #tpu.memory_space<semaphore_mem>>)
    %dma_wait3A_347 = arith.constant 6 : i32
    %dma_wait3A_348 = arith.constant 0 : i32
    %dma_wait3A_349 = arith.constant 0 : i32
    %dma_wait3A_350 = arith.constant 0 : i32
    %dma_wait3A_351 = tpu.memref_slice %arg6[%dma_wait3A_348, %dma_wait3A_349, %dma_wait3A_350] : memref<2x128x64xf32, #tpu.memory_space<vmem>> -> memref<1x128x64xf32, #tpu.memory_space<vmem>>
    %dma_wait3A_352 = tpu.memref_squeeze %dma_wait3A_351 : memref<1x128x64xf32, #tpu.memory_space<vmem>> -> memref<128x64xf32, #tpu.memory_space<vmem>>
    %dma_wait3A_353 = arith.constant 0 : i32
    %dma_wait3A_354 = tpu.memref_slice %arg5[%dma_wait3A_347, %dma_wait3A_353] : memref<26x128xi32, #tpu.memory_space<vmem>> -> memref<1x128xi32, #tpu.memory_space<vmem>>
    %dma_wait3A_355 = tpu.memref_squeeze %dma_wait3A_354 : memref<1x128xi32, #tpu.memory_space<vmem>> -> memref<128xi32, #tpu.memory_space<vmem>>
    %dma_wait3A_356 = arith.constant 0 : i32
    %dma_wait3A_357 = arith.constant 0 : i32
    %dma_wait3A_358 = tpu.memref_slice %arg3[%dma_wait3A_356, %dma_wait3A_357] : memref<2600000x64xf32, #tpu.memory_space<hbm>> -> memref<2600000x64xf32, #tpu.memory_space<hbm>>
    tpu.wait_indirect_dma semaphore(%arg7 : memref<!tpu.dma_semaphore, #tpu.memory_space<semaphore_mem>>) src(%dma_wait3A_358 : memref<2600000x64xf32, #tpu.memory_space<hbm>>) dst(%dma_wait3A_352 : memref<128x64xf32, #tpu.memory_space<vmem>>)
    %mul3A_359 = arith.constant 3328 : i32
    %mul3A_360 = arith.muli %add3A, %mul3A_359 : i32
    %add3A_361 = arith.constant 768 : i32
    %add3A_362 = arith.addi %mul3A_360, %add3A_361 : i32
    %dma_start3A_363 = arith.constant 0 : i32
    %dma_start3A_364 = arith.constant 0 : i32
    %dma_start3A_365 = arith.constant 0 : i32
    %dma_start3A_366 = tpu.memref_slice %arg6[%dma_start3A_363, %dma_start3A_364, %dma_start3A_365] : memref<2x128x64xf32, #tpu.memory_space<vmem>> -> memref<1x128x64xf32, #tpu.memory_space<vmem>>
    %dma_start3A_367 = tpu.memref_squeeze %dma_start3A_366 : memref<1x128x64xf32, #tpu.memory_space<vmem>> -> memref<128x64xf32, #tpu.memory_space<vmem>>
    %dma_start3A_368 = arith.constant 0 : i32
    %dma_start3A_369 = tpu.memref_slice %arg4[%add3A_362, %dma_start3A_368] : memref<106496x64xf32, #tpu.memory_space<hbm>> -> memref<128x64xf32, #tpu.memory_space<hbm>>
    %dma_start3A_370 = arith.constant 0 : i32
    %dma_start3A_371 = tpu.memref_slice %arg4[%add3A_362, %dma_start3A_370] : memref<106496x64xf32, #tpu.memory_space<hbm>> -> memref<128x64xf32, #tpu.memory_space<hbm>>
    %dma_start3A_372 = arith.constant 0 : i32
    %dma_start3A_373 = arith.constant 0 : i32
    %dma_start3A_374 = tpu.memref_slice %arg6[%dma_start3A_363, %dma_start3A_372, %dma_start3A_373] : memref<2x128x64xf32, #tpu.memory_space<vmem>> -> memref<1x128x64xf32, #tpu.memory_space<vmem>>
    %dma_start3A_375 = tpu.memref_squeeze %dma_start3A_374 : memref<1x128x64xf32, #tpu.memory_space<vmem>> -> memref<128x64xf32, #tpu.memory_space<vmem>>
    tpu.enqueue_dma source(%dma_start3A_375 : memref<128x64xf32, #tpu.memory_space<vmem>>) target(%dma_start3A_371 : memref<128x64xf32, #tpu.memory_space<hbm>>) target_semaphore(%arg9 : memref<!tpu.dma_semaphore, #tpu.memory_space<semaphore_mem>>)
    %dma_wait3A_376 = arith.constant 0 : i32
    %dma_wait3A_377 = arith.constant 0 : i32
    %dma_wait3A_378 = arith.constant 0 : i32
    %dma_wait3A_379 = tpu.memref_slice %arg6[%dma_wait3A_376, %dma_wait3A_377, %dma_wait3A_378] : memref<2x128x64xf32, #tpu.memory_space<vmem>> -> memref<1x128x64xf32, #tpu.memory_space<vmem>>
    %dma_wait3A_380 = tpu.memref_squeeze %dma_wait3A_379 : memref<1x128x64xf32, #tpu.memory_space<vmem>> -> memref<128x64xf32, #tpu.memory_space<vmem>>
    %dma_wait3A_381 = arith.constant 0 : i32
    %dma_wait3A_382 = tpu.memref_slice %arg4[%add3A_362, %dma_wait3A_381] : memref<106496x64xf32, #tpu.memory_space<hbm>> -> memref<128x64xf32, #tpu.memory_space<hbm>>
    %dma_wait3A_383 = arith.constant 0 : i32
    %dma_wait3A_384 = tpu.memref_slice %arg4[%add3A_362, %dma_wait3A_383] : memref<106496x64xf32, #tpu.memory_space<hbm>> -> memref<128x64xf32, #tpu.memory_space<hbm>>
    %dma_wait3A_385 = arith.constant 0 : i32
    %dma_wait3A_386 = arith.constant 0 : i32
    %dma_wait3A_387 = tpu.memref_slice %arg6[%dma_wait3A_376, %dma_wait3A_385, %dma_wait3A_386] : memref<2x128x64xf32, #tpu.memory_space<vmem>> -> memref<1x128x64xf32, #tpu.memory_space<vmem>>
    %dma_wait3A_388 = tpu.memref_squeeze %dma_wait3A_387 : memref<1x128x64xf32, #tpu.memory_space<vmem>> -> memref<128x64xf32, #tpu.memory_space<vmem>>
    tpu.wait_dma2 semaphore(%arg9 : memref<!tpu.dma_semaphore, #tpu.memory_space<semaphore_mem>>) src(%dma_wait3A_388 : memref<128x64xf32, #tpu.memory_space<vmem>>) dst(%dma_wait3A_384 : memref<128x64xf32, #tpu.memory_space<hbm>>)
    %dma_start3A_389 = arith.constant 8 : i32
    %dma_start3A_390 = arith.constant 0 : i32
    %dma_start3A_391 = arith.constant 0 : i32
    %dma_start3A_392 = arith.constant 0 : i32
    %dma_start3A_393 = tpu.memref_slice %arg6[%dma_start3A_390, %dma_start3A_391, %dma_start3A_392] : memref<2x128x64xf32, #tpu.memory_space<vmem>> -> memref<1x128x64xf32, #tpu.memory_space<vmem>>
    %dma_start3A_394 = tpu.memref_squeeze %dma_start3A_393 : memref<1x128x64xf32, #tpu.memory_space<vmem>> -> memref<128x64xf32, #tpu.memory_space<vmem>>
    %dma_start3A_395 = arith.constant 0 : i32
    %dma_start3A_396 = tpu.memref_slice %arg5[%dma_start3A_389, %dma_start3A_395] : memref<26x128xi32, #tpu.memory_space<vmem>> -> memref<1x128xi32, #tpu.memory_space<vmem>>
    %dma_start3A_397 = tpu.memref_squeeze %dma_start3A_396 : memref<1x128xi32, #tpu.memory_space<vmem>> -> memref<128xi32, #tpu.memory_space<vmem>>
    %dma_start3A_398 = arith.constant 0 : i32
    %dma_start3A_399 = arith.constant 0 : i32
    %dma_start3A_400 = tpu.memref_slice %arg3[%dma_start3A_398, %dma_start3A_399] : memref<2600000x64xf32, #tpu.memory_space<hbm>> -> memref<2600000x64xf32, #tpu.memory_space<hbm>>
    tpu.enqueue_indirect_dma source(%dma_start3A_400 : memref<2600000x64xf32, #tpu.memory_space<hbm>>) target(%dma_start3A_394 : memref<128x64xf32, #tpu.memory_space<vmem>>) offsets(%dma_start3A_397 : memref<128xi32, #tpu.memory_space<vmem>>) semaphore(%arg7 : memref<!tpu.dma_semaphore, #tpu.memory_space<semaphore_mem>>)
    %dma_wait3A_401 = arith.constant 7 : i32
    %dma_wait3A_402 = arith.constant 1 : i32
    %dma_wait3A_403 = arith.constant 0 : i32
    %dma_wait3A_404 = arith.constant 0 : i32
    %dma_wait3A_405 = tpu.memref_slice %arg6[%dma_wait3A_402, %dma_wait3A_403, %dma_wait3A_404] : memref<2x128x64xf32, #tpu.memory_space<vmem>> -> memref<1x128x64xf32, #tpu.memory_space<vmem>>
    %dma_wait3A_406 = tpu.memref_squeeze %dma_wait3A_405 : memref<1x128x64xf32, #tpu.memory_space<vmem>> -> memref<128x64xf32, #tpu.memory_space<vmem>>
    %dma_wait3A_407 = arith.constant 0 : i32
    %dma_wait3A_408 = tpu.memref_slice %arg5[%dma_wait3A_401, %dma_wait3A_407] : memref<26x128xi32, #tpu.memory_space<vmem>> -> memref<1x128xi32, #tpu.memory_space<vmem>>
    %dma_wait3A_409 = tpu.memref_squeeze %dma_wait3A_408 : memref<1x128xi32, #tpu.memory_space<vmem>> -> memref<128xi32, #tpu.memory_space<vmem>>
    %dma_wait3A_410 = arith.constant 0 : i32
    %dma_wait3A_411 = arith.constant 0 : i32
    %dma_wait3A_412 = tpu.memref_slice %arg3[%dma_wait3A_410, %dma_wait3A_411] : memref<2600000x64xf32, #tpu.memory_space<hbm>> -> memref<2600000x64xf32, #tpu.memory_space<hbm>>
    tpu.wait_indirect_dma semaphore(%arg8 : memref<!tpu.dma_semaphore, #tpu.memory_space<semaphore_mem>>) src(%dma_wait3A_412 : memref<2600000x64xf32, #tpu.memory_space<hbm>>) dst(%dma_wait3A_406 : memref<128x64xf32, #tpu.memory_space<vmem>>)
    %mul3A_413 = arith.constant 3328 : i32
    %mul3A_414 = arith.muli %add3A, %mul3A_413 : i32
    %add3A_415 = arith.constant 896 : i32
    %add3A_416 = arith.addi %mul3A_414, %add3A_415 : i32
    %dma_start3A_417 = arith.constant 1 : i32
    %dma_start3A_418 = arith.constant 0 : i32
    %dma_start3A_419 = arith.constant 0 : i32
    %dma_start3A_420 = tpu.memref_slice %arg6[%dma_start3A_417, %dma_start3A_418, %dma_start3A_419] : memref<2x128x64xf32, #tpu.memory_space<vmem>> -> memref<1x128x64xf32, #tpu.memory_space<vmem>>
    %dma_start3A_421 = tpu.memref_squeeze %dma_start3A_420 : memref<1x128x64xf32, #tpu.memory_space<vmem>> -> memref<128x64xf32, #tpu.memory_space<vmem>>
    %dma_start3A_422 = arith.constant 0 : i32
    %dma_start3A_423 = tpu.memref_slice %arg4[%add3A_416, %dma_start3A_422] : memref<106496x64xf32, #tpu.memory_space<hbm>> -> memref<128x64xf32, #tpu.memory_space<hbm>>
    %dma_start3A_424 = arith.constant 0 : i32
    %dma_start3A_425 = tpu.memref_slice %arg4[%add3A_416, %dma_start3A_424] : memref<106496x64xf32, #tpu.memory_space<hbm>> -> memref<128x64xf32, #tpu.memory_space<hbm>>
    %dma_start3A_426 = arith.constant 0 : i32
    %dma_start3A_427 = arith.constant 0 : i32
    %dma_start3A_428 = tpu.memref_slice %arg6[%dma_start3A_417, %dma_start3A_426, %dma_start3A_427] : memref<2x128x64xf32, #tpu.memory_space<vmem>> -> memref<1x128x64xf32, #tpu.memory_space<vmem>>
    %dma_start3A_429 = tpu.memref_squeeze %dma_start3A_428 : memref<1x128x64xf32, #tpu.memory_space<vmem>> -> memref<128x64xf32, #tpu.memory_space<vmem>>
    tpu.enqueue_dma source(%dma_start3A_429 : memref<128x64xf32, #tpu.memory_space<vmem>>) target(%dma_start3A_425 : memref<128x64xf32, #tpu.memory_space<hbm>>) target_semaphore(%arg10 : memref<!tpu.dma_semaphore, #tpu.memory_space<semaphore_mem>>)
    %dma_wait3A_430 = arith.constant 1 : i32
    %dma_wait3A_431 = arith.constant 0 : i32
    %dma_wait3A_432 = arith.constant 0 : i32
    %dma_wait3A_433 = tpu.memref_slice %arg6[%dma_wait3A_430, %dma_wait3A_431, %dma_wait3A_432] : memref<2x128x64xf32, #tpu.memory_space<vmem>> -> memref<1x128x64xf32, #tpu.memory_space<vmem>>
    %dma_wait3A_434 = tpu.memref_squeeze %dma_wait3A_433 : memref<1x128x64xf32, #tpu.memory_space<vmem>> -> memref<128x64xf32, #tpu.memory_space<vmem>>
    %dma_wait3A_435 = arith.constant 0 : i32
    %dma_wait3A_436 = tpu.memref_slice %arg4[%add3A_416, %dma_wait3A_435] : memref<106496x64xf32, #tpu.memory_space<hbm>> -> memref<128x64xf32, #tpu.memory_space<hbm>>
    %dma_wait3A_437 = arith.constant 0 : i32
    %dma_wait3A_438 = tpu.memref_slice %arg4[%add3A_416, %dma_wait3A_437] : memref<106496x64xf32, #tpu.memory_space<hbm>> -> memref<128x64xf32, #tpu.memory_space<hbm>>
    %dma_wait3A_439 = arith.constant 0 : i32
    %dma_wait3A_440 = arith.constant 0 : i32
    %dma_wait3A_441 = tpu.memref_slice %arg6[%dma_wait3A_430, %dma_wait3A_439, %dma_wait3A_440] : memref<2x128x64xf32, #tpu.memory_space<vmem>> -> memref<1x128x64xf32, #tpu.memory_space<vmem>>
    %dma_wait3A_442 = tpu.memref_squeeze %dma_wait3A_441 : memref<1x128x64xf32, #tpu.memory_space<vmem>> -> memref<128x64xf32, #tpu.memory_space<vmem>>
    tpu.wait_dma2 semaphore(%arg10 : memref<!tpu.dma_semaphore, #tpu.memory_space<semaphore_mem>>) src(%dma_wait3A_442 : memref<128x64xf32, #tpu.memory_space<vmem>>) dst(%dma_wait3A_438 : memref<128x64xf32, #tpu.memory_space<hbm>>)
    %dma_start3A_443 = arith.constant 9 : i32
    %dma_start3A_444 = arith.constant 1 : i32
    %dma_start3A_445 = arith.constant 0 : i32
    %dma_start3A_446 = arith.constant 0 : i32
    %dma_start3A_447 = tpu.memref_slice %arg6[%dma_start3A_444, %dma_start3A_445, %dma_start3A_446] : memref<2x128x64xf32, #tpu.memory_space<vmem>> -> memref<1x128x64xf32, #tpu.memory_space<vmem>>
    %dma_start3A_448 = tpu.memref_squeeze %dma_start3A_447 : memref<1x128x64xf32, #tpu.memory_space<vmem>> -> memref<128x64xf32, #tpu.memory_space<vmem>>
    %dma_start3A_449 = arith.constant 0 : i32
    %dma_start3A_450 = tpu.memref_slice %arg5[%dma_start3A_443, %dma_start3A_449] : memref<26x128xi32, #tpu.memory_space<vmem>> -> memref<1x128xi32, #tpu.memory_space<vmem>>
    %dma_start3A_451 = tpu.memref_squeeze %dma_start3A_450 : memref<1x128xi32, #tpu.memory_space<vmem>> -> memref<128xi32, #tpu.memory_space<vmem>>
    %dma_start3A_452 = arith.constant 0 : i32
    %dma_start3A_453 = arith.constant 0 : i32
    %dma_start3A_454 = tpu.memref_slice %arg3[%dma_start3A_452, %dma_start3A_453] : memref<2600000x64xf32, #tpu.memory_space<hbm>> -> memref<2600000x64xf32, #tpu.memory_space<hbm>>
    tpu.enqueue_indirect_dma source(%dma_start3A_454 : memref<2600000x64xf32, #tpu.memory_space<hbm>>) target(%dma_start3A_448 : memref<128x64xf32, #tpu.memory_space<vmem>>) offsets(%dma_start3A_451 : memref<128xi32, #tpu.memory_space<vmem>>) semaphore(%arg8 : memref<!tpu.dma_semaphore, #tpu.memory_space<semaphore_mem>>)
    %dma_wait3A_455 = arith.constant 8 : i32
    %dma_wait3A_456 = arith.constant 0 : i32
    %dma_wait3A_457 = arith.constant 0 : i32
    %dma_wait3A_458 = arith.constant 0 : i32
    %dma_wait3A_459 = tpu.memref_slice %arg6[%dma_wait3A_456, %dma_wait3A_457, %dma_wait3A_458] : memref<2x128x64xf32, #tpu.memory_space<vmem>> -> memref<1x128x64xf32, #tpu.memory_space<vmem>>
    %dma_wait3A_460 = tpu.memref_squeeze %dma_wait3A_459 : memref<1x128x64xf32, #tpu.memory_space<vmem>> -> memref<128x64xf32, #tpu.memory_space<vmem>>
    %dma_wait3A_461 = arith.constant 0 : i32
    %dma_wait3A_462 = tpu.memref_slice %arg5[%dma_wait3A_455, %dma_wait3A_461] : memref<26x128xi32, #tpu.memory_space<vmem>> -> memref<1x128xi32, #tpu.memory_space<vmem>>
    %dma_wait3A_463 = tpu.memref_squeeze %dma_wait3A_462 : memref<1x128xi32, #tpu.memory_space<vmem>> -> memref<128xi32, #tpu.memory_space<vmem>>
    %dma_wait3A_464 = arith.constant 0 : i32
    %dma_wait3A_465 = arith.constant 0 : i32
    %dma_wait3A_466 = tpu.memref_slice %arg3[%dma_wait3A_464, %dma_wait3A_465] : memref<2600000x64xf32, #tpu.memory_space<hbm>> -> memref<2600000x64xf32, #tpu.memory_space<hbm>>
    tpu.wait_indirect_dma semaphore(%arg7 : memref<!tpu.dma_semaphore, #tpu.memory_space<semaphore_mem>>) src(%dma_wait3A_466 : memref<2600000x64xf32, #tpu.memory_space<hbm>>) dst(%dma_wait3A_460 : memref<128x64xf32, #tpu.memory_space<vmem>>)
    %mul3A_467 = arith.constant 3328 : i32
    %mul3A_468 = arith.muli %add3A, %mul3A_467 : i32
    %add3A_469 = arith.constant 1024 : i32
    %add3A_470 = arith.addi %mul3A_468, %add3A_469 : i32
    %dma_start3A_471 = arith.constant 0 : i32
    %dma_start3A_472 = arith.constant 0 : i32
    %dma_start3A_473 = arith.constant 0 : i32
    %dma_start3A_474 = tpu.memref_slice %arg6[%dma_start3A_471, %dma_start3A_472, %dma_start3A_473] : memref<2x128x64xf32, #tpu.memory_space<vmem>> -> memref<1x128x64xf32, #tpu.memory_space<vmem>>
    %dma_start3A_475 = tpu.memref_squeeze %dma_start3A_474 : memref<1x128x64xf32, #tpu.memory_space<vmem>> -> memref<128x64xf32, #tpu.memory_space<vmem>>
    %dma_start3A_476 = arith.constant 0 : i32
    %dma_start3A_477 = tpu.memref_slice %arg4[%add3A_470, %dma_start3A_476] : memref<106496x64xf32, #tpu.memory_space<hbm>> -> memref<128x64xf32, #tpu.memory_space<hbm>>
    %dma_start3A_478 = arith.constant 0 : i32
    %dma_start3A_479 = tpu.memref_slice %arg4[%add3A_470, %dma_start3A_478] : memref<106496x64xf32, #tpu.memory_space<hbm>> -> memref<128x64xf32, #tpu.memory_space<hbm>>
    %dma_start3A_480 = arith.constant 0 : i32
    %dma_start3A_481 = arith.constant 0 : i32
    %dma_start3A_482 = tpu.memref_slice %arg6[%dma_start3A_471, %dma_start3A_480, %dma_start3A_481] : memref<2x128x64xf32, #tpu.memory_space<vmem>> -> memref<1x128x64xf32, #tpu.memory_space<vmem>>
    %dma_start3A_483 = tpu.memref_squeeze %dma_start3A_482 : memref<1x128x64xf32, #tpu.memory_space<vmem>> -> memref<128x64xf32, #tpu.memory_space<vmem>>
    tpu.enqueue_dma source(%dma_start3A_483 : memref<128x64xf32, #tpu.memory_space<vmem>>) target(%dma_start3A_479 : memref<128x64xf32, #tpu.memory_space<hbm>>) target_semaphore(%arg9 : memref<!tpu.dma_semaphore, #tpu.memory_space<semaphore_mem>>)
    %dma_wait3A_484 = arith.constant 0 : i32
    %dma_wait3A_485 = arith.constant 0 : i32
    %dma_wait3A_486 = arith.constant 0 : i32
    %dma_wait3A_487 = tpu.memref_slice %arg6[%dma_wait3A_484, %dma_wait3A_485, %dma_wait3A_486] : memref<2x128x64xf32, #tpu.memory_space<vmem>> -> memref<1x128x64xf32, #tpu.memory_space<vmem>>
    %dma_wait3A_488 = tpu.memref_squeeze %dma_wait3A_487 : memref<1x128x64xf32, #tpu.memory_space<vmem>> -> memref<128x64xf32, #tpu.memory_space<vmem>>
    %dma_wait3A_489 = arith.constant 0 : i32
    %dma_wait3A_490 = tpu.memref_slice %arg4[%add3A_470, %dma_wait3A_489] : memref<106496x64xf32, #tpu.memory_space<hbm>> -> memref<128x64xf32, #tpu.memory_space<hbm>>
    %dma_wait3A_491 = arith.constant 0 : i32
    %dma_wait3A_492 = tpu.memref_slice %arg4[%add3A_470, %dma_wait3A_491] : memref<106496x64xf32, #tpu.memory_space<hbm>> -> memref<128x64xf32, #tpu.memory_space<hbm>>
    %dma_wait3A_493 = arith.constant 0 : i32
    %dma_wait3A_494 = arith.constant 0 : i32
    %dma_wait3A_495 = tpu.memref_slice %arg6[%dma_wait3A_484, %dma_wait3A_493, %dma_wait3A_494] : memref<2x128x64xf32, #tpu.memory_space<vmem>> -> memref<1x128x64xf32, #tpu.memory_space<vmem>>
    %dma_wait3A_496 = tpu.memref_squeeze %dma_wait3A_495 : memref<1x128x64xf32, #tpu.memory_space<vmem>> -> memref<128x64xf32, #tpu.memory_space<vmem>>
    tpu.wait_dma2 semaphore(%arg9 : memref<!tpu.dma_semaphore, #tpu.memory_space<semaphore_mem>>) src(%dma_wait3A_496 : memref<128x64xf32, #tpu.memory_space<vmem>>) dst(%dma_wait3A_492 : memref<128x64xf32, #tpu.memory_space<hbm>>)
    %dma_start3A_497 = arith.constant 10 : i32
    %dma_start3A_498 = arith.constant 0 : i32
    %dma_start3A_499 = arith.constant 0 : i32
    %dma_start3A_500 = arith.constant 0 : i32
    %dma_start3A_501 = tpu.memref_slice %arg6[%dma_start3A_498, %dma_start3A_499, %dma_start3A_500] : memref<2x128x64xf32, #tpu.memory_space<vmem>> -> memref<1x128x64xf32, #tpu.memory_space<vmem>>
    %dma_start3A_502 = tpu.memref_squeeze %dma_start3A_501 : memref<1x128x64xf32, #tpu.memory_space<vmem>> -> memref<128x64xf32, #tpu.memory_space<vmem>>
    %dma_start3A_503 = arith.constant 0 : i32
    %dma_start3A_504 = tpu.memref_slice %arg5[%dma_start3A_497, %dma_start3A_503] : memref<26x128xi32, #tpu.memory_space<vmem>> -> memref<1x128xi32, #tpu.memory_space<vmem>>
    %dma_start3A_505 = tpu.memref_squeeze %dma_start3A_504 : memref<1x128xi32, #tpu.memory_space<vmem>> -> memref<128xi32, #tpu.memory_space<vmem>>
    %dma_start3A_506 = arith.constant 0 : i32
    %dma_start3A_507 = arith.constant 0 : i32
    %dma_start3A_508 = tpu.memref_slice %arg3[%dma_start3A_506, %dma_start3A_507] : memref<2600000x64xf32, #tpu.memory_space<hbm>> -> memref<2600000x64xf32, #tpu.memory_space<hbm>>
    tpu.enqueue_indirect_dma source(%dma_start3A_508 : memref<2600000x64xf32, #tpu.memory_space<hbm>>) target(%dma_start3A_502 : memref<128x64xf32, #tpu.memory_space<vmem>>) offsets(%dma_start3A_505 : memref<128xi32, #tpu.memory_space<vmem>>) semaphore(%arg7 : memref<!tpu.dma_semaphore, #tpu.memory_space<semaphore_mem>>)
    %dma_wait3A_509 = arith.constant 9 : i32
    %dma_wait3A_510 = arith.constant 1 : i32
    %dma_wait3A_511 = arith.constant 0 : i32
    %dma_wait3A_512 = arith.constant 0 : i32
    %dma_wait3A_513 = tpu.memref_slice %arg6[%dma_wait3A_510, %dma_wait3A_511, %dma_wait3A_512] : memref<2x128x64xf32, #tpu.memory_space<vmem>> -> memref<1x128x64xf32, #tpu.memory_space<vmem>>
    %dma_wait3A_514 = tpu.memref_squeeze %dma_wait3A_513 : memref<1x128x64xf32, #tpu.memory_space<vmem>> -> memref<128x64xf32, #tpu.memory_space<vmem>>
    %dma_wait3A_515 = arith.constant 0 : i32
    %dma_wait3A_516 = tpu.memref_slice %arg5[%dma_wait3A_509, %dma_wait3A_515] : memref<26x128xi32, #tpu.memory_space<vmem>> -> memref<1x128xi32, #tpu.memory_space<vmem>>
    %dma_wait3A_517 = tpu.memref_squeeze %dma_wait3A_516 : memref<1x128xi32, #tpu.memory_space<vmem>> -> memref<128xi32, #tpu.memory_space<vmem>>
    %dma_wait3A_518 = arith.constant 0 : i32
    %dma_wait3A_519 = arith.constant 0 : i32
    %dma_wait3A_520 = tpu.memref_slice %arg3[%dma_wait3A_518, %dma_wait3A_519] : memref<2600000x64xf32, #tpu.memory_space<hbm>> -> memref<2600000x64xf32, #tpu.memory_space<hbm>>
    tpu.wait_indirect_dma semaphore(%arg8 : memref<!tpu.dma_semaphore, #tpu.memory_space<semaphore_mem>>) src(%dma_wait3A_520 : memref<2600000x64xf32, #tpu.memory_space<hbm>>) dst(%dma_wait3A_514 : memref<128x64xf32, #tpu.memory_space<vmem>>)
    %mul3A_521 = arith.constant 3328 : i32
    %mul3A_522 = arith.muli %add3A, %mul3A_521 : i32
    %add3A_523 = arith.constant 1152 : i32
    %add3A_524 = arith.addi %mul3A_522, %add3A_523 : i32
    %dma_start3A_525 = arith.constant 1 : i32
    %dma_start3A_526 = arith.constant 0 : i32
    %dma_start3A_527 = arith.constant 0 : i32
    %dma_start3A_528 = tpu.memref_slice %arg6[%dma_start3A_525, %dma_start3A_526, %dma_start3A_527] : memref<2x128x64xf32, #tpu.memory_space<vmem>> -> memref<1x128x64xf32, #tpu.memory_space<vmem>>
    %dma_start3A_529 = tpu.memref_squeeze %dma_start3A_528 : memref<1x128x64xf32, #tpu.memory_space<vmem>> -> memref<128x64xf32, #tpu.memory_space<vmem>>
    %dma_start3A_530 = arith.constant 0 : i32
    %dma_start3A_531 = tpu.memref_slice %arg4[%add3A_524, %dma_start3A_530] : memref<106496x64xf32, #tpu.memory_space<hbm>> -> memref<128x64xf32, #tpu.memory_space<hbm>>
    %dma_start3A_532 = arith.constant 0 : i32
    %dma_start3A_533 = tpu.memref_slice %arg4[%add3A_524, %dma_start3A_532] : memref<106496x64xf32, #tpu.memory_space<hbm>> -> memref<128x64xf32, #tpu.memory_space<hbm>>
    %dma_start3A_534 = arith.constant 0 : i32
    %dma_start3A_535 = arith.constant 0 : i32
    %dma_start3A_536 = tpu.memref_slice %arg6[%dma_start3A_525, %dma_start3A_534, %dma_start3A_535] : memref<2x128x64xf32, #tpu.memory_space<vmem>> -> memref<1x128x64xf32, #tpu.memory_space<vmem>>
    %dma_start3A_537 = tpu.memref_squeeze %dma_start3A_536 : memref<1x128x64xf32, #tpu.memory_space<vmem>> -> memref<128x64xf32, #tpu.memory_space<vmem>>
    tpu.enqueue_dma source(%dma_start3A_537 : memref<128x64xf32, #tpu.memory_space<vmem>>) target(%dma_start3A_533 : memref<128x64xf32, #tpu.memory_space<hbm>>) target_semaphore(%arg10 : memref<!tpu.dma_semaphore, #tpu.memory_space<semaphore_mem>>)
    %dma_wait3A_538 = arith.constant 1 : i32
    %dma_wait3A_539 = arith.constant 0 : i32
    %dma_wait3A_540 = arith.constant 0 : i32
    %dma_wait3A_541 = tpu.memref_slice %arg6[%dma_wait3A_538, %dma_wait3A_539, %dma_wait3A_540] : memref<2x128x64xf32, #tpu.memory_space<vmem>> -> memref<1x128x64xf32, #tpu.memory_space<vmem>>
    %dma_wait3A_542 = tpu.memref_squeeze %dma_wait3A_541 : memref<1x128x64xf32, #tpu.memory_space<vmem>> -> memref<128x64xf32, #tpu.memory_space<vmem>>
    %dma_wait3A_543 = arith.constant 0 : i32
    %dma_wait3A_544 = tpu.memref_slice %arg4[%add3A_524, %dma_wait3A_543] : memref<106496x64xf32, #tpu.memory_space<hbm>> -> memref<128x64xf32, #tpu.memory_space<hbm>>
    %dma_wait3A_545 = arith.constant 0 : i32
    %dma_wait3A_546 = tpu.memref_slice %arg4[%add3A_524, %dma_wait3A_545] : memref<106496x64xf32, #tpu.memory_space<hbm>> -> memref<128x64xf32, #tpu.memory_space<hbm>>
    %dma_wait3A_547 = arith.constant 0 : i32
    %dma_wait3A_548 = arith.constant 0 : i32
    %dma_wait3A_549 = tpu.memref_slice %arg6[%dma_wait3A_538, %dma_wait3A_547, %dma_wait3A_548] : memref<2x128x64xf32, #tpu.memory_space<vmem>> -> memref<1x128x64xf32, #tpu.memory_space<vmem>>
    %dma_wait3A_550 = tpu.memref_squeeze %dma_wait3A_549 : memref<1x128x64xf32, #tpu.memory_space<vmem>> -> memref<128x64xf32, #tpu.memory_space<vmem>>
    tpu.wait_dma2 semaphore(%arg10 : memref<!tpu.dma_semaphore, #tpu.memory_space<semaphore_mem>>) src(%dma_wait3A_550 : memref<128x64xf32, #tpu.memory_space<vmem>>) dst(%dma_wait3A_546 : memref<128x64xf32, #tpu.memory_space<hbm>>)
    %dma_start3A_551 = arith.constant 11 : i32
    %dma_start3A_552 = arith.constant 1 : i32
    %dma_start3A_553 = arith.constant 0 : i32
    %dma_start3A_554 = arith.constant 0 : i32
    %dma_start3A_555 = tpu.memref_slice %arg6[%dma_start3A_552, %dma_start3A_553, %dma_start3A_554] : memref<2x128x64xf32, #tpu.memory_space<vmem>> -> memref<1x128x64xf32, #tpu.memory_space<vmem>>
    %dma_start3A_556 = tpu.memref_squeeze %dma_start3A_555 : memref<1x128x64xf32, #tpu.memory_space<vmem>> -> memref<128x64xf32, #tpu.memory_space<vmem>>
    %dma_start3A_557 = arith.constant 0 : i32
    %dma_start3A_558 = tpu.memref_slice %arg5[%dma_start3A_551, %dma_start3A_557] : memref<26x128xi32, #tpu.memory_space<vmem>> -> memref<1x128xi32, #tpu.memory_space<vmem>>
    %dma_start3A_559 = tpu.memref_squeeze %dma_start3A_558 : memref<1x128xi32, #tpu.memory_space<vmem>> -> memref<128xi32, #tpu.memory_space<vmem>>
    %dma_start3A_560 = arith.constant 0 : i32
    %dma_start3A_561 = arith.constant 0 : i32
    %dma_start3A_562 = tpu.memref_slice %arg3[%dma_start3A_560, %dma_start3A_561] : memref<2600000x64xf32, #tpu.memory_space<hbm>> -> memref<2600000x64xf32, #tpu.memory_space<hbm>>
    tpu.enqueue_indirect_dma source(%dma_start3A_562 : memref<2600000x64xf32, #tpu.memory_space<hbm>>) target(%dma_start3A_556 : memref<128x64xf32, #tpu.memory_space<vmem>>) offsets(%dma_start3A_559 : memref<128xi32, #tpu.memory_space<vmem>>) semaphore(%arg8 : memref<!tpu.dma_semaphore, #tpu.memory_space<semaphore_mem>>)
    %dma_wait3A_563 = arith.constant 10 : i32
    %dma_wait3A_564 = arith.constant 0 : i32
    %dma_wait3A_565 = arith.constant 0 : i32
    %dma_wait3A_566 = arith.constant 0 : i32
    %dma_wait3A_567 = tpu.memref_slice %arg6[%dma_wait3A_564, %dma_wait3A_565, %dma_wait3A_566] : memref<2x128x64xf32, #tpu.memory_space<vmem>> -> memref<1x128x64xf32, #tpu.memory_space<vmem>>
    %dma_wait3A_568 = tpu.memref_squeeze %dma_wait3A_567 : memref<1x128x64xf32, #tpu.memory_space<vmem>> -> memref<128x64xf32, #tpu.memory_space<vmem>>
    %dma_wait3A_569 = arith.constant 0 : i32
    %dma_wait3A_570 = tpu.memref_slice %arg5[%dma_wait3A_563, %dma_wait3A_569] : memref<26x128xi32, #tpu.memory_space<vmem>> -> memref<1x128xi32, #tpu.memory_space<vmem>>
    %dma_wait3A_571 = tpu.memref_squeeze %dma_wait3A_570 : memref<1x128xi32, #tpu.memory_space<vmem>> -> memref<128xi32, #tpu.memory_space<vmem>>
    %dma_wait3A_572 = arith.constant 0 : i32
    %dma_wait3A_573 = arith.constant 0 : i32
    %dma_wait3A_574 = tpu.memref_slice %arg3[%dma_wait3A_572, %dma_wait3A_573] : memref<2600000x64xf32, #tpu.memory_space<hbm>> -> memref<2600000x64xf32, #tpu.memory_space<hbm>>
    tpu.wait_indirect_dma semaphore(%arg7 : memref<!tpu.dma_semaphore, #tpu.memory_space<semaphore_mem>>) src(%dma_wait3A_574 : memref<2600000x64xf32, #tpu.memory_space<hbm>>) dst(%dma_wait3A_568 : memref<128x64xf32, #tpu.memory_space<vmem>>)
    %mul3A_575 = arith.constant 3328 : i32
    %mul3A_576 = arith.muli %add3A, %mul3A_575 : i32
    %add3A_577 = arith.constant 1280 : i32
    %add3A_578 = arith.addi %mul3A_576, %add3A_577 : i32
    %dma_start3A_579 = arith.constant 0 : i32
    %dma_start3A_580 = arith.constant 0 : i32
    %dma_start3A_581 = arith.constant 0 : i32
    %dma_start3A_582 = tpu.memref_slice %arg6[%dma_start3A_579, %dma_start3A_580, %dma_start3A_581] : memref<2x128x64xf32, #tpu.memory_space<vmem>> -> memref<1x128x64xf32, #tpu.memory_space<vmem>>
    %dma_start3A_583 = tpu.memref_squeeze %dma_start3A_582 : memref<1x128x64xf32, #tpu.memory_space<vmem>> -> memref<128x64xf32, #tpu.memory_space<vmem>>
    %dma_start3A_584 = arith.constant 0 : i32
    %dma_start3A_585 = tpu.memref_slice %arg4[%add3A_578, %dma_start3A_584] : memref<106496x64xf32, #tpu.memory_space<hbm>> -> memref<128x64xf32, #tpu.memory_space<hbm>>
    %dma_start3A_586 = arith.constant 0 : i32
    %dma_start3A_587 = tpu.memref_slice %arg4[%add3A_578, %dma_start3A_586] : memref<106496x64xf32, #tpu.memory_space<hbm>> -> memref<128x64xf32, #tpu.memory_space<hbm>>
    %dma_start3A_588 = arith.constant 0 : i32
    %dma_start3A_589 = arith.constant 0 : i32
    %dma_start3A_590 = tpu.memref_slice %arg6[%dma_start3A_579, %dma_start3A_588, %dma_start3A_589] : memref<2x128x64xf32, #tpu.memory_space<vmem>> -> memref<1x128x64xf32, #tpu.memory_space<vmem>>
    %dma_start3A_591 = tpu.memref_squeeze %dma_start3A_590 : memref<1x128x64xf32, #tpu.memory_space<vmem>> -> memref<128x64xf32, #tpu.memory_space<vmem>>
    tpu.enqueue_dma source(%dma_start3A_591 : memref<128x64xf32, #tpu.memory_space<vmem>>) target(%dma_start3A_587 : memref<128x64xf32, #tpu.memory_space<hbm>>) target_semaphore(%arg9 : memref<!tpu.dma_semaphore, #tpu.memory_space<semaphore_mem>>)
    %dma_wait3A_592 = arith.constant 0 : i32
    %dma_wait3A_593 = arith.constant 0 : i32
    %dma_wait3A_594 = arith.constant 0 : i32
    %dma_wait3A_595 = tpu.memref_slice %arg6[%dma_wait3A_592, %dma_wait3A_593, %dma_wait3A_594] : memref<2x128x64xf32, #tpu.memory_space<vmem>> -> memref<1x128x64xf32, #tpu.memory_space<vmem>>
    %dma_wait3A_596 = tpu.memref_squeeze %dma_wait3A_595 : memref<1x128x64xf32, #tpu.memory_space<vmem>> -> memref<128x64xf32, #tpu.memory_space<vmem>>
    %dma_wait3A_597 = arith.constant 0 : i32
    %dma_wait3A_598 = tpu.memref_slice %arg4[%add3A_578, %dma_wait3A_597] : memref<106496x64xf32, #tpu.memory_space<hbm>> -> memref<128x64xf32, #tpu.memory_space<hbm>>
    %dma_wait3A_599 = arith.constant 0 : i32
    %dma_wait3A_600 = tpu.memref_slice %arg4[%add3A_578, %dma_wait3A_599] : memref<106496x64xf32, #tpu.memory_space<hbm>> -> memref<128x64xf32, #tpu.memory_space<hbm>>
    %dma_wait3A_601 = arith.constant 0 : i32
    %dma_wait3A_602 = arith.constant 0 : i32
    %dma_wait3A_603 = tpu.memref_slice %arg6[%dma_wait3A_592, %dma_wait3A_601, %dma_wait3A_602] : memref<2x128x64xf32, #tpu.memory_space<vmem>> -> memref<1x128x64xf32, #tpu.memory_space<vmem>>
    %dma_wait3A_604 = tpu.memref_squeeze %dma_wait3A_603 : memref<1x128x64xf32, #tpu.memory_space<vmem>> -> memref<128x64xf32, #tpu.memory_space<vmem>>
    tpu.wait_dma2 semaphore(%arg9 : memref<!tpu.dma_semaphore, #tpu.memory_space<semaphore_mem>>) src(%dma_wait3A_604 : memref<128x64xf32, #tpu.memory_space<vmem>>) dst(%dma_wait3A_600 : memref<128x64xf32, #tpu.memory_space<hbm>>)
    %dma_start3A_605 = arith.constant 12 : i32
    %dma_start3A_606 = arith.constant 0 : i32
    %dma_start3A_607 = arith.constant 0 : i32
    %dma_start3A_608 = arith.constant 0 : i32
    %dma_start3A_609 = tpu.memref_slice %arg6[%dma_start3A_606, %dma_start3A_607, %dma_start3A_608] : memref<2x128x64xf32, #tpu.memory_space<vmem>> -> memref<1x128x64xf32, #tpu.memory_space<vmem>>
    %dma_start3A_610 = tpu.memref_squeeze %dma_start3A_609 : memref<1x128x64xf32, #tpu.memory_space<vmem>> -> memref<128x64xf32, #tpu.memory_space<vmem>>
    %dma_start3A_611 = arith.constant 0 : i32
    %dma_start3A_612 = tpu.memref_slice %arg5[%dma_start3A_605, %dma_start3A_611] : memref<26x128xi32, #tpu.memory_space<vmem>> -> memref<1x128xi32, #tpu.memory_space<vmem>>
    %dma_start3A_613 = tpu.memref_squeeze %dma_start3A_612 : memref<1x128xi32, #tpu.memory_space<vmem>> -> memref<128xi32, #tpu.memory_space<vmem>>
    %dma_start3A_614 = arith.constant 0 : i32
    %dma_start3A_615 = arith.constant 0 : i32
    %dma_start3A_616 = tpu.memref_slice %arg3[%dma_start3A_614, %dma_start3A_615] : memref<2600000x64xf32, #tpu.memory_space<hbm>> -> memref<2600000x64xf32, #tpu.memory_space<hbm>>
    tpu.enqueue_indirect_dma source(%dma_start3A_616 : memref<2600000x64xf32, #tpu.memory_space<hbm>>) target(%dma_start3A_610 : memref<128x64xf32, #tpu.memory_space<vmem>>) offsets(%dma_start3A_613 : memref<128xi32, #tpu.memory_space<vmem>>) semaphore(%arg7 : memref<!tpu.dma_semaphore, #tpu.memory_space<semaphore_mem>>)
    %dma_wait3A_617 = arith.constant 11 : i32
    %dma_wait3A_618 = arith.constant 1 : i32
    %dma_wait3A_619 = arith.constant 0 : i32
    %dma_wait3A_620 = arith.constant 0 : i32
    %dma_wait3A_621 = tpu.memref_slice %arg6[%dma_wait3A_618, %dma_wait3A_619, %dma_wait3A_620] : memref<2x128x64xf32, #tpu.memory_space<vmem>> -> memref<1x128x64xf32, #tpu.memory_space<vmem>>
    %dma_wait3A_622 = tpu.memref_squeeze %dma_wait3A_621 : memref<1x128x64xf32, #tpu.memory_space<vmem>> -> memref<128x64xf32, #tpu.memory_space<vmem>>
    %dma_wait3A_623 = arith.constant 0 : i32
    %dma_wait3A_624 = tpu.memref_slice %arg5[%dma_wait3A_617, %dma_wait3A_623] : memref<26x128xi32, #tpu.memory_space<vmem>> -> memref<1x128xi32, #tpu.memory_space<vmem>>
    %dma_wait3A_625 = tpu.memref_squeeze %dma_wait3A_624 : memref<1x128xi32, #tpu.memory_space<vmem>> -> memref<128xi32, #tpu.memory_space<vmem>>
    %dma_wait3A_626 = arith.constant 0 : i32
    %dma_wait3A_627 = arith.constant 0 : i32
    %dma_wait3A_628 = tpu.memref_slice %arg3[%dma_wait3A_626, %dma_wait3A_627] : memref<2600000x64xf32, #tpu.memory_space<hbm>> -> memref<2600000x64xf32, #tpu.memory_space<hbm>>
    tpu.wait_indirect_dma semaphore(%arg8 : memref<!tpu.dma_semaphore, #tpu.memory_space<semaphore_mem>>) src(%dma_wait3A_628 : memref<2600000x64xf32, #tpu.memory_space<hbm>>) dst(%dma_wait3A_622 : memref<128x64xf32, #tpu.memory_space<vmem>>)
    %mul3A_629 = arith.constant 3328 : i32
    %mul3A_630 = arith.muli %add3A, %mul3A_629 : i32
    %add3A_631 = arith.constant 1408 : i32
    %add3A_632 = arith.addi %mul3A_630, %add3A_631 : i32
    %dma_start3A_633 = arith.constant 1 : i32
    %dma_start3A_634 = arith.constant 0 : i32
    %dma_start3A_635 = arith.constant 0 : i32
    %dma_start3A_636 = tpu.memref_slice %arg6[%dma_start3A_633, %dma_start3A_634, %dma_start3A_635] : memref<2x128x64xf32, #tpu.memory_space<vmem>> -> memref<1x128x64xf32, #tpu.memory_space<vmem>>
    %dma_start3A_637 = tpu.memref_squeeze %dma_start3A_636 : memref<1x128x64xf32, #tpu.memory_space<vmem>> -> memref<128x64xf32, #tpu.memory_space<vmem>>
    %dma_start3A_638 = arith.constant 0 : i32
    %dma_start3A_639 = tpu.memref_slice %arg4[%add3A_632, %dma_start3A_638] : memref<106496x64xf32, #tpu.memory_space<hbm>> -> memref<128x64xf32, #tpu.memory_space<hbm>>
    %dma_start3A_640 = arith.constant 0 : i32
    %dma_start3A_641 = tpu.memref_slice %arg4[%add3A_632, %dma_start3A_640] : memref<106496x64xf32, #tpu.memory_space<hbm>> -> memref<128x64xf32, #tpu.memory_space<hbm>>
    %dma_start3A_642 = arith.constant 0 : i32
    %dma_start3A_643 = arith.constant 0 : i32
    %dma_start3A_644 = tpu.memref_slice %arg6[%dma_start3A_633, %dma_start3A_642, %dma_start3A_643] : memref<2x128x64xf32, #tpu.memory_space<vmem>> -> memref<1x128x64xf32, #tpu.memory_space<vmem>>
    %dma_start3A_645 = tpu.memref_squeeze %dma_start3A_644 : memref<1x128x64xf32, #tpu.memory_space<vmem>> -> memref<128x64xf32, #tpu.memory_space<vmem>>
    tpu.enqueue_dma source(%dma_start3A_645 : memref<128x64xf32, #tpu.memory_space<vmem>>) target(%dma_start3A_641 : memref<128x64xf32, #tpu.memory_space<hbm>>) target_semaphore(%arg10 : memref<!tpu.dma_semaphore, #tpu.memory_space<semaphore_mem>>)
    %dma_wait3A_646 = arith.constant 1 : i32
    %dma_wait3A_647 = arith.constant 0 : i32
    %dma_wait3A_648 = arith.constant 0 : i32
    %dma_wait3A_649 = tpu.memref_slice %arg6[%dma_wait3A_646, %dma_wait3A_647, %dma_wait3A_648] : memref<2x128x64xf32, #tpu.memory_space<vmem>> -> memref<1x128x64xf32, #tpu.memory_space<vmem>>
    %dma_wait3A_650 = tpu.memref_squeeze %dma_wait3A_649 : memref<1x128x64xf32, #tpu.memory_space<vmem>> -> memref<128x64xf32, #tpu.memory_space<vmem>>
    %dma_wait3A_651 = arith.constant 0 : i32
    %dma_wait3A_652 = tpu.memref_slice %arg4[%add3A_632, %dma_wait3A_651] : memref<106496x64xf32, #tpu.memory_space<hbm>> -> memref<128x64xf32, #tpu.memory_space<hbm>>
    %dma_wait3A_653 = arith.constant 0 : i32
    %dma_wait3A_654 = tpu.memref_slice %arg4[%add3A_632, %dma_wait3A_653] : memref<106496x64xf32, #tpu.memory_space<hbm>> -> memref<128x64xf32, #tpu.memory_space<hbm>>
    %dma_wait3A_655 = arith.constant 0 : i32
    %dma_wait3A_656 = arith.constant 0 : i32
    %dma_wait3A_657 = tpu.memref_slice %arg6[%dma_wait3A_646, %dma_wait3A_655, %dma_wait3A_656] : memref<2x128x64xf32, #tpu.memory_space<vmem>> -> memref<1x128x64xf32, #tpu.memory_space<vmem>>
    %dma_wait3A_658 = tpu.memref_squeeze %dma_wait3A_657 : memref<1x128x64xf32, #tpu.memory_space<vmem>> -> memref<128x64xf32, #tpu.memory_space<vmem>>
    tpu.wait_dma2 semaphore(%arg10 : memref<!tpu.dma_semaphore, #tpu.memory_space<semaphore_mem>>) src(%dma_wait3A_658 : memref<128x64xf32, #tpu.memory_space<vmem>>) dst(%dma_wait3A_654 : memref<128x64xf32, #tpu.memory_space<hbm>>)
    %dma_start3A_659 = arith.constant 13 : i32
    %dma_start3A_660 = arith.constant 1 : i32
    %dma_start3A_661 = arith.constant 0 : i32
    %dma_start3A_662 = arith.constant 0 : i32
    %dma_start3A_663 = tpu.memref_slice %arg6[%dma_start3A_660, %dma_start3A_661, %dma_start3A_662] : memref<2x128x64xf32, #tpu.memory_space<vmem>> -> memref<1x128x64xf32, #tpu.memory_space<vmem>>
    %dma_start3A_664 = tpu.memref_squeeze %dma_start3A_663 : memref<1x128x64xf32, #tpu.memory_space<vmem>> -> memref<128x64xf32, #tpu.memory_space<vmem>>
    %dma_start3A_665 = arith.constant 0 : i32
    %dma_start3A_666 = tpu.memref_slice %arg5[%dma_start3A_659, %dma_start3A_665] : memref<26x128xi32, #tpu.memory_space<vmem>> -> memref<1x128xi32, #tpu.memory_space<vmem>>
    %dma_start3A_667 = tpu.memref_squeeze %dma_start3A_666 : memref<1x128xi32, #tpu.memory_space<vmem>> -> memref<128xi32, #tpu.memory_space<vmem>>
    %dma_start3A_668 = arith.constant 0 : i32
    %dma_start3A_669 = arith.constant 0 : i32
    %dma_start3A_670 = tpu.memref_slice %arg3[%dma_start3A_668, %dma_start3A_669] : memref<2600000x64xf32, #tpu.memory_space<hbm>> -> memref<2600000x64xf32, #tpu.memory_space<hbm>>
    tpu.enqueue_indirect_dma source(%dma_start3A_670 : memref<2600000x64xf32, #tpu.memory_space<hbm>>) target(%dma_start3A_664 : memref<128x64xf32, #tpu.memory_space<vmem>>) offsets(%dma_start3A_667 : memref<128xi32, #tpu.memory_space<vmem>>) semaphore(%arg8 : memref<!tpu.dma_semaphore, #tpu.memory_space<semaphore_mem>>)
    %dma_wait3A_671 = arith.constant 12 : i32
    %dma_wait3A_672 = arith.constant 0 : i32
    %dma_wait3A_673 = arith.constant 0 : i32
    %dma_wait3A_674 = arith.constant 0 : i32
    %dma_wait3A_675 = tpu.memref_slice %arg6[%dma_wait3A_672, %dma_wait3A_673, %dma_wait3A_674] : memref<2x128x64xf32, #tpu.memory_space<vmem>> -> memref<1x128x64xf32, #tpu.memory_space<vmem>>
    %dma_wait3A_676 = tpu.memref_squeeze %dma_wait3A_675 : memref<1x128x64xf32, #tpu.memory_space<vmem>> -> memref<128x64xf32, #tpu.memory_space<vmem>>
    %dma_wait3A_677 = arith.constant 0 : i32
    %dma_wait3A_678 = tpu.memref_slice %arg5[%dma_wait3A_671, %dma_wait3A_677] : memref<26x128xi32, #tpu.memory_space<vmem>> -> memref<1x128xi32, #tpu.memory_space<vmem>>
    %dma_wait3A_679 = tpu.memref_squeeze %dma_wait3A_678 : memref<1x128xi32, #tpu.memory_space<vmem>> -> memref<128xi32, #tpu.memory_space<vmem>>
    %dma_wait3A_680 = arith.constant 0 : i32
    %dma_wait3A_681 = arith.constant 0 : i32
    %dma_wait3A_682 = tpu.memref_slice %arg3[%dma_wait3A_680, %dma_wait3A_681] : memref<2600000x64xf32, #tpu.memory_space<hbm>> -> memref<2600000x64xf32, #tpu.memory_space<hbm>>
    tpu.wait_indirect_dma semaphore(%arg7 : memref<!tpu.dma_semaphore, #tpu.memory_space<semaphore_mem>>) src(%dma_wait3A_682 : memref<2600000x64xf32, #tpu.memory_space<hbm>>) dst(%dma_wait3A_676 : memref<128x64xf32, #tpu.memory_space<vmem>>)
    %mul3A_683 = arith.constant 3328 : i32
    %mul3A_684 = arith.muli %add3A, %mul3A_683 : i32
    %add3A_685 = arith.constant 1536 : i32
    %add3A_686 = arith.addi %mul3A_684, %add3A_685 : i32
    %dma_start3A_687 = arith.constant 0 : i32
    %dma_start3A_688 = arith.constant 0 : i32
    %dma_start3A_689 = arith.constant 0 : i32
    %dma_start3A_690 = tpu.memref_slice %arg6[%dma_start3A_687, %dma_start3A_688, %dma_start3A_689] : memref<2x128x64xf32, #tpu.memory_space<vmem>> -> memref<1x128x64xf32, #tpu.memory_space<vmem>>
    %dma_start3A_691 = tpu.memref_squeeze %dma_start3A_690 : memref<1x128x64xf32, #tpu.memory_space<vmem>> -> memref<128x64xf32, #tpu.memory_space<vmem>>
    %dma_start3A_692 = arith.constant 0 : i32
    %dma_start3A_693 = tpu.memref_slice %arg4[%add3A_686, %dma_start3A_692] : memref<106496x64xf32, #tpu.memory_space<hbm>> -> memref<128x64xf32, #tpu.memory_space<hbm>>
    %dma_start3A_694 = arith.constant 0 : i32
    %dma_start3A_695 = tpu.memref_slice %arg4[%add3A_686, %dma_start3A_694] : memref<106496x64xf32, #tpu.memory_space<hbm>> -> memref<128x64xf32, #tpu.memory_space<hbm>>
    %dma_start3A_696 = arith.constant 0 : i32
    %dma_start3A_697 = arith.constant 0 : i32
    %dma_start3A_698 = tpu.memref_slice %arg6[%dma_start3A_687, %dma_start3A_696, %dma_start3A_697] : memref<2x128x64xf32, #tpu.memory_space<vmem>> -> memref<1x128x64xf32, #tpu.memory_space<vmem>>
    %dma_start3A_699 = tpu.memref_squeeze %dma_start3A_698 : memref<1x128x64xf32, #tpu.memory_space<vmem>> -> memref<128x64xf32, #tpu.memory_space<vmem>>
    tpu.enqueue_dma source(%dma_start3A_699 : memref<128x64xf32, #tpu.memory_space<vmem>>) target(%dma_start3A_695 : memref<128x64xf32, #tpu.memory_space<hbm>>) target_semaphore(%arg9 : memref<!tpu.dma_semaphore, #tpu.memory_space<semaphore_mem>>)
    %dma_wait3A_700 = arith.constant 0 : i32
    %dma_wait3A_701 = arith.constant 0 : i32
    %dma_wait3A_702 = arith.constant 0 : i32
    %dma_wait3A_703 = tpu.memref_slice %arg6[%dma_wait3A_700, %dma_wait3A_701, %dma_wait3A_702] : memref<2x128x64xf32, #tpu.memory_space<vmem>> -> memref<1x128x64xf32, #tpu.memory_space<vmem>>
    %dma_wait3A_704 = tpu.memref_squeeze %dma_wait3A_703 : memref<1x128x64xf32, #tpu.memory_space<vmem>> -> memref<128x64xf32, #tpu.memory_space<vmem>>
    %dma_wait3A_705 = arith.constant 0 : i32
    %dma_wait3A_706 = tpu.memref_slice %arg4[%add3A_686, %dma_wait3A_705] : memref<106496x64xf32, #tpu.memory_space<hbm>> -> memref<128x64xf32, #tpu.memory_space<hbm>>
    %dma_wait3A_707 = arith.constant 0 : i32
    %dma_wait3A_708 = tpu.memref_slice %arg4[%add3A_686, %dma_wait3A_707] : memref<106496x64xf32, #tpu.memory_space<hbm>> -> memref<128x64xf32, #tpu.memory_space<hbm>>
    %dma_wait3A_709 = arith.constant 0 : i32
    %dma_wait3A_710 = arith.constant 0 : i32
    %dma_wait3A_711 = tpu.memref_slice %arg6[%dma_wait3A_700, %dma_wait3A_709, %dma_wait3A_710] : memref<2x128x64xf32, #tpu.memory_space<vmem>> -> memref<1x128x64xf32, #tpu.memory_space<vmem>>
    %dma_wait3A_712 = tpu.memref_squeeze %dma_wait3A_711 : memref<1x128x64xf32, #tpu.memory_space<vmem>> -> memref<128x64xf32, #tpu.memory_space<vmem>>
    tpu.wait_dma2 semaphore(%arg9 : memref<!tpu.dma_semaphore, #tpu.memory_space<semaphore_mem>>) src(%dma_wait3A_712 : memref<128x64xf32, #tpu.memory_space<vmem>>) dst(%dma_wait3A_708 : memref<128x64xf32, #tpu.memory_space<hbm>>)
    %dma_start3A_713 = arith.constant 14 : i32
    %dma_start3A_714 = arith.constant 0 : i32
    %dma_start3A_715 = arith.constant 0 : i32
    %dma_start3A_716 = arith.constant 0 : i32
    %dma_start3A_717 = tpu.memref_slice %arg6[%dma_start3A_714, %dma_start3A_715, %dma_start3A_716] : memref<2x128x64xf32, #tpu.memory_space<vmem>> -> memref<1x128x64xf32, #tpu.memory_space<vmem>>
    %dma_start3A_718 = tpu.memref_squeeze %dma_start3A_717 : memref<1x128x64xf32, #tpu.memory_space<vmem>> -> memref<128x64xf32, #tpu.memory_space<vmem>>
    %dma_start3A_719 = arith.constant 0 : i32
    %dma_start3A_720 = tpu.memref_slice %arg5[%dma_start3A_713, %dma_start3A_719] : memref<26x128xi32, #tpu.memory_space<vmem>> -> memref<1x128xi32, #tpu.memory_space<vmem>>
    %dma_start3A_721 = tpu.memref_squeeze %dma_start3A_720 : memref<1x128xi32, #tpu.memory_space<vmem>> -> memref<128xi32, #tpu.memory_space<vmem>>
    %dma_start3A_722 = arith.constant 0 : i32
    %dma_start3A_723 = arith.constant 0 : i32
    %dma_start3A_724 = tpu.memref_slice %arg3[%dma_start3A_722, %dma_start3A_723] : memref<2600000x64xf32, #tpu.memory_space<hbm>> -> memref<2600000x64xf32, #tpu.memory_space<hbm>>
    tpu.enqueue_indirect_dma source(%dma_start3A_724 : memref<2600000x64xf32, #tpu.memory_space<hbm>>) target(%dma_start3A_718 : memref<128x64xf32, #tpu.memory_space<vmem>>) offsets(%dma_start3A_721 : memref<128xi32, #tpu.memory_space<vmem>>) semaphore(%arg7 : memref<!tpu.dma_semaphore, #tpu.memory_space<semaphore_mem>>)
    %dma_wait3A_725 = arith.constant 13 : i32
    %dma_wait3A_726 = arith.constant 1 : i32
    %dma_wait3A_727 = arith.constant 0 : i32
    %dma_wait3A_728 = arith.constant 0 : i32
    %dma_wait3A_729 = tpu.memref_slice %arg6[%dma_wait3A_726, %dma_wait3A_727, %dma_wait3A_728] : memref<2x128x64xf32, #tpu.memory_space<vmem>> -> memref<1x128x64xf32, #tpu.memory_space<vmem>>
    %dma_wait3A_730 = tpu.memref_squeeze %dma_wait3A_729 : memref<1x128x64xf32, #tpu.memory_space<vmem>> -> memref<128x64xf32, #tpu.memory_space<vmem>>
    %dma_wait3A_731 = arith.constant 0 : i32
    %dma_wait3A_732 = tpu.memref_slice %arg5[%dma_wait3A_725, %dma_wait3A_731] : memref<26x128xi32, #tpu.memory_space<vmem>> -> memref<1x128xi32, #tpu.memory_space<vmem>>
    %dma_wait3A_733 = tpu.memref_squeeze %dma_wait3A_732 : memref<1x128xi32, #tpu.memory_space<vmem>> -> memref<128xi32, #tpu.memory_space<vmem>>
    %dma_wait3A_734 = arith.constant 0 : i32
    %dma_wait3A_735 = arith.constant 0 : i32
    %dma_wait3A_736 = tpu.memref_slice %arg3[%dma_wait3A_734, %dma_wait3A_735] : memref<2600000x64xf32, #tpu.memory_space<hbm>> -> memref<2600000x64xf32, #tpu.memory_space<hbm>>
    tpu.wait_indirect_dma semaphore(%arg8 : memref<!tpu.dma_semaphore, #tpu.memory_space<semaphore_mem>>) src(%dma_wait3A_736 : memref<2600000x64xf32, #tpu.memory_space<hbm>>) dst(%dma_wait3A_730 : memref<128x64xf32, #tpu.memory_space<vmem>>)
    %mul3A_737 = arith.constant 3328 : i32
    %mul3A_738 = arith.muli %add3A, %mul3A_737 : i32
    %add3A_739 = arith.constant 1664 : i32
    %add3A_740 = arith.addi %mul3A_738, %add3A_739 : i32
    %dma_start3A_741 = arith.constant 1 : i32
    %dma_start3A_742 = arith.constant 0 : i32
    %dma_start3A_743 = arith.constant 0 : i32
    %dma_start3A_744 = tpu.memref_slice %arg6[%dma_start3A_741, %dma_start3A_742, %dma_start3A_743] : memref<2x128x64xf32, #tpu.memory_space<vmem>> -> memref<1x128x64xf32, #tpu.memory_space<vmem>>
    %dma_start3A_745 = tpu.memref_squeeze %dma_start3A_744 : memref<1x128x64xf32, #tpu.memory_space<vmem>> -> memref<128x64xf32, #tpu.memory_space<vmem>>
    %dma_start3A_746 = arith.constant 0 : i32
    %dma_start3A_747 = tpu.memref_slice %arg4[%add3A_740, %dma_start3A_746] : memref<106496x64xf32, #tpu.memory_space<hbm>> -> memref<128x64xf32, #tpu.memory_space<hbm>>
    %dma_start3A_748 = arith.constant 0 : i32
    %dma_start3A_749 = tpu.memref_slice %arg4[%add3A_740, %dma_start3A_748] : memref<106496x64xf32, #tpu.memory_space<hbm>> -> memref<128x64xf32, #tpu.memory_space<hbm>>
    %dma_start3A_750 = arith.constant 0 : i32
    %dma_start3A_751 = arith.constant 0 : i32
    %dma_start3A_752 = tpu.memref_slice %arg6[%dma_start3A_741, %dma_start3A_750, %dma_start3A_751] : memref<2x128x64xf32, #tpu.memory_space<vmem>> -> memref<1x128x64xf32, #tpu.memory_space<vmem>>
    %dma_start3A_753 = tpu.memref_squeeze %dma_start3A_752 : memref<1x128x64xf32, #tpu.memory_space<vmem>> -> memref<128x64xf32, #tpu.memory_space<vmem>>
    tpu.enqueue_dma source(%dma_start3A_753 : memref<128x64xf32, #tpu.memory_space<vmem>>) target(%dma_start3A_749 : memref<128x64xf32, #tpu.memory_space<hbm>>) target_semaphore(%arg10 : memref<!tpu.dma_semaphore, #tpu.memory_space<semaphore_mem>>)
    %dma_wait3A_754 = arith.constant 1 : i32
    %dma_wait3A_755 = arith.constant 0 : i32
    %dma_wait3A_756 = arith.constant 0 : i32
    %dma_wait3A_757 = tpu.memref_slice %arg6[%dma_wait3A_754, %dma_wait3A_755, %dma_wait3A_756] : memref<2x128x64xf32, #tpu.memory_space<vmem>> -> memref<1x128x64xf32, #tpu.memory_space<vmem>>
    %dma_wait3A_758 = tpu.memref_squeeze %dma_wait3A_757 : memref<1x128x64xf32, #tpu.memory_space<vmem>> -> memref<128x64xf32, #tpu.memory_space<vmem>>
    %dma_wait3A_759 = arith.constant 0 : i32
    %dma_wait3A_760 = tpu.memref_slice %arg4[%add3A_740, %dma_wait3A_759] : memref<106496x64xf32, #tpu.memory_space<hbm>> -> memref<128x64xf32, #tpu.memory_space<hbm>>
    %dma_wait3A_761 = arith.constant 0 : i32
    %dma_wait3A_762 = tpu.memref_slice %arg4[%add3A_740, %dma_wait3A_761] : memref<106496x64xf32, #tpu.memory_space<hbm>> -> memref<128x64xf32, #tpu.memory_space<hbm>>
    %dma_wait3A_763 = arith.constant 0 : i32
    %dma_wait3A_764 = arith.constant 0 : i32
    %dma_wait3A_765 = tpu.memref_slice %arg6[%dma_wait3A_754, %dma_wait3A_763, %dma_wait3A_764] : memref<2x128x64xf32, #tpu.memory_space<vmem>> -> memref<1x128x64xf32, #tpu.memory_space<vmem>>
    %dma_wait3A_766 = tpu.memref_squeeze %dma_wait3A_765 : memref<1x128x64xf32, #tpu.memory_space<vmem>> -> memref<128x64xf32, #tpu.memory_space<vmem>>
    tpu.wait_dma2 semaphore(%arg10 : memref<!tpu.dma_semaphore, #tpu.memory_space<semaphore_mem>>) src(%dma_wait3A_766 : memref<128x64xf32, #tpu.memory_space<vmem>>) dst(%dma_wait3A_762 : memref<128x64xf32, #tpu.memory_space<hbm>>)
    %dma_start3A_767 = arith.constant 15 : i32
    %dma_start3A_768 = arith.constant 1 : i32
    %dma_start3A_769 = arith.constant 0 : i32
    %dma_start3A_770 = arith.constant 0 : i32
    %dma_start3A_771 = tpu.memref_slice %arg6[%dma_start3A_768, %dma_start3A_769, %dma_start3A_770] : memref<2x128x64xf32, #tpu.memory_space<vmem>> -> memref<1x128x64xf32, #tpu.memory_space<vmem>>
    %dma_start3A_772 = tpu.memref_squeeze %dma_start3A_771 : memref<1x128x64xf32, #tpu.memory_space<vmem>> -> memref<128x64xf32, #tpu.memory_space<vmem>>
    %dma_start3A_773 = arith.constant 0 : i32
    %dma_start3A_774 = tpu.memref_slice %arg5[%dma_start3A_767, %dma_start3A_773] : memref<26x128xi32, #tpu.memory_space<vmem>> -> memref<1x128xi32, #tpu.memory_space<vmem>>
    %dma_start3A_775 = tpu.memref_squeeze %dma_start3A_774 : memref<1x128xi32, #tpu.memory_space<vmem>> -> memref<128xi32, #tpu.memory_space<vmem>>
    %dma_start3A_776 = arith.constant 0 : i32
    %dma_start3A_777 = arith.constant 0 : i32
    %dma_start3A_778 = tpu.memref_slice %arg3[%dma_start3A_776, %dma_start3A_777] : memref<2600000x64xf32, #tpu.memory_space<hbm>> -> memref<2600000x64xf32, #tpu.memory_space<hbm>>
    tpu.enqueue_indirect_dma source(%dma_start3A_778 : memref<2600000x64xf32, #tpu.memory_space<hbm>>) target(%dma_start3A_772 : memref<128x64xf32, #tpu.memory_space<vmem>>) offsets(%dma_start3A_775 : memref<128xi32, #tpu.memory_space<vmem>>) semaphore(%arg8 : memref<!tpu.dma_semaphore, #tpu.memory_space<semaphore_mem>>)
    %dma_wait3A_779 = arith.constant 14 : i32
    %dma_wait3A_780 = arith.constant 0 : i32
    %dma_wait3A_781 = arith.constant 0 : i32
    %dma_wait3A_782 = arith.constant 0 : i32
    %dma_wait3A_783 = tpu.memref_slice %arg6[%dma_wait3A_780, %dma_wait3A_781, %dma_wait3A_782] : memref<2x128x64xf32, #tpu.memory_space<vmem>> -> memref<1x128x64xf32, #tpu.memory_space<vmem>>
    %dma_wait3A_784 = tpu.memref_squeeze %dma_wait3A_783 : memref<1x128x64xf32, #tpu.memory_space<vmem>> -> memref<128x64xf32, #tpu.memory_space<vmem>>
    %dma_wait3A_785 = arith.constant 0 : i32
    %dma_wait3A_786 = tpu.memref_slice %arg5[%dma_wait3A_779, %dma_wait3A_785] : memref<26x128xi32, #tpu.memory_space<vmem>> -> memref<1x128xi32, #tpu.memory_space<vmem>>
    %dma_wait3A_787 = tpu.memref_squeeze %dma_wait3A_786 : memref<1x128xi32, #tpu.memory_space<vmem>> -> memref<128xi32, #tpu.memory_space<vmem>>
    %dma_wait3A_788 = arith.constant 0 : i32
    %dma_wait3A_789 = arith.constant 0 : i32
    %dma_wait3A_790 = tpu.memref_slice %arg3[%dma_wait3A_788, %dma_wait3A_789] : memref<2600000x64xf32, #tpu.memory_space<hbm>> -> memref<2600000x64xf32, #tpu.memory_space<hbm>>
    tpu.wait_indirect_dma semaphore(%arg7 : memref<!tpu.dma_semaphore, #tpu.memory_space<semaphore_mem>>) src(%dma_wait3A_790 : memref<2600000x64xf32, #tpu.memory_space<hbm>>) dst(%dma_wait3A_784 : memref<128x64xf32, #tpu.memory_space<vmem>>)
    %mul3A_791 = arith.constant 3328 : i32
    %mul3A_792 = arith.muli %add3A, %mul3A_791 : i32
    %add3A_793 = arith.constant 1792 : i32
    %add3A_794 = arith.addi %mul3A_792, %add3A_793 : i32
    %dma_start3A_795 = arith.constant 0 : i32
    %dma_start3A_796 = arith.constant 0 : i32
    %dma_start3A_797 = arith.constant 0 : i32
    %dma_start3A_798 = tpu.memref_slice %arg6[%dma_start3A_795, %dma_start3A_796, %dma_start3A_797] : memref<2x128x64xf32, #tpu.memory_space<vmem>> -> memref<1x128x64xf32, #tpu.memory_space<vmem>>
    %dma_start3A_799 = tpu.memref_squeeze %dma_start3A_798 : memref<1x128x64xf32, #tpu.memory_space<vmem>> -> memref<128x64xf32, #tpu.memory_space<vmem>>
    %dma_start3A_800 = arith.constant 0 : i32
    %dma_start3A_801 = tpu.memref_slice %arg4[%add3A_794, %dma_start3A_800] : memref<106496x64xf32, #tpu.memory_space<hbm>> -> memref<128x64xf32, #tpu.memory_space<hbm>>
    %dma_start3A_802 = arith.constant 0 : i32
    %dma_start3A_803 = tpu.memref_slice %arg4[%add3A_794, %dma_start3A_802] : memref<106496x64xf32, #tpu.memory_space<hbm>> -> memref<128x64xf32, #tpu.memory_space<hbm>>
    %dma_start3A_804 = arith.constant 0 : i32
    %dma_start3A_805 = arith.constant 0 : i32
    %dma_start3A_806 = tpu.memref_slice %arg6[%dma_start3A_795, %dma_start3A_804, %dma_start3A_805] : memref<2x128x64xf32, #tpu.memory_space<vmem>> -> memref<1x128x64xf32, #tpu.memory_space<vmem>>
    %dma_start3A_807 = tpu.memref_squeeze %dma_start3A_806 : memref<1x128x64xf32, #tpu.memory_space<vmem>> -> memref<128x64xf32, #tpu.memory_space<vmem>>
    tpu.enqueue_dma source(%dma_start3A_807 : memref<128x64xf32, #tpu.memory_space<vmem>>) target(%dma_start3A_803 : memref<128x64xf32, #tpu.memory_space<hbm>>) target_semaphore(%arg9 : memref<!tpu.dma_semaphore, #tpu.memory_space<semaphore_mem>>)
    %dma_wait3A_808 = arith.constant 0 : i32
    %dma_wait3A_809 = arith.constant 0 : i32
    %dma_wait3A_810 = arith.constant 0 : i32
    %dma_wait3A_811 = tpu.memref_slice %arg6[%dma_wait3A_808, %dma_wait3A_809, %dma_wait3A_810] : memref<2x128x64xf32, #tpu.memory_space<vmem>> -> memref<1x128x64xf32, #tpu.memory_space<vmem>>
    %dma_wait3A_812 = tpu.memref_squeeze %dma_wait3A_811 : memref<1x128x64xf32, #tpu.memory_space<vmem>> -> memref<128x64xf32, #tpu.memory_space<vmem>>
    %dma_wait3A_813 = arith.constant 0 : i32
    %dma_wait3A_814 = tpu.memref_slice %arg4[%add3A_794, %dma_wait3A_813] : memref<106496x64xf32, #tpu.memory_space<hbm>> -> memref<128x64xf32, #tpu.memory_space<hbm>>
    %dma_wait3A_815 = arith.constant 0 : i32
    %dma_wait3A_816 = tpu.memref_slice %arg4[%add3A_794, %dma_wait3A_815] : memref<106496x64xf32, #tpu.memory_space<hbm>> -> memref<128x64xf32, #tpu.memory_space<hbm>>
    %dma_wait3A_817 = arith.constant 0 : i32
    %dma_wait3A_818 = arith.constant 0 : i32
    %dma_wait3A_819 = tpu.memref_slice %arg6[%dma_wait3A_808, %dma_wait3A_817, %dma_wait3A_818] : memref<2x128x64xf32, #tpu.memory_space<vmem>> -> memref<1x128x64xf32, #tpu.memory_space<vmem>>
    %dma_wait3A_820 = tpu.memref_squeeze %dma_wait3A_819 : memref<1x128x64xf32, #tpu.memory_space<vmem>> -> memref<128x64xf32, #tpu.memory_space<vmem>>
    tpu.wait_dma2 semaphore(%arg9 : memref<!tpu.dma_semaphore, #tpu.memory_space<semaphore_mem>>) src(%dma_wait3A_820 : memref<128x64xf32, #tpu.memory_space<vmem>>) dst(%dma_wait3A_816 : memref<128x64xf32, #tpu.memory_space<hbm>>)
    %dma_start3A_821 = arith.constant 16 : i32
    %dma_start3A_822 = arith.constant 0 : i32
    %dma_start3A_823 = arith.constant 0 : i32
    %dma_start3A_824 = arith.constant 0 : i32
    %dma_start3A_825 = tpu.memref_slice %arg6[%dma_start3A_822, %dma_start3A_823, %dma_start3A_824] : memref<2x128x64xf32, #tpu.memory_space<vmem>> -> memref<1x128x64xf32, #tpu.memory_space<vmem>>
    %dma_start3A_826 = tpu.memref_squeeze %dma_start3A_825 : memref<1x128x64xf32, #tpu.memory_space<vmem>> -> memref<128x64xf32, #tpu.memory_space<vmem>>
    %dma_start3A_827 = arith.constant 0 : i32
    %dma_start3A_828 = tpu.memref_slice %arg5[%dma_start3A_821, %dma_start3A_827] : memref<26x128xi32, #tpu.memory_space<vmem>> -> memref<1x128xi32, #tpu.memory_space<vmem>>
    %dma_start3A_829 = tpu.memref_squeeze %dma_start3A_828 : memref<1x128xi32, #tpu.memory_space<vmem>> -> memref<128xi32, #tpu.memory_space<vmem>>
    %dma_start3A_830 = arith.constant 0 : i32
    %dma_start3A_831 = arith.constant 0 : i32
    %dma_start3A_832 = tpu.memref_slice %arg3[%dma_start3A_830, %dma_start3A_831] : memref<2600000x64xf32, #tpu.memory_space<hbm>> -> memref<2600000x64xf32, #tpu.memory_space<hbm>>
    tpu.enqueue_indirect_dma source(%dma_start3A_832 : memref<2600000x64xf32, #tpu.memory_space<hbm>>) target(%dma_start3A_826 : memref<128x64xf32, #tpu.memory_space<vmem>>) offsets(%dma_start3A_829 : memref<128xi32, #tpu.memory_space<vmem>>) semaphore(%arg7 : memref<!tpu.dma_semaphore, #tpu.memory_space<semaphore_mem>>)
    %dma_wait3A_833 = arith.constant 15 : i32
    %dma_wait3A_834 = arith.constant 1 : i32
    %dma_wait3A_835 = arith.constant 0 : i32
    %dma_wait3A_836 = arith.constant 0 : i32
    %dma_wait3A_837 = tpu.memref_slice %arg6[%dma_wait3A_834, %dma_wait3A_835, %dma_wait3A_836] : memref<2x128x64xf32, #tpu.memory_space<vmem>> -> memref<1x128x64xf32, #tpu.memory_space<vmem>>
    %dma_wait3A_838 = tpu.memref_squeeze %dma_wait3A_837 : memref<1x128x64xf32, #tpu.memory_space<vmem>> -> memref<128x64xf32, #tpu.memory_space<vmem>>
    %dma_wait3A_839 = arith.constant 0 : i32
    %dma_wait3A_840 = tpu.memref_slice %arg5[%dma_wait3A_833, %dma_wait3A_839] : memref<26x128xi32, #tpu.memory_space<vmem>> -> memref<1x128xi32, #tpu.memory_space<vmem>>
    %dma_wait3A_841 = tpu.memref_squeeze %dma_wait3A_840 : memref<1x128xi32, #tpu.memory_space<vmem>> -> memref<128xi32, #tpu.memory_space<vmem>>
    %dma_wait3A_842 = arith.constant 0 : i32
    %dma_wait3A_843 = arith.constant 0 : i32
    %dma_wait3A_844 = tpu.memref_slice %arg3[%dma_wait3A_842, %dma_wait3A_843] : memref<2600000x64xf32, #tpu.memory_space<hbm>> -> memref<2600000x64xf32, #tpu.memory_space<hbm>>
    tpu.wait_indirect_dma semaphore(%arg8 : memref<!tpu.dma_semaphore, #tpu.memory_space<semaphore_mem>>) src(%dma_wait3A_844 : memref<2600000x64xf32, #tpu.memory_space<hbm>>) dst(%dma_wait3A_838 : memref<128x64xf32, #tpu.memory_space<vmem>>)
    %mul3A_845 = arith.constant 3328 : i32
    %mul3A_846 = arith.muli %add3A, %mul3A_845 : i32
    %add3A_847 = arith.constant 1920 : i32
    %add3A_848 = arith.addi %mul3A_846, %add3A_847 : i32
    %dma_start3A_849 = arith.constant 1 : i32
    %dma_start3A_850 = arith.constant 0 : i32
    %dma_start3A_851 = arith.constant 0 : i32
    %dma_start3A_852 = tpu.memref_slice %arg6[%dma_start3A_849, %dma_start3A_850, %dma_start3A_851] : memref<2x128x64xf32, #tpu.memory_space<vmem>> -> memref<1x128x64xf32, #tpu.memory_space<vmem>>
    %dma_start3A_853 = tpu.memref_squeeze %dma_start3A_852 : memref<1x128x64xf32, #tpu.memory_space<vmem>> -> memref<128x64xf32, #tpu.memory_space<vmem>>
    %dma_start3A_854 = arith.constant 0 : i32
    %dma_start3A_855 = tpu.memref_slice %arg4[%add3A_848, %dma_start3A_854] : memref<106496x64xf32, #tpu.memory_space<hbm>> -> memref<128x64xf32, #tpu.memory_space<hbm>>
    %dma_start3A_856 = arith.constant 0 : i32
    %dma_start3A_857 = tpu.memref_slice %arg4[%add3A_848, %dma_start3A_856] : memref<106496x64xf32, #tpu.memory_space<hbm>> -> memref<128x64xf32, #tpu.memory_space<hbm>>
    %dma_start3A_858 = arith.constant 0 : i32
    %dma_start3A_859 = arith.constant 0 : i32
    %dma_start3A_860 = tpu.memref_slice %arg6[%dma_start3A_849, %dma_start3A_858, %dma_start3A_859] : memref<2x128x64xf32, #tpu.memory_space<vmem>> -> memref<1x128x64xf32, #tpu.memory_space<vmem>>
    %dma_start3A_861 = tpu.memref_squeeze %dma_start3A_860 : memref<1x128x64xf32, #tpu.memory_space<vmem>> -> memref<128x64xf32, #tpu.memory_space<vmem>>
    tpu.enqueue_dma source(%dma_start3A_861 : memref<128x64xf32, #tpu.memory_space<vmem>>) target(%dma_start3A_857 : memref<128x64xf32, #tpu.memory_space<hbm>>) target_semaphore(%arg10 : memref<!tpu.dma_semaphore, #tpu.memory_space<semaphore_mem>>)
    %dma_wait3A_862 = arith.constant 1 : i32
    %dma_wait3A_863 = arith.constant 0 : i32
    %dma_wait3A_864 = arith.constant 0 : i32
    %dma_wait3A_865 = tpu.memref_slice %arg6[%dma_wait3A_862, %dma_wait3A_863, %dma_wait3A_864] : memref<2x128x64xf32, #tpu.memory_space<vmem>> -> memref<1x128x64xf32, #tpu.memory_space<vmem>>
    %dma_wait3A_866 = tpu.memref_squeeze %dma_wait3A_865 : memref<1x128x64xf32, #tpu.memory_space<vmem>> -> memref<128x64xf32, #tpu.memory_space<vmem>>
    %dma_wait3A_867 = arith.constant 0 : i32
    %dma_wait3A_868 = tpu.memref_slice %arg4[%add3A_848, %dma_wait3A_867] : memref<106496x64xf32, #tpu.memory_space<hbm>> -> memref<128x64xf32, #tpu.memory_space<hbm>>
    %dma_wait3A_869 = arith.constant 0 : i32
    %dma_wait3A_870 = tpu.memref_slice %arg4[%add3A_848, %dma_wait3A_869] : memref<106496x64xf32, #tpu.memory_space<hbm>> -> memref<128x64xf32, #tpu.memory_space<hbm>>
    %dma_wait3A_871 = arith.constant 0 : i32
    %dma_wait3A_872 = arith.constant 0 : i32
    %dma_wait3A_873 = tpu.memref_slice %arg6[%dma_wait3A_862, %dma_wait3A_871, %dma_wait3A_872] : memref<2x128x64xf32, #tpu.memory_space<vmem>> -> memref<1x128x64xf32, #tpu.memory_space<vmem>>
    %dma_wait3A_874 = tpu.memref_squeeze %dma_wait3A_873 : memref<1x128x64xf32, #tpu.memory_space<vmem>> -> memref<128x64xf32, #tpu.memory_space<vmem>>
    tpu.wait_dma2 semaphore(%arg10 : memref<!tpu.dma_semaphore, #tpu.memory_space<semaphore_mem>>) src(%dma_wait3A_874 : memref<128x64xf32, #tpu.memory_space<vmem>>) dst(%dma_wait3A_870 : memref<128x64xf32, #tpu.memory_space<hbm>>)
    %dma_start3A_875 = arith.constant 17 : i32
    %dma_start3A_876 = arith.constant 1 : i32
    %dma_start3A_877 = arith.constant 0 : i32
    %dma_start3A_878 = arith.constant 0 : i32
    %dma_start3A_879 = tpu.memref_slice %arg6[%dma_start3A_876, %dma_start3A_877, %dma_start3A_878] : memref<2x128x64xf32, #tpu.memory_space<vmem>> -> memref<1x128x64xf32, #tpu.memory_space<vmem>>
    %dma_start3A_880 = tpu.memref_squeeze %dma_start3A_879 : memref<1x128x64xf32, #tpu.memory_space<vmem>> -> memref<128x64xf32, #tpu.memory_space<vmem>>
    %dma_start3A_881 = arith.constant 0 : i32
    %dma_start3A_882 = tpu.memref_slice %arg5[%dma_start3A_875, %dma_start3A_881] : memref<26x128xi32, #tpu.memory_space<vmem>> -> memref<1x128xi32, #tpu.memory_space<vmem>>
    %dma_start3A_883 = tpu.memref_squeeze %dma_start3A_882 : memref<1x128xi32, #tpu.memory_space<vmem>> -> memref<128xi32, #tpu.memory_space<vmem>>
    %dma_start3A_884 = arith.constant 0 : i32
    %dma_start3A_885 = arith.constant 0 : i32
    %dma_start3A_886 = tpu.memref_slice %arg3[%dma_start3A_884, %dma_start3A_885] : memref<2600000x64xf32, #tpu.memory_space<hbm>> -> memref<2600000x64xf32, #tpu.memory_space<hbm>>
    tpu.enqueue_indirect_dma source(%dma_start3A_886 : memref<2600000x64xf32, #tpu.memory_space<hbm>>) target(%dma_start3A_880 : memref<128x64xf32, #tpu.memory_space<vmem>>) offsets(%dma_start3A_883 : memref<128xi32, #tpu.memory_space<vmem>>) semaphore(%arg8 : memref<!tpu.dma_semaphore, #tpu.memory_space<semaphore_mem>>)
    %dma_wait3A_887 = arith.constant 16 : i32
    %dma_wait3A_888 = arith.constant 0 : i32
    %dma_wait3A_889 = arith.constant 0 : i32
    %dma_wait3A_890 = arith.constant 0 : i32
    %dma_wait3A_891 = tpu.memref_slice %arg6[%dma_wait3A_888, %dma_wait3A_889, %dma_wait3A_890] : memref<2x128x64xf32, #tpu.memory_space<vmem>> -> memref<1x128x64xf32, #tpu.memory_space<vmem>>
    %dma_wait3A_892 = tpu.memref_squeeze %dma_wait3A_891 : memref<1x128x64xf32, #tpu.memory_space<vmem>> -> memref<128x64xf32, #tpu.memory_space<vmem>>
    %dma_wait3A_893 = arith.constant 0 : i32
    %dma_wait3A_894 = tpu.memref_slice %arg5[%dma_wait3A_887, %dma_wait3A_893] : memref<26x128xi32, #tpu.memory_space<vmem>> -> memref<1x128xi32, #tpu.memory_space<vmem>>
    %dma_wait3A_895 = tpu.memref_squeeze %dma_wait3A_894 : memref<1x128xi32, #tpu.memory_space<vmem>> -> memref<128xi32, #tpu.memory_space<vmem>>
    %dma_wait3A_896 = arith.constant 0 : i32
    %dma_wait3A_897 = arith.constant 0 : i32
    %dma_wait3A_898 = tpu.memref_slice %arg3[%dma_wait3A_896, %dma_wait3A_897] : memref<2600000x64xf32, #tpu.memory_space<hbm>> -> memref<2600000x64xf32, #tpu.memory_space<hbm>>
    tpu.wait_indirect_dma semaphore(%arg7 : memref<!tpu.dma_semaphore, #tpu.memory_space<semaphore_mem>>) src(%dma_wait3A_898 : memref<2600000x64xf32, #tpu.memory_space<hbm>>) dst(%dma_wait3A_892 : memref<128x64xf32, #tpu.memory_space<vmem>>)
    %mul3A_899 = arith.constant 3328 : i32
    %mul3A_900 = arith.muli %add3A, %mul3A_899 : i32
    %add3A_901 = arith.constant 2048 : i32
    %add3A_902 = arith.addi %mul3A_900, %add3A_901 : i32
    %dma_start3A_903 = arith.constant 0 : i32
    %dma_start3A_904 = arith.constant 0 : i32
    %dma_start3A_905 = arith.constant 0 : i32
    %dma_start3A_906 = tpu.memref_slice %arg6[%dma_start3A_903, %dma_start3A_904, %dma_start3A_905] : memref<2x128x64xf32, #tpu.memory_space<vmem>> -> memref<1x128x64xf32, #tpu.memory_space<vmem>>
    %dma_start3A_907 = tpu.memref_squeeze %dma_start3A_906 : memref<1x128x64xf32, #tpu.memory_space<vmem>> -> memref<128x64xf32, #tpu.memory_space<vmem>>
    %dma_start3A_908 = arith.constant 0 : i32
    %dma_start3A_909 = tpu.memref_slice %arg4[%add3A_902, %dma_start3A_908] : memref<106496x64xf32, #tpu.memory_space<hbm>> -> memref<128x64xf32, #tpu.memory_space<hbm>>
    %dma_start3A_910 = arith.constant 0 : i32
    %dma_start3A_911 = tpu.memref_slice %arg4[%add3A_902, %dma_start3A_910] : memref<106496x64xf32, #tpu.memory_space<hbm>> -> memref<128x64xf32, #tpu.memory_space<hbm>>
    %dma_start3A_912 = arith.constant 0 : i32
    %dma_start3A_913 = arith.constant 0 : i32
    %dma_start3A_914 = tpu.memref_slice %arg6[%dma_start3A_903, %dma_start3A_912, %dma_start3A_913] : memref<2x128x64xf32, #tpu.memory_space<vmem>> -> memref<1x128x64xf32, #tpu.memory_space<vmem>>
    %dma_start3A_915 = tpu.memref_squeeze %dma_start3A_914 : memref<1x128x64xf32, #tpu.memory_space<vmem>> -> memref<128x64xf32, #tpu.memory_space<vmem>>
    tpu.enqueue_dma source(%dma_start3A_915 : memref<128x64xf32, #tpu.memory_space<vmem>>) target(%dma_start3A_911 : memref<128x64xf32, #tpu.memory_space<hbm>>) target_semaphore(%arg9 : memref<!tpu.dma_semaphore, #tpu.memory_space<semaphore_mem>>)
    %dma_wait3A_916 = arith.constant 0 : i32
    %dma_wait3A_917 = arith.constant 0 : i32
    %dma_wait3A_918 = arith.constant 0 : i32
    %dma_wait3A_919 = tpu.memref_slice %arg6[%dma_wait3A_916, %dma_wait3A_917, %dma_wait3A_918] : memref<2x128x64xf32, #tpu.memory_space<vmem>> -> memref<1x128x64xf32, #tpu.memory_space<vmem>>
    %dma_wait3A_920 = tpu.memref_squeeze %dma_wait3A_919 : memref<1x128x64xf32, #tpu.memory_space<vmem>> -> memref<128x64xf32, #tpu.memory_space<vmem>>
    %dma_wait3A_921 = arith.constant 0 : i32
    %dma_wait3A_922 = tpu.memref_slice %arg4[%add3A_902, %dma_wait3A_921] : memref<106496x64xf32, #tpu.memory_space<hbm>> -> memref<128x64xf32, #tpu.memory_space<hbm>>
    %dma_wait3A_923 = arith.constant 0 : i32
    %dma_wait3A_924 = tpu.memref_slice %arg4[%add3A_902, %dma_wait3A_923] : memref<106496x64xf32, #tpu.memory_space<hbm>> -> memref<128x64xf32, #tpu.memory_space<hbm>>
    %dma_wait3A_925 = arith.constant 0 : i32
    %dma_wait3A_926 = arith.constant 0 : i32
    %dma_wait3A_927 = tpu.memref_slice %arg6[%dma_wait3A_916, %dma_wait3A_925, %dma_wait3A_926] : memref<2x128x64xf32, #tpu.memory_space<vmem>> -> memref<1x128x64xf32, #tpu.memory_space<vmem>>
    %dma_wait3A_928 = tpu.memref_squeeze %dma_wait3A_927 : memref<1x128x64xf32, #tpu.memory_space<vmem>> -> memref<128x64xf32, #tpu.memory_space<vmem>>
    tpu.wait_dma2 semaphore(%arg9 : memref<!tpu.dma_semaphore, #tpu.memory_space<semaphore_mem>>) src(%dma_wait3A_928 : memref<128x64xf32, #tpu.memory_space<vmem>>) dst(%dma_wait3A_924 : memref<128x64xf32, #tpu.memory_space<hbm>>)
    %dma_start3A_929 = arith.constant 18 : i32
    %dma_start3A_930 = arith.constant 0 : i32
    %dma_start3A_931 = arith.constant 0 : i32
    %dma_start3A_932 = arith.constant 0 : i32
    %dma_start3A_933 = tpu.memref_slice %arg6[%dma_start3A_930, %dma_start3A_931, %dma_start3A_932] : memref<2x128x64xf32, #tpu.memory_space<vmem>> -> memref<1x128x64xf32, #tpu.memory_space<vmem>>
    %dma_start3A_934 = tpu.memref_squeeze %dma_start3A_933 : memref<1x128x64xf32, #tpu.memory_space<vmem>> -> memref<128x64xf32, #tpu.memory_space<vmem>>
    %dma_start3A_935 = arith.constant 0 : i32
    %dma_start3A_936 = tpu.memref_slice %arg5[%dma_start3A_929, %dma_start3A_935] : memref<26x128xi32, #tpu.memory_space<vmem>> -> memref<1x128xi32, #tpu.memory_space<vmem>>
    %dma_start3A_937 = tpu.memref_squeeze %dma_start3A_936 : memref<1x128xi32, #tpu.memory_space<vmem>> -> memref<128xi32, #tpu.memory_space<vmem>>
    %dma_start3A_938 = arith.constant 0 : i32
    %dma_start3A_939 = arith.constant 0 : i32
    %dma_start3A_940 = tpu.memref_slice %arg3[%dma_start3A_938, %dma_start3A_939] : memref<2600000x64xf32, #tpu.memory_space<hbm>> -> memref<2600000x64xf32, #tpu.memory_space<hbm>>
    tpu.enqueue_indirect_dma source(%dma_start3A_940 : memref<2600000x64xf32, #tpu.memory_space<hbm>>) target(%dma_start3A_934 : memref<128x64xf32, #tpu.memory_space<vmem>>) offsets(%dma_start3A_937 : memref<128xi32, #tpu.memory_space<vmem>>) semaphore(%arg7 : memref<!tpu.dma_semaphore, #tpu.memory_space<semaphore_mem>>)
    %dma_wait3A_941 = arith.constant 17 : i32
    %dma_wait3A_942 = arith.constant 1 : i32
    %dma_wait3A_943 = arith.constant 0 : i32
    %dma_wait3A_944 = arith.constant 0 : i32
    %dma_wait3A_945 = tpu.memref_slice %arg6[%dma_wait3A_942, %dma_wait3A_943, %dma_wait3A_944] : memref<2x128x64xf32, #tpu.memory_space<vmem>> -> memref<1x128x64xf32, #tpu.memory_space<vmem>>
    %dma_wait3A_946 = tpu.memref_squeeze %dma_wait3A_945 : memref<1x128x64xf32, #tpu.memory_space<vmem>> -> memref<128x64xf32, #tpu.memory_space<vmem>>
    %dma_wait3A_947 = arith.constant 0 : i32
    %dma_wait3A_948 = tpu.memref_slice %arg5[%dma_wait3A_941, %dma_wait3A_947] : memref<26x128xi32, #tpu.memory_space<vmem>> -> memref<1x128xi32, #tpu.memory_space<vmem>>
    %dma_wait3A_949 = tpu.memref_squeeze %dma_wait3A_948 : memref<1x128xi32, #tpu.memory_space<vmem>> -> memref<128xi32, #tpu.memory_space<vmem>>
    %dma_wait3A_950 = arith.constant 0 : i32
    %dma_wait3A_951 = arith.constant 0 : i32
    %dma_wait3A_952 = tpu.memref_slice %arg3[%dma_wait3A_950, %dma_wait3A_951] : memref<2600000x64xf32, #tpu.memory_space<hbm>> -> memref<2600000x64xf32, #tpu.memory_space<hbm>>
    tpu.wait_indirect_dma semaphore(%arg8 : memref<!tpu.dma_semaphore, #tpu.memory_space<semaphore_mem>>) src(%dma_wait3A_952 : memref<2600000x64xf32, #tpu.memory_space<hbm>>) dst(%dma_wait3A_946 : memref<128x64xf32, #tpu.memory_space<vmem>>)
    %mul3A_953 = arith.constant 3328 : i32
    %mul3A_954 = arith.muli %add3A, %mul3A_953 : i32
    %add3A_955 = arith.constant 2176 : i32
    %add3A_956 = arith.addi %mul3A_954, %add3A_955 : i32
    %dma_start3A_957 = arith.constant 1 : i32
    %dma_start3A_958 = arith.constant 0 : i32
    %dma_start3A_959 = arith.constant 0 : i32
    %dma_start3A_960 = tpu.memref_slice %arg6[%dma_start3A_957, %dma_start3A_958, %dma_start3A_959] : memref<2x128x64xf32, #tpu.memory_space<vmem>> -> memref<1x128x64xf32, #tpu.memory_space<vmem>>
    %dma_start3A_961 = tpu.memref_squeeze %dma_start3A_960 : memref<1x128x64xf32, #tpu.memory_space<vmem>> -> memref<128x64xf32, #tpu.memory_space<vmem>>
    %dma_start3A_962 = arith.constant 0 : i32
    %dma_start3A_963 = tpu.memref_slice %arg4[%add3A_956, %dma_start3A_962] : memref<106496x64xf32, #tpu.memory_space<hbm>> -> memref<128x64xf32, #tpu.memory_space<hbm>>
    %dma_start3A_964 = arith.constant 0 : i32
    %dma_start3A_965 = tpu.memref_slice %arg4[%add3A_956, %dma_start3A_964] : memref<106496x64xf32, #tpu.memory_space<hbm>> -> memref<128x64xf32, #tpu.memory_space<hbm>>
    %dma_start3A_966 = arith.constant 0 : i32
    %dma_start3A_967 = arith.constant 0 : i32
    %dma_start3A_968 = tpu.memref_slice %arg6[%dma_start3A_957, %dma_start3A_966, %dma_start3A_967] : memref<2x128x64xf32, #tpu.memory_space<vmem>> -> memref<1x128x64xf32, #tpu.memory_space<vmem>>
    %dma_start3A_969 = tpu.memref_squeeze %dma_start3A_968 : memref<1x128x64xf32, #tpu.memory_space<vmem>> -> memref<128x64xf32, #tpu.memory_space<vmem>>
    tpu.enqueue_dma source(%dma_start3A_969 : memref<128x64xf32, #tpu.memory_space<vmem>>) target(%dma_start3A_965 : memref<128x64xf32, #tpu.memory_space<hbm>>) target_semaphore(%arg10 : memref<!tpu.dma_semaphore, #tpu.memory_space<semaphore_mem>>)
    %dma_wait3A_970 = arith.constant 1 : i32
    %dma_wait3A_971 = arith.constant 0 : i32
    %dma_wait3A_972 = arith.constant 0 : i32
    %dma_wait3A_973 = tpu.memref_slice %arg6[%dma_wait3A_970, %dma_wait3A_971, %dma_wait3A_972] : memref<2x128x64xf32, #tpu.memory_space<vmem>> -> memref<1x128x64xf32, #tpu.memory_space<vmem>>
    %dma_wait3A_974 = tpu.memref_squeeze %dma_wait3A_973 : memref<1x128x64xf32, #tpu.memory_space<vmem>> -> memref<128x64xf32, #tpu.memory_space<vmem>>
    %dma_wait3A_975 = arith.constant 0 : i32
    %dma_wait3A_976 = tpu.memref_slice %arg4[%add3A_956, %dma_wait3A_975] : memref<106496x64xf32, #tpu.memory_space<hbm>> -> memref<128x64xf32, #tpu.memory_space<hbm>>
    %dma_wait3A_977 = arith.constant 0 : i32
    %dma_wait3A_978 = tpu.memref_slice %arg4[%add3A_956, %dma_wait3A_977] : memref<106496x64xf32, #tpu.memory_space<hbm>> -> memref<128x64xf32, #tpu.memory_space<hbm>>
    %dma_wait3A_979 = arith.constant 0 : i32
    %dma_wait3A_980 = arith.constant 0 : i32
    %dma_wait3A_981 = tpu.memref_slice %arg6[%dma_wait3A_970, %dma_wait3A_979, %dma_wait3A_980] : memref<2x128x64xf32, #tpu.memory_space<vmem>> -> memref<1x128x64xf32, #tpu.memory_space<vmem>>
    %dma_wait3A_982 = tpu.memref_squeeze %dma_wait3A_981 : memref<1x128x64xf32, #tpu.memory_space<vmem>> -> memref<128x64xf32, #tpu.memory_space<vmem>>
    tpu.wait_dma2 semaphore(%arg10 : memref<!tpu.dma_semaphore, #tpu.memory_space<semaphore_mem>>) src(%dma_wait3A_982 : memref<128x64xf32, #tpu.memory_space<vmem>>) dst(%dma_wait3A_978 : memref<128x64xf32, #tpu.memory_space<hbm>>)
    %dma_start3A_983 = arith.constant 19 : i32
    %dma_start3A_984 = arith.constant 1 : i32
    %dma_start3A_985 = arith.constant 0 : i32
    %dma_start3A_986 = arith.constant 0 : i32
    %dma_start3A_987 = tpu.memref_slice %arg6[%dma_start3A_984, %dma_start3A_985, %dma_start3A_986] : memref<2x128x64xf32, #tpu.memory_space<vmem>> -> memref<1x128x64xf32, #tpu.memory_space<vmem>>
    %dma_start3A_988 = tpu.memref_squeeze %dma_start3A_987 : memref<1x128x64xf32, #tpu.memory_space<vmem>> -> memref<128x64xf32, #tpu.memory_space<vmem>>
    %dma_start3A_989 = arith.constant 0 : i32
    %dma_start3A_990 = tpu.memref_slice %arg5[%dma_start3A_983, %dma_start3A_989] : memref<26x128xi32, #tpu.memory_space<vmem>> -> memref<1x128xi32, #tpu.memory_space<vmem>>
    %dma_start3A_991 = tpu.memref_squeeze %dma_start3A_990 : memref<1x128xi32, #tpu.memory_space<vmem>> -> memref<128xi32, #tpu.memory_space<vmem>>
    %dma_start3A_992 = arith.constant 0 : i32
    %dma_start3A_993 = arith.constant 0 : i32
    %dma_start3A_994 = tpu.memref_slice %arg3[%dma_start3A_992, %dma_start3A_993] : memref<2600000x64xf32, #tpu.memory_space<hbm>> -> memref<2600000x64xf32, #tpu.memory_space<hbm>>
    tpu.enqueue_indirect_dma source(%dma_start3A_994 : memref<2600000x64xf32, #tpu.memory_space<hbm>>) target(%dma_start3A_988 : memref<128x64xf32, #tpu.memory_space<vmem>>) offsets(%dma_start3A_991 : memref<128xi32, #tpu.memory_space<vmem>>) semaphore(%arg8 : memref<!tpu.dma_semaphore, #tpu.memory_space<semaphore_mem>>)
    %dma_wait3A_995 = arith.constant 18 : i32
    %dma_wait3A_996 = arith.constant 0 : i32
    %dma_wait3A_997 = arith.constant 0 : i32
    %dma_wait3A_998 = arith.constant 0 : i32
    %dma_wait3A_999 = tpu.memref_slice %arg6[%dma_wait3A_996, %dma_wait3A_997, %dma_wait3A_998] : memref<2x128x64xf32, #tpu.memory_space<vmem>> -> memref<1x128x64xf32, #tpu.memory_space<vmem>>
    %dma_wait3A_1000 = tpu.memref_squeeze %dma_wait3A_999 : memref<1x128x64xf32, #tpu.memory_space<vmem>> -> memref<128x64xf32, #tpu.memory_space<vmem>>
    %dma_wait3A_1001 = arith.constant 0 : i32
    %dma_wait3A_1002 = tpu.memref_slice %arg5[%dma_wait3A_995, %dma_wait3A_1001] : memref<26x128xi32, #tpu.memory_space<vmem>> -> memref<1x128xi32, #tpu.memory_space<vmem>>
    %dma_wait3A_1003 = tpu.memref_squeeze %dma_wait3A_1002 : memref<1x128xi32, #tpu.memory_space<vmem>> -> memref<128xi32, #tpu.memory_space<vmem>>
    %dma_wait3A_1004 = arith.constant 0 : i32
    %dma_wait3A_1005 = arith.constant 0 : i32
    %dma_wait3A_1006 = tpu.memref_slice %arg3[%dma_wait3A_1004, %dma_wait3A_1005] : memref<2600000x64xf32, #tpu.memory_space<hbm>> -> memref<2600000x64xf32, #tpu.memory_space<hbm>>
    tpu.wait_indirect_dma semaphore(%arg7 : memref<!tpu.dma_semaphore, #tpu.memory_space<semaphore_mem>>) src(%dma_wait3A_1006 : memref<2600000x64xf32, #tpu.memory_space<hbm>>) dst(%dma_wait3A_1000 : memref<128x64xf32, #tpu.memory_space<vmem>>)
    %mul3A_1007 = arith.constant 3328 : i32
    %mul3A_1008 = arith.muli %add3A, %mul3A_1007 : i32
    %add3A_1009 = arith.constant 2304 : i32
    %add3A_1010 = arith.addi %mul3A_1008, %add3A_1009 : i32
    %dma_start3A_1011 = arith.constant 0 : i32
    %dma_start3A_1012 = arith.constant 0 : i32
    %dma_start3A_1013 = arith.constant 0 : i32
    %dma_start3A_1014 = tpu.memref_slice %arg6[%dma_start3A_1011, %dma_start3A_1012, %dma_start3A_1013] : memref<2x128x64xf32, #tpu.memory_space<vmem>> -> memref<1x128x64xf32, #tpu.memory_space<vmem>>
    %dma_start3A_1015 = tpu.memref_squeeze %dma_start3A_1014 : memref<1x128x64xf32, #tpu.memory_space<vmem>> -> memref<128x64xf32, #tpu.memory_space<vmem>>
    %dma_start3A_1016 = arith.constant 0 : i32
    %dma_start3A_1017 = tpu.memref_slice %arg4[%add3A_1010, %dma_start3A_1016] : memref<106496x64xf32, #tpu.memory_space<hbm>> -> memref<128x64xf32, #tpu.memory_space<hbm>>
    %dma_start3A_1018 = arith.constant 0 : i32
    %dma_start3A_1019 = tpu.memref_slice %arg4[%add3A_1010, %dma_start3A_1018] : memref<106496x64xf32, #tpu.memory_space<hbm>> -> memref<128x64xf32, #tpu.memory_space<hbm>>
    %dma_start3A_1020 = arith.constant 0 : i32
    %dma_start3A_1021 = arith.constant 0 : i32
    %dma_start3A_1022 = tpu.memref_slice %arg6[%dma_start3A_1011, %dma_start3A_1020, %dma_start3A_1021] : memref<2x128x64xf32, #tpu.memory_space<vmem>> -> memref<1x128x64xf32, #tpu.memory_space<vmem>>
    %dma_start3A_1023 = tpu.memref_squeeze %dma_start3A_1022 : memref<1x128x64xf32, #tpu.memory_space<vmem>> -> memref<128x64xf32, #tpu.memory_space<vmem>>
    tpu.enqueue_dma source(%dma_start3A_1023 : memref<128x64xf32, #tpu.memory_space<vmem>>) target(%dma_start3A_1019 : memref<128x64xf32, #tpu.memory_space<hbm>>) target_semaphore(%arg9 : memref<!tpu.dma_semaphore, #tpu.memory_space<semaphore_mem>>)
    %dma_wait3A_1024 = arith.constant 0 : i32
    %dma_wait3A_1025 = arith.constant 0 : i32
    %dma_wait3A_1026 = arith.constant 0 : i32
    %dma_wait3A_1027 = tpu.memref_slice %arg6[%dma_wait3A_1024, %dma_wait3A_1025, %dma_wait3A_1026] : memref<2x128x64xf32, #tpu.memory_space<vmem>> -> memref<1x128x64xf32, #tpu.memory_space<vmem>>
    %dma_wait3A_1028 = tpu.memref_squeeze %dma_wait3A_1027 : memref<1x128x64xf32, #tpu.memory_space<vmem>> -> memref<128x64xf32, #tpu.memory_space<vmem>>
    %dma_wait3A_1029 = arith.constant 0 : i32
    %dma_wait3A_1030 = tpu.memref_slice %arg4[%add3A_1010, %dma_wait3A_1029] : memref<106496x64xf32, #tpu.memory_space<hbm>> -> memref<128x64xf32, #tpu.memory_space<hbm>>
    %dma_wait3A_1031 = arith.constant 0 : i32
    %dma_wait3A_1032 = tpu.memref_slice %arg4[%add3A_1010, %dma_wait3A_1031] : memref<106496x64xf32, #tpu.memory_space<hbm>> -> memref<128x64xf32, #tpu.memory_space<hbm>>
    %dma_wait3A_1033 = arith.constant 0 : i32
    %dma_wait3A_1034 = arith.constant 0 : i32
    %dma_wait3A_1035 = tpu.memref_slice %arg6[%dma_wait3A_1024, %dma_wait3A_1033, %dma_wait3A_1034] : memref<2x128x64xf32, #tpu.memory_space<vmem>> -> memref<1x128x64xf32, #tpu.memory_space<vmem>>
    %dma_wait3A_1036 = tpu.memref_squeeze %dma_wait3A_1035 : memref<1x128x64xf32, #tpu.memory_space<vmem>> -> memref<128x64xf32, #tpu.memory_space<vmem>>
    tpu.wait_dma2 semaphore(%arg9 : memref<!tpu.dma_semaphore, #tpu.memory_space<semaphore_mem>>) src(%dma_wait3A_1036 : memref<128x64xf32, #tpu.memory_space<vmem>>) dst(%dma_wait3A_1032 : memref<128x64xf32, #tpu.memory_space<hbm>>)
    %dma_start3A_1037 = arith.constant 20 : i32
    %dma_start3A_1038 = arith.constant 0 : i32
    %dma_start3A_1039 = arith.constant 0 : i32
    %dma_start3A_1040 = arith.constant 0 : i32
    %dma_start3A_1041 = tpu.memref_slice %arg6[%dma_start3A_1038, %dma_start3A_1039, %dma_start3A_1040] : memref<2x128x64xf32, #tpu.memory_space<vmem>> -> memref<1x128x64xf32, #tpu.memory_space<vmem>>
    %dma_start3A_1042 = tpu.memref_squeeze %dma_start3A_1041 : memref<1x128x64xf32, #tpu.memory_space<vmem>> -> memref<128x64xf32, #tpu.memory_space<vmem>>
    %dma_start3A_1043 = arith.constant 0 : i32
    %dma_start3A_1044 = tpu.memref_slice %arg5[%dma_start3A_1037, %dma_start3A_1043] : memref<26x128xi32, #tpu.memory_space<vmem>> -> memref<1x128xi32, #tpu.memory_space<vmem>>
    %dma_start3A_1045 = tpu.memref_squeeze %dma_start3A_1044 : memref<1x128xi32, #tpu.memory_space<vmem>> -> memref<128xi32, #tpu.memory_space<vmem>>
    %dma_start3A_1046 = arith.constant 0 : i32
    %dma_start3A_1047 = arith.constant 0 : i32
    %dma_start3A_1048 = tpu.memref_slice %arg3[%dma_start3A_1046, %dma_start3A_1047] : memref<2600000x64xf32, #tpu.memory_space<hbm>> -> memref<2600000x64xf32, #tpu.memory_space<hbm>>
    tpu.enqueue_indirect_dma source(%dma_start3A_1048 : memref<2600000x64xf32, #tpu.memory_space<hbm>>) target(%dma_start3A_1042 : memref<128x64xf32, #tpu.memory_space<vmem>>) offsets(%dma_start3A_1045 : memref<128xi32, #tpu.memory_space<vmem>>) semaphore(%arg7 : memref<!tpu.dma_semaphore, #tpu.memory_space<semaphore_mem>>)
    %dma_wait3A_1049 = arith.constant 19 : i32
    %dma_wait3A_1050 = arith.constant 1 : i32
    %dma_wait3A_1051 = arith.constant 0 : i32
    %dma_wait3A_1052 = arith.constant 0 : i32
    %dma_wait3A_1053 = tpu.memref_slice %arg6[%dma_wait3A_1050, %dma_wait3A_1051, %dma_wait3A_1052] : memref<2x128x64xf32, #tpu.memory_space<vmem>> -> memref<1x128x64xf32, #tpu.memory_space<vmem>>
    %dma_wait3A_1054 = tpu.memref_squeeze %dma_wait3A_1053 : memref<1x128x64xf32, #tpu.memory_space<vmem>> -> memref<128x64xf32, #tpu.memory_space<vmem>>
    %dma_wait3A_1055 = arith.constant 0 : i32
    %dma_wait3A_1056 = tpu.memref_slice %arg5[%dma_wait3A_1049, %dma_wait3A_1055] : memref<26x128xi32, #tpu.memory_space<vmem>> -> memref<1x128xi32, #tpu.memory_space<vmem>>
    %dma_wait3A_1057 = tpu.memref_squeeze %dma_wait3A_1056 : memref<1x128xi32, #tpu.memory_space<vmem>> -> memref<128xi32, #tpu.memory_space<vmem>>
    %dma_wait3A_1058 = arith.constant 0 : i32
    %dma_wait3A_1059 = arith.constant 0 : i32
    %dma_wait3A_1060 = tpu.memref_slice %arg3[%dma_wait3A_1058, %dma_wait3A_1059] : memref<2600000x64xf32, #tpu.memory_space<hbm>> -> memref<2600000x64xf32, #tpu.memory_space<hbm>>
    tpu.wait_indirect_dma semaphore(%arg8 : memref<!tpu.dma_semaphore, #tpu.memory_space<semaphore_mem>>) src(%dma_wait3A_1060 : memref<2600000x64xf32, #tpu.memory_space<hbm>>) dst(%dma_wait3A_1054 : memref<128x64xf32, #tpu.memory_space<vmem>>)
    %mul3A_1061 = arith.constant 3328 : i32
    %mul3A_1062 = arith.muli %add3A, %mul3A_1061 : i32
    %add3A_1063 = arith.constant 2432 : i32
    %add3A_1064 = arith.addi %mul3A_1062, %add3A_1063 : i32
    %dma_start3A_1065 = arith.constant 1 : i32
    %dma_start3A_1066 = arith.constant 0 : i32
    %dma_start3A_1067 = arith.constant 0 : i32
    %dma_start3A_1068 = tpu.memref_slice %arg6[%dma_start3A_1065, %dma_start3A_1066, %dma_start3A_1067] : memref<2x128x64xf32, #tpu.memory_space<vmem>> -> memref<1x128x64xf32, #tpu.memory_space<vmem>>
    %dma_start3A_1069 = tpu.memref_squeeze %dma_start3A_1068 : memref<1x128x64xf32, #tpu.memory_space<vmem>> -> memref<128x64xf32, #tpu.memory_space<vmem>>
    %dma_start3A_1070 = arith.constant 0 : i32
    %dma_start3A_1071 = tpu.memref_slice %arg4[%add3A_1064, %dma_start3A_1070] : memref<106496x64xf32, #tpu.memory_space<hbm>> -> memref<128x64xf32, #tpu.memory_space<hbm>>
    %dma_start3A_1072 = arith.constant 0 : i32
    %dma_start3A_1073 = tpu.memref_slice %arg4[%add3A_1064, %dma_start3A_1072] : memref<106496x64xf32, #tpu.memory_space<hbm>> -> memref<128x64xf32, #tpu.memory_space<hbm>>
    %dma_start3A_1074 = arith.constant 0 : i32
    %dma_start3A_1075 = arith.constant 0 : i32
    %dma_start3A_1076 = tpu.memref_slice %arg6[%dma_start3A_1065, %dma_start3A_1074, %dma_start3A_1075] : memref<2x128x64xf32, #tpu.memory_space<vmem>> -> memref<1x128x64xf32, #tpu.memory_space<vmem>>
    %dma_start3A_1077 = tpu.memref_squeeze %dma_start3A_1076 : memref<1x128x64xf32, #tpu.memory_space<vmem>> -> memref<128x64xf32, #tpu.memory_space<vmem>>
    tpu.enqueue_dma source(%dma_start3A_1077 : memref<128x64xf32, #tpu.memory_space<vmem>>) target(%dma_start3A_1073 : memref<128x64xf32, #tpu.memory_space<hbm>>) target_semaphore(%arg10 : memref<!tpu.dma_semaphore, #tpu.memory_space<semaphore_mem>>)
    %dma_wait3A_1078 = arith.constant 1 : i32
    %dma_wait3A_1079 = arith.constant 0 : i32
    %dma_wait3A_1080 = arith.constant 0 : i32
    %dma_wait3A_1081 = tpu.memref_slice %arg6[%dma_wait3A_1078, %dma_wait3A_1079, %dma_wait3A_1080] : memref<2x128x64xf32, #tpu.memory_space<vmem>> -> memref<1x128x64xf32, #tpu.memory_space<vmem>>
    %dma_wait3A_1082 = tpu.memref_squeeze %dma_wait3A_1081 : memref<1x128x64xf32, #tpu.memory_space<vmem>> -> memref<128x64xf32, #tpu.memory_space<vmem>>
    %dma_wait3A_1083 = arith.constant 0 : i32
    %dma_wait3A_1084 = tpu.memref_slice %arg4[%add3A_1064, %dma_wait3A_1083] : memref<106496x64xf32, #tpu.memory_space<hbm>> -> memref<128x64xf32, #tpu.memory_space<hbm>>
    %dma_wait3A_1085 = arith.constant 0 : i32
    %dma_wait3A_1086 = tpu.memref_slice %arg4[%add3A_1064, %dma_wait3A_1085] : memref<106496x64xf32, #tpu.memory_space<hbm>> -> memref<128x64xf32, #tpu.memory_space<hbm>>
    %dma_wait3A_1087 = arith.constant 0 : i32
    %dma_wait3A_1088 = arith.constant 0 : i32
    %dma_wait3A_1089 = tpu.memref_slice %arg6[%dma_wait3A_1078, %dma_wait3A_1087, %dma_wait3A_1088] : memref<2x128x64xf32, #tpu.memory_space<vmem>> -> memref<1x128x64xf32, #tpu.memory_space<vmem>>
    %dma_wait3A_1090 = tpu.memref_squeeze %dma_wait3A_1089 : memref<1x128x64xf32, #tpu.memory_space<vmem>> -> memref<128x64xf32, #tpu.memory_space<vmem>>
    tpu.wait_dma2 semaphore(%arg10 : memref<!tpu.dma_semaphore, #tpu.memory_space<semaphore_mem>>) src(%dma_wait3A_1090 : memref<128x64xf32, #tpu.memory_space<vmem>>) dst(%dma_wait3A_1086 : memref<128x64xf32, #tpu.memory_space<hbm>>)
    %dma_start3A_1091 = arith.constant 21 : i32
    %dma_start3A_1092 = arith.constant 1 : i32
    %dma_start3A_1093 = arith.constant 0 : i32
    %dma_start3A_1094 = arith.constant 0 : i32
    %dma_start3A_1095 = tpu.memref_slice %arg6[%dma_start3A_1092, %dma_start3A_1093, %dma_start3A_1094] : memref<2x128x64xf32, #tpu.memory_space<vmem>> -> memref<1x128x64xf32, #tpu.memory_space<vmem>>
    %dma_start3A_1096 = tpu.memref_squeeze %dma_start3A_1095 : memref<1x128x64xf32, #tpu.memory_space<vmem>> -> memref<128x64xf32, #tpu.memory_space<vmem>>
    %dma_start3A_1097 = arith.constant 0 : i32
    %dma_start3A_1098 = tpu.memref_slice %arg5[%dma_start3A_1091, %dma_start3A_1097] : memref<26x128xi32, #tpu.memory_space<vmem>> -> memref<1x128xi32, #tpu.memory_space<vmem>>
    %dma_start3A_1099 = tpu.memref_squeeze %dma_start3A_1098 : memref<1x128xi32, #tpu.memory_space<vmem>> -> memref<128xi32, #tpu.memory_space<vmem>>
    %dma_start3A_1100 = arith.constant 0 : i32
    %dma_start3A_1101 = arith.constant 0 : i32
    %dma_start3A_1102 = tpu.memref_slice %arg3[%dma_start3A_1100, %dma_start3A_1101] : memref<2600000x64xf32, #tpu.memory_space<hbm>> -> memref<2600000x64xf32, #tpu.memory_space<hbm>>
    tpu.enqueue_indirect_dma source(%dma_start3A_1102 : memref<2600000x64xf32, #tpu.memory_space<hbm>>) target(%dma_start3A_1096 : memref<128x64xf32, #tpu.memory_space<vmem>>) offsets(%dma_start3A_1099 : memref<128xi32, #tpu.memory_space<vmem>>) semaphore(%arg8 : memref<!tpu.dma_semaphore, #tpu.memory_space<semaphore_mem>>)
    %dma_wait3A_1103 = arith.constant 20 : i32
    %dma_wait3A_1104 = arith.constant 0 : i32
    %dma_wait3A_1105 = arith.constant 0 : i32
    %dma_wait3A_1106 = arith.constant 0 : i32
    %dma_wait3A_1107 = tpu.memref_slice %arg6[%dma_wait3A_1104, %dma_wait3A_1105, %dma_wait3A_1106] : memref<2x128x64xf32, #tpu.memory_space<vmem>> -> memref<1x128x64xf32, #tpu.memory_space<vmem>>
    %dma_wait3A_1108 = tpu.memref_squeeze %dma_wait3A_1107 : memref<1x128x64xf32, #tpu.memory_space<vmem>> -> memref<128x64xf32, #tpu.memory_space<vmem>>
    %dma_wait3A_1109 = arith.constant 0 : i32
    %dma_wait3A_1110 = tpu.memref_slice %arg5[%dma_wait3A_1103, %dma_wait3A_1109] : memref<26x128xi32, #tpu.memory_space<vmem>> -> memref<1x128xi32, #tpu.memory_space<vmem>>
    %dma_wait3A_1111 = tpu.memref_squeeze %dma_wait3A_1110 : memref<1x128xi32, #tpu.memory_space<vmem>> -> memref<128xi32, #tpu.memory_space<vmem>>
    %dma_wait3A_1112 = arith.constant 0 : i32
    %dma_wait3A_1113 = arith.constant 0 : i32
    %dma_wait3A_1114 = tpu.memref_slice %arg3[%dma_wait3A_1112, %dma_wait3A_1113] : memref<2600000x64xf32, #tpu.memory_space<hbm>> -> memref<2600000x64xf32, #tpu.memory_space<hbm>>
    tpu.wait_indirect_dma semaphore(%arg7 : memref<!tpu.dma_semaphore, #tpu.memory_space<semaphore_mem>>) src(%dma_wait3A_1114 : memref<2600000x64xf32, #tpu.memory_space<hbm>>) dst(%dma_wait3A_1108 : memref<128x64xf32, #tpu.memory_space<vmem>>)
    %mul3A_1115 = arith.constant 3328 : i32
    %mul3A_1116 = arith.muli %add3A, %mul3A_1115 : i32
    %add3A_1117 = arith.constant 2560 : i32
    %add3A_1118 = arith.addi %mul3A_1116, %add3A_1117 : i32
    %dma_start3A_1119 = arith.constant 0 : i32
    %dma_start3A_1120 = arith.constant 0 : i32
    %dma_start3A_1121 = arith.constant 0 : i32
    %dma_start3A_1122 = tpu.memref_slice %arg6[%dma_start3A_1119, %dma_start3A_1120, %dma_start3A_1121] : memref<2x128x64xf32, #tpu.memory_space<vmem>> -> memref<1x128x64xf32, #tpu.memory_space<vmem>>
    %dma_start3A_1123 = tpu.memref_squeeze %dma_start3A_1122 : memref<1x128x64xf32, #tpu.memory_space<vmem>> -> memref<128x64xf32, #tpu.memory_space<vmem>>
    %dma_start3A_1124 = arith.constant 0 : i32
    %dma_start3A_1125 = tpu.memref_slice %arg4[%add3A_1118, %dma_start3A_1124] : memref<106496x64xf32, #tpu.memory_space<hbm>> -> memref<128x64xf32, #tpu.memory_space<hbm>>
    %dma_start3A_1126 = arith.constant 0 : i32
    %dma_start3A_1127 = tpu.memref_slice %arg4[%add3A_1118, %dma_start3A_1126] : memref<106496x64xf32, #tpu.memory_space<hbm>> -> memref<128x64xf32, #tpu.memory_space<hbm>>
    %dma_start3A_1128 = arith.constant 0 : i32
    %dma_start3A_1129 = arith.constant 0 : i32
    %dma_start3A_1130 = tpu.memref_slice %arg6[%dma_start3A_1119, %dma_start3A_1128, %dma_start3A_1129] : memref<2x128x64xf32, #tpu.memory_space<vmem>> -> memref<1x128x64xf32, #tpu.memory_space<vmem>>
    %dma_start3A_1131 = tpu.memref_squeeze %dma_start3A_1130 : memref<1x128x64xf32, #tpu.memory_space<vmem>> -> memref<128x64xf32, #tpu.memory_space<vmem>>
    tpu.enqueue_dma source(%dma_start3A_1131 : memref<128x64xf32, #tpu.memory_space<vmem>>) target(%dma_start3A_1127 : memref<128x64xf32, #tpu.memory_space<hbm>>) target_semaphore(%arg9 : memref<!tpu.dma_semaphore, #tpu.memory_space<semaphore_mem>>)
    %dma_wait3A_1132 = arith.constant 0 : i32
    %dma_wait3A_1133 = arith.constant 0 : i32
    %dma_wait3A_1134 = arith.constant 0 : i32
    %dma_wait3A_1135 = tpu.memref_slice %arg6[%dma_wait3A_1132, %dma_wait3A_1133, %dma_wait3A_1134] : memref<2x128x64xf32, #tpu.memory_space<vmem>> -> memref<1x128x64xf32, #tpu.memory_space<vmem>>
    %dma_wait3A_1136 = tpu.memref_squeeze %dma_wait3A_1135 : memref<1x128x64xf32, #tpu.memory_space<vmem>> -> memref<128x64xf32, #tpu.memory_space<vmem>>
    %dma_wait3A_1137 = arith.constant 0 : i32
    %dma_wait3A_1138 = tpu.memref_slice %arg4[%add3A_1118, %dma_wait3A_1137] : memref<106496x64xf32, #tpu.memory_space<hbm>> -> memref<128x64xf32, #tpu.memory_space<hbm>>
    %dma_wait3A_1139 = arith.constant 0 : i32
    %dma_wait3A_1140 = tpu.memref_slice %arg4[%add3A_1118, %dma_wait3A_1139] : memref<106496x64xf32, #tpu.memory_space<hbm>> -> memref<128x64xf32, #tpu.memory_space<hbm>>
    %dma_wait3A_1141 = arith.constant 0 : i32
    %dma_wait3A_1142 = arith.constant 0 : i32
    %dma_wait3A_1143 = tpu.memref_slice %arg6[%dma_wait3A_1132, %dma_wait3A_1141, %dma_wait3A_1142] : memref<2x128x64xf32, #tpu.memory_space<vmem>> -> memref<1x128x64xf32, #tpu.memory_space<vmem>>
    %dma_wait3A_1144 = tpu.memref_squeeze %dma_wait3A_1143 : memref<1x128x64xf32, #tpu.memory_space<vmem>> -> memref<128x64xf32, #tpu.memory_space<vmem>>
    tpu.wait_dma2 semaphore(%arg9 : memref<!tpu.dma_semaphore, #tpu.memory_space<semaphore_mem>>) src(%dma_wait3A_1144 : memref<128x64xf32, #tpu.memory_space<vmem>>) dst(%dma_wait3A_1140 : memref<128x64xf32, #tpu.memory_space<hbm>>)
    %dma_start3A_1145 = arith.constant 22 : i32
    %dma_start3A_1146 = arith.constant 0 : i32
    %dma_start3A_1147 = arith.constant 0 : i32
    %dma_start3A_1148 = arith.constant 0 : i32
    %dma_start3A_1149 = tpu.memref_slice %arg6[%dma_start3A_1146, %dma_start3A_1147, %dma_start3A_1148] : memref<2x128x64xf32, #tpu.memory_space<vmem>> -> memref<1x128x64xf32, #tpu.memory_space<vmem>>
    %dma_start3A_1150 = tpu.memref_squeeze %dma_start3A_1149 : memref<1x128x64xf32, #tpu.memory_space<vmem>> -> memref<128x64xf32, #tpu.memory_space<vmem>>
    %dma_start3A_1151 = arith.constant 0 : i32
    %dma_start3A_1152 = tpu.memref_slice %arg5[%dma_start3A_1145, %dma_start3A_1151] : memref<26x128xi32, #tpu.memory_space<vmem>> -> memref<1x128xi32, #tpu.memory_space<vmem>>
    %dma_start3A_1153 = tpu.memref_squeeze %dma_start3A_1152 : memref<1x128xi32, #tpu.memory_space<vmem>> -> memref<128xi32, #tpu.memory_space<vmem>>
    %dma_start3A_1154 = arith.constant 0 : i32
    %dma_start3A_1155 = arith.constant 0 : i32
    %dma_start3A_1156 = tpu.memref_slice %arg3[%dma_start3A_1154, %dma_start3A_1155] : memref<2600000x64xf32, #tpu.memory_space<hbm>> -> memref<2600000x64xf32, #tpu.memory_space<hbm>>
    tpu.enqueue_indirect_dma source(%dma_start3A_1156 : memref<2600000x64xf32, #tpu.memory_space<hbm>>) target(%dma_start3A_1150 : memref<128x64xf32, #tpu.memory_space<vmem>>) offsets(%dma_start3A_1153 : memref<128xi32, #tpu.memory_space<vmem>>) semaphore(%arg7 : memref<!tpu.dma_semaphore, #tpu.memory_space<semaphore_mem>>)
    %dma_wait3A_1157 = arith.constant 21 : i32
    %dma_wait3A_1158 = arith.constant 1 : i32
    %dma_wait3A_1159 = arith.constant 0 : i32
    %dma_wait3A_1160 = arith.constant 0 : i32
    %dma_wait3A_1161 = tpu.memref_slice %arg6[%dma_wait3A_1158, %dma_wait3A_1159, %dma_wait3A_1160] : memref<2x128x64xf32, #tpu.memory_space<vmem>> -> memref<1x128x64xf32, #tpu.memory_space<vmem>>
    %dma_wait3A_1162 = tpu.memref_squeeze %dma_wait3A_1161 : memref<1x128x64xf32, #tpu.memory_space<vmem>> -> memref<128x64xf32, #tpu.memory_space<vmem>>
    %dma_wait3A_1163 = arith.constant 0 : i32
    %dma_wait3A_1164 = tpu.memref_slice %arg5[%dma_wait3A_1157, %dma_wait3A_1163] : memref<26x128xi32, #tpu.memory_space<vmem>> -> memref<1x128xi32, #tpu.memory_space<vmem>>
    %dma_wait3A_1165 = tpu.memref_squeeze %dma_wait3A_1164 : memref<1x128xi32, #tpu.memory_space<vmem>> -> memref<128xi32, #tpu.memory_space<vmem>>
    %dma_wait3A_1166 = arith.constant 0 : i32
    %dma_wait3A_1167 = arith.constant 0 : i32
    %dma_wait3A_1168 = tpu.memref_slice %arg3[%dma_wait3A_1166, %dma_wait3A_1167] : memref<2600000x64xf32, #tpu.memory_space<hbm>> -> memref<2600000x64xf32, #tpu.memory_space<hbm>>
    tpu.wait_indirect_dma semaphore(%arg8 : memref<!tpu.dma_semaphore, #tpu.memory_space<semaphore_mem>>) src(%dma_wait3A_1168 : memref<2600000x64xf32, #tpu.memory_space<hbm>>) dst(%dma_wait3A_1162 : memref<128x64xf32, #tpu.memory_space<vmem>>)
    %mul3A_1169 = arith.constant 3328 : i32
    %mul3A_1170 = arith.muli %add3A, %mul3A_1169 : i32
    %add3A_1171 = arith.constant 2688 : i32
    %add3A_1172 = arith.addi %mul3A_1170, %add3A_1171 : i32
    %dma_start3A_1173 = arith.constant 1 : i32
    %dma_start3A_1174 = arith.constant 0 : i32
    %dma_start3A_1175 = arith.constant 0 : i32
    %dma_start3A_1176 = tpu.memref_slice %arg6[%dma_start3A_1173, %dma_start3A_1174, %dma_start3A_1175] : memref<2x128x64xf32, #tpu.memory_space<vmem>> -> memref<1x128x64xf32, #tpu.memory_space<vmem>>
    %dma_start3A_1177 = tpu.memref_squeeze %dma_start3A_1176 : memref<1x128x64xf32, #tpu.memory_space<vmem>> -> memref<128x64xf32, #tpu.memory_space<vmem>>
    %dma_start3A_1178 = arith.constant 0 : i32
    %dma_start3A_1179 = tpu.memref_slice %arg4[%add3A_1172, %dma_start3A_1178] : memref<106496x64xf32, #tpu.memory_space<hbm>> -> memref<128x64xf32, #tpu.memory_space<hbm>>
    %dma_start3A_1180 = arith.constant 0 : i32
    %dma_start3A_1181 = tpu.memref_slice %arg4[%add3A_1172, %dma_start3A_1180] : memref<106496x64xf32, #tpu.memory_space<hbm>> -> memref<128x64xf32, #tpu.memory_space<hbm>>
    %dma_start3A_1182 = arith.constant 0 : i32
    %dma_start3A_1183 = arith.constant 0 : i32
    %dma_start3A_1184 = tpu.memref_slice %arg6[%dma_start3A_1173, %dma_start3A_1182, %dma_start3A_1183] : memref<2x128x64xf32, #tpu.memory_space<vmem>> -> memref<1x128x64xf32, #tpu.memory_space<vmem>>
    %dma_start3A_1185 = tpu.memref_squeeze %dma_start3A_1184 : memref<1x128x64xf32, #tpu.memory_space<vmem>> -> memref<128x64xf32, #tpu.memory_space<vmem>>
    tpu.enqueue_dma source(%dma_start3A_1185 : memref<128x64xf32, #tpu.memory_space<vmem>>) target(%dma_start3A_1181 : memref<128x64xf32, #tpu.memory_space<hbm>>) target_semaphore(%arg10 : memref<!tpu.dma_semaphore, #tpu.memory_space<semaphore_mem>>)
    %dma_wait3A_1186 = arith.constant 1 : i32
    %dma_wait3A_1187 = arith.constant 0 : i32
    %dma_wait3A_1188 = arith.constant 0 : i32
    %dma_wait3A_1189 = tpu.memref_slice %arg6[%dma_wait3A_1186, %dma_wait3A_1187, %dma_wait3A_1188] : memref<2x128x64xf32, #tpu.memory_space<vmem>> -> memref<1x128x64xf32, #tpu.memory_space<vmem>>
    %dma_wait3A_1190 = tpu.memref_squeeze %dma_wait3A_1189 : memref<1x128x64xf32, #tpu.memory_space<vmem>> -> memref<128x64xf32, #tpu.memory_space<vmem>>
    %dma_wait3A_1191 = arith.constant 0 : i32
    %dma_wait3A_1192 = tpu.memref_slice %arg4[%add3A_1172, %dma_wait3A_1191] : memref<106496x64xf32, #tpu.memory_space<hbm>> -> memref<128x64xf32, #tpu.memory_space<hbm>>
    %dma_wait3A_1193 = arith.constant 0 : i32
    %dma_wait3A_1194 = tpu.memref_slice %arg4[%add3A_1172, %dma_wait3A_1193] : memref<106496x64xf32, #tpu.memory_space<hbm>> -> memref<128x64xf32, #tpu.memory_space<hbm>>
    %dma_wait3A_1195 = arith.constant 0 : i32
    %dma_wait3A_1196 = arith.constant 0 : i32
    %dma_wait3A_1197 = tpu.memref_slice %arg6[%dma_wait3A_1186, %dma_wait3A_1195, %dma_wait3A_1196] : memref<2x128x64xf32, #tpu.memory_space<vmem>> -> memref<1x128x64xf32, #tpu.memory_space<vmem>>
    %dma_wait3A_1198 = tpu.memref_squeeze %dma_wait3A_1197 : memref<1x128x64xf32, #tpu.memory_space<vmem>> -> memref<128x64xf32, #tpu.memory_space<vmem>>
    tpu.wait_dma2 semaphore(%arg10 : memref<!tpu.dma_semaphore, #tpu.memory_space<semaphore_mem>>) src(%dma_wait3A_1198 : memref<128x64xf32, #tpu.memory_space<vmem>>) dst(%dma_wait3A_1194 : memref<128x64xf32, #tpu.memory_space<hbm>>)
    %dma_start3A_1199 = arith.constant 23 : i32
    %dma_start3A_1200 = arith.constant 1 : i32
    %dma_start3A_1201 = arith.constant 0 : i32
    %dma_start3A_1202 = arith.constant 0 : i32
    %dma_start3A_1203 = tpu.memref_slice %arg6[%dma_start3A_1200, %dma_start3A_1201, %dma_start3A_1202] : memref<2x128x64xf32, #tpu.memory_space<vmem>> -> memref<1x128x64xf32, #tpu.memory_space<vmem>>
    %dma_start3A_1204 = tpu.memref_squeeze %dma_start3A_1203 : memref<1x128x64xf32, #tpu.memory_space<vmem>> -> memref<128x64xf32, #tpu.memory_space<vmem>>
    %dma_start3A_1205 = arith.constant 0 : i32
    %dma_start3A_1206 = tpu.memref_slice %arg5[%dma_start3A_1199, %dma_start3A_1205] : memref<26x128xi32, #tpu.memory_space<vmem>> -> memref<1x128xi32, #tpu.memory_space<vmem>>
    %dma_start3A_1207 = tpu.memref_squeeze %dma_start3A_1206 : memref<1x128xi32, #tpu.memory_space<vmem>> -> memref<128xi32, #tpu.memory_space<vmem>>
    %dma_start3A_1208 = arith.constant 0 : i32
    %dma_start3A_1209 = arith.constant 0 : i32
    %dma_start3A_1210 = tpu.memref_slice %arg3[%dma_start3A_1208, %dma_start3A_1209] : memref<2600000x64xf32, #tpu.memory_space<hbm>> -> memref<2600000x64xf32, #tpu.memory_space<hbm>>
    tpu.enqueue_indirect_dma source(%dma_start3A_1210 : memref<2600000x64xf32, #tpu.memory_space<hbm>>) target(%dma_start3A_1204 : memref<128x64xf32, #tpu.memory_space<vmem>>) offsets(%dma_start3A_1207 : memref<128xi32, #tpu.memory_space<vmem>>) semaphore(%arg8 : memref<!tpu.dma_semaphore, #tpu.memory_space<semaphore_mem>>)
    %dma_wait3A_1211 = arith.constant 22 : i32
    %dma_wait3A_1212 = arith.constant 0 : i32
    %dma_wait3A_1213 = arith.constant 0 : i32
    %dma_wait3A_1214 = arith.constant 0 : i32
    %dma_wait3A_1215 = tpu.memref_slice %arg6[%dma_wait3A_1212, %dma_wait3A_1213, %dma_wait3A_1214] : memref<2x128x64xf32, #tpu.memory_space<vmem>> -> memref<1x128x64xf32, #tpu.memory_space<vmem>>
    %dma_wait3A_1216 = tpu.memref_squeeze %dma_wait3A_1215 : memref<1x128x64xf32, #tpu.memory_space<vmem>> -> memref<128x64xf32, #tpu.memory_space<vmem>>
    %dma_wait3A_1217 = arith.constant 0 : i32
    %dma_wait3A_1218 = tpu.memref_slice %arg5[%dma_wait3A_1211, %dma_wait3A_1217] : memref<26x128xi32, #tpu.memory_space<vmem>> -> memref<1x128xi32, #tpu.memory_space<vmem>>
    %dma_wait3A_1219 = tpu.memref_squeeze %dma_wait3A_1218 : memref<1x128xi32, #tpu.memory_space<vmem>> -> memref<128xi32, #tpu.memory_space<vmem>>
    %dma_wait3A_1220 = arith.constant 0 : i32
    %dma_wait3A_1221 = arith.constant 0 : i32
    %dma_wait3A_1222 = tpu.memref_slice %arg3[%dma_wait3A_1220, %dma_wait3A_1221] : memref<2600000x64xf32, #tpu.memory_space<hbm>> -> memref<2600000x64xf32, #tpu.memory_space<hbm>>
    tpu.wait_indirect_dma semaphore(%arg7 : memref<!tpu.dma_semaphore, #tpu.memory_space<semaphore_mem>>) src(%dma_wait3A_1222 : memref<2600000x64xf32, #tpu.memory_space<hbm>>) dst(%dma_wait3A_1216 : memref<128x64xf32, #tpu.memory_space<vmem>>)
    %mul3A_1223 = arith.constant 3328 : i32
    %mul3A_1224 = arith.muli %add3A, %mul3A_1223 : i32
    %add3A_1225 = arith.constant 2816 : i32
    %add3A_1226 = arith.addi %mul3A_1224, %add3A_1225 : i32
    %dma_start3A_1227 = arith.constant 0 : i32
    %dma_start3A_1228 = arith.constant 0 : i32
    %dma_start3A_1229 = arith.constant 0 : i32
    %dma_start3A_1230 = tpu.memref_slice %arg6[%dma_start3A_1227, %dma_start3A_1228, %dma_start3A_1229] : memref<2x128x64xf32, #tpu.memory_space<vmem>> -> memref<1x128x64xf32, #tpu.memory_space<vmem>>
    %dma_start3A_1231 = tpu.memref_squeeze %dma_start3A_1230 : memref<1x128x64xf32, #tpu.memory_space<vmem>> -> memref<128x64xf32, #tpu.memory_space<vmem>>
    %dma_start3A_1232 = arith.constant 0 : i32
    %dma_start3A_1233 = tpu.memref_slice %arg4[%add3A_1226, %dma_start3A_1232] : memref<106496x64xf32, #tpu.memory_space<hbm>> -> memref<128x64xf32, #tpu.memory_space<hbm>>
    %dma_start3A_1234 = arith.constant 0 : i32
    %dma_start3A_1235 = tpu.memref_slice %arg4[%add3A_1226, %dma_start3A_1234] : memref<106496x64xf32, #tpu.memory_space<hbm>> -> memref<128x64xf32, #tpu.memory_space<hbm>>
    %dma_start3A_1236 = arith.constant 0 : i32
    %dma_start3A_1237 = arith.constant 0 : i32
    %dma_start3A_1238 = tpu.memref_slice %arg6[%dma_start3A_1227, %dma_start3A_1236, %dma_start3A_1237] : memref<2x128x64xf32, #tpu.memory_space<vmem>> -> memref<1x128x64xf32, #tpu.memory_space<vmem>>
    %dma_start3A_1239 = tpu.memref_squeeze %dma_start3A_1238 : memref<1x128x64xf32, #tpu.memory_space<vmem>> -> memref<128x64xf32, #tpu.memory_space<vmem>>
    tpu.enqueue_dma source(%dma_start3A_1239 : memref<128x64xf32, #tpu.memory_space<vmem>>) target(%dma_start3A_1235 : memref<128x64xf32, #tpu.memory_space<hbm>>) target_semaphore(%arg9 : memref<!tpu.dma_semaphore, #tpu.memory_space<semaphore_mem>>)
    %dma_wait3A_1240 = arith.constant 0 : i32
    %dma_wait3A_1241 = arith.constant 0 : i32
    %dma_wait3A_1242 = arith.constant 0 : i32
    %dma_wait3A_1243 = tpu.memref_slice %arg6[%dma_wait3A_1240, %dma_wait3A_1241, %dma_wait3A_1242] : memref<2x128x64xf32, #tpu.memory_space<vmem>> -> memref<1x128x64xf32, #tpu.memory_space<vmem>>
    %dma_wait3A_1244 = tpu.memref_squeeze %dma_wait3A_1243 : memref<1x128x64xf32, #tpu.memory_space<vmem>> -> memref<128x64xf32, #tpu.memory_space<vmem>>
    %dma_wait3A_1245 = arith.constant 0 : i32
    %dma_wait3A_1246 = tpu.memref_slice %arg4[%add3A_1226, %dma_wait3A_1245] : memref<106496x64xf32, #tpu.memory_space<hbm>> -> memref<128x64xf32, #tpu.memory_space<hbm>>
    %dma_wait3A_1247 = arith.constant 0 : i32
    %dma_wait3A_1248 = tpu.memref_slice %arg4[%add3A_1226, %dma_wait3A_1247] : memref<106496x64xf32, #tpu.memory_space<hbm>> -> memref<128x64xf32, #tpu.memory_space<hbm>>
    %dma_wait3A_1249 = arith.constant 0 : i32
    %dma_wait3A_1250 = arith.constant 0 : i32
    %dma_wait3A_1251 = tpu.memref_slice %arg6[%dma_wait3A_1240, %dma_wait3A_1249, %dma_wait3A_1250] : memref<2x128x64xf32, #tpu.memory_space<vmem>> -> memref<1x128x64xf32, #tpu.memory_space<vmem>>
    %dma_wait3A_1252 = tpu.memref_squeeze %dma_wait3A_1251 : memref<1x128x64xf32, #tpu.memory_space<vmem>> -> memref<128x64xf32, #tpu.memory_space<vmem>>
    tpu.wait_dma2 semaphore(%arg9 : memref<!tpu.dma_semaphore, #tpu.memory_space<semaphore_mem>>) src(%dma_wait3A_1252 : memref<128x64xf32, #tpu.memory_space<vmem>>) dst(%dma_wait3A_1248 : memref<128x64xf32, #tpu.memory_space<hbm>>)
    %dma_start3A_1253 = arith.constant 24 : i32
    %dma_start3A_1254 = arith.constant 0 : i32
    %dma_start3A_1255 = arith.constant 0 : i32
    %dma_start3A_1256 = arith.constant 0 : i32
    %dma_start3A_1257 = tpu.memref_slice %arg6[%dma_start3A_1254, %dma_start3A_1255, %dma_start3A_1256] : memref<2x128x64xf32, #tpu.memory_space<vmem>> -> memref<1x128x64xf32, #tpu.memory_space<vmem>>
    %dma_start3A_1258 = tpu.memref_squeeze %dma_start3A_1257 : memref<1x128x64xf32, #tpu.memory_space<vmem>> -> memref<128x64xf32, #tpu.memory_space<vmem>>
    %dma_start3A_1259 = arith.constant 0 : i32
    %dma_start3A_1260 = tpu.memref_slice %arg5[%dma_start3A_1253, %dma_start3A_1259] : memref<26x128xi32, #tpu.memory_space<vmem>> -> memref<1x128xi32, #tpu.memory_space<vmem>>
    %dma_start3A_1261 = tpu.memref_squeeze %dma_start3A_1260 : memref<1x128xi32, #tpu.memory_space<vmem>> -> memref<128xi32, #tpu.memory_space<vmem>>
    %dma_start3A_1262 = arith.constant 0 : i32
    %dma_start3A_1263 = arith.constant 0 : i32
    %dma_start3A_1264 = tpu.memref_slice %arg3[%dma_start3A_1262, %dma_start3A_1263] : memref<2600000x64xf32, #tpu.memory_space<hbm>> -> memref<2600000x64xf32, #tpu.memory_space<hbm>>
    tpu.enqueue_indirect_dma source(%dma_start3A_1264 : memref<2600000x64xf32, #tpu.memory_space<hbm>>) target(%dma_start3A_1258 : memref<128x64xf32, #tpu.memory_space<vmem>>) offsets(%dma_start3A_1261 : memref<128xi32, #tpu.memory_space<vmem>>) semaphore(%arg7 : memref<!tpu.dma_semaphore, #tpu.memory_space<semaphore_mem>>)
    %dma_wait3A_1265 = arith.constant 23 : i32
    %dma_wait3A_1266 = arith.constant 1 : i32
    %dma_wait3A_1267 = arith.constant 0 : i32
    %dma_wait3A_1268 = arith.constant 0 : i32
    %dma_wait3A_1269 = tpu.memref_slice %arg6[%dma_wait3A_1266, %dma_wait3A_1267, %dma_wait3A_1268] : memref<2x128x64xf32, #tpu.memory_space<vmem>> -> memref<1x128x64xf32, #tpu.memory_space<vmem>>
    %dma_wait3A_1270 = tpu.memref_squeeze %dma_wait3A_1269 : memref<1x128x64xf32, #tpu.memory_space<vmem>> -> memref<128x64xf32, #tpu.memory_space<vmem>>
    %dma_wait3A_1271 = arith.constant 0 : i32
    %dma_wait3A_1272 = tpu.memref_slice %arg5[%dma_wait3A_1265, %dma_wait3A_1271] : memref<26x128xi32, #tpu.memory_space<vmem>> -> memref<1x128xi32, #tpu.memory_space<vmem>>
    %dma_wait3A_1273 = tpu.memref_squeeze %dma_wait3A_1272 : memref<1x128xi32, #tpu.memory_space<vmem>> -> memref<128xi32, #tpu.memory_space<vmem>>
    %dma_wait3A_1274 = arith.constant 0 : i32
    %dma_wait3A_1275 = arith.constant 0 : i32
    %dma_wait3A_1276 = tpu.memref_slice %arg3[%dma_wait3A_1274, %dma_wait3A_1275] : memref<2600000x64xf32, #tpu.memory_space<hbm>> -> memref<2600000x64xf32, #tpu.memory_space<hbm>>
    tpu.wait_indirect_dma semaphore(%arg8 : memref<!tpu.dma_semaphore, #tpu.memory_space<semaphore_mem>>) src(%dma_wait3A_1276 : memref<2600000x64xf32, #tpu.memory_space<hbm>>) dst(%dma_wait3A_1270 : memref<128x64xf32, #tpu.memory_space<vmem>>)
    %mul3A_1277 = arith.constant 3328 : i32
    %mul3A_1278 = arith.muli %add3A, %mul3A_1277 : i32
    %add3A_1279 = arith.constant 2944 : i32
    %add3A_1280 = arith.addi %mul3A_1278, %add3A_1279 : i32
    %dma_start3A_1281 = arith.constant 1 : i32
    %dma_start3A_1282 = arith.constant 0 : i32
    %dma_start3A_1283 = arith.constant 0 : i32
    %dma_start3A_1284 = tpu.memref_slice %arg6[%dma_start3A_1281, %dma_start3A_1282, %dma_start3A_1283] : memref<2x128x64xf32, #tpu.memory_space<vmem>> -> memref<1x128x64xf32, #tpu.memory_space<vmem>>
    %dma_start3A_1285 = tpu.memref_squeeze %dma_start3A_1284 : memref<1x128x64xf32, #tpu.memory_space<vmem>> -> memref<128x64xf32, #tpu.memory_space<vmem>>
    %dma_start3A_1286 = arith.constant 0 : i32
    %dma_start3A_1287 = tpu.memref_slice %arg4[%add3A_1280, %dma_start3A_1286] : memref<106496x64xf32, #tpu.memory_space<hbm>> -> memref<128x64xf32, #tpu.memory_space<hbm>>
    %dma_start3A_1288 = arith.constant 0 : i32
    %dma_start3A_1289 = tpu.memref_slice %arg4[%add3A_1280, %dma_start3A_1288] : memref<106496x64xf32, #tpu.memory_space<hbm>> -> memref<128x64xf32, #tpu.memory_space<hbm>>
    %dma_start3A_1290 = arith.constant 0 : i32
    %dma_start3A_1291 = arith.constant 0 : i32
    %dma_start3A_1292 = tpu.memref_slice %arg6[%dma_start3A_1281, %dma_start3A_1290, %dma_start3A_1291] : memref<2x128x64xf32, #tpu.memory_space<vmem>> -> memref<1x128x64xf32, #tpu.memory_space<vmem>>
    %dma_start3A_1293 = tpu.memref_squeeze %dma_start3A_1292 : memref<1x128x64xf32, #tpu.memory_space<vmem>> -> memref<128x64xf32, #tpu.memory_space<vmem>>
    tpu.enqueue_dma source(%dma_start3A_1293 : memref<128x64xf32, #tpu.memory_space<vmem>>) target(%dma_start3A_1289 : memref<128x64xf32, #tpu.memory_space<hbm>>) target_semaphore(%arg10 : memref<!tpu.dma_semaphore, #tpu.memory_space<semaphore_mem>>)
    %dma_wait3A_1294 = arith.constant 1 : i32
    %dma_wait3A_1295 = arith.constant 0 : i32
    %dma_wait3A_1296 = arith.constant 0 : i32
    %dma_wait3A_1297 = tpu.memref_slice %arg6[%dma_wait3A_1294, %dma_wait3A_1295, %dma_wait3A_1296] : memref<2x128x64xf32, #tpu.memory_space<vmem>> -> memref<1x128x64xf32, #tpu.memory_space<vmem>>
    %dma_wait3A_1298 = tpu.memref_squeeze %dma_wait3A_1297 : memref<1x128x64xf32, #tpu.memory_space<vmem>> -> memref<128x64xf32, #tpu.memory_space<vmem>>
    %dma_wait3A_1299 = arith.constant 0 : i32
    %dma_wait3A_1300 = tpu.memref_slice %arg4[%add3A_1280, %dma_wait3A_1299] : memref<106496x64xf32, #tpu.memory_space<hbm>> -> memref<128x64xf32, #tpu.memory_space<hbm>>
    %dma_wait3A_1301 = arith.constant 0 : i32
    %dma_wait3A_1302 = tpu.memref_slice %arg4[%add3A_1280, %dma_wait3A_1301] : memref<106496x64xf32, #tpu.memory_space<hbm>> -> memref<128x64xf32, #tpu.memory_space<hbm>>
    %dma_wait3A_1303 = arith.constant 0 : i32
    %dma_wait3A_1304 = arith.constant 0 : i32
    %dma_wait3A_1305 = tpu.memref_slice %arg6[%dma_wait3A_1294, %dma_wait3A_1303, %dma_wait3A_1304] : memref<2x128x64xf32, #tpu.memory_space<vmem>> -> memref<1x128x64xf32, #tpu.memory_space<vmem>>
    %dma_wait3A_1306 = tpu.memref_squeeze %dma_wait3A_1305 : memref<1x128x64xf32, #tpu.memory_space<vmem>> -> memref<128x64xf32, #tpu.memory_space<vmem>>
    tpu.wait_dma2 semaphore(%arg10 : memref<!tpu.dma_semaphore, #tpu.memory_space<semaphore_mem>>) src(%dma_wait3A_1306 : memref<128x64xf32, #tpu.memory_space<vmem>>) dst(%dma_wait3A_1302 : memref<128x64xf32, #tpu.memory_space<hbm>>)
    %dma_start3A_1307 = arith.constant 25 : i32
    %dma_start3A_1308 = arith.constant 1 : i32
    %dma_start3A_1309 = arith.constant 0 : i32
    %dma_start3A_1310 = arith.constant 0 : i32
    %dma_start3A_1311 = tpu.memref_slice %arg6[%dma_start3A_1308, %dma_start3A_1309, %dma_start3A_1310] : memref<2x128x64xf32, #tpu.memory_space<vmem>> -> memref<1x128x64xf32, #tpu.memory_space<vmem>>
    %dma_start3A_1312 = tpu.memref_squeeze %dma_start3A_1311 : memref<1x128x64xf32, #tpu.memory_space<vmem>> -> memref<128x64xf32, #tpu.memory_space<vmem>>
    %dma_start3A_1313 = arith.constant 0 : i32
    %dma_start3A_1314 = tpu.memref_slice %arg5[%dma_start3A_1307, %dma_start3A_1313] : memref<26x128xi32, #tpu.memory_space<vmem>> -> memref<1x128xi32, #tpu.memory_space<vmem>>
    %dma_start3A_1315 = tpu.memref_squeeze %dma_start3A_1314 : memref<1x128xi32, #tpu.memory_space<vmem>> -> memref<128xi32, #tpu.memory_space<vmem>>
    %dma_start3A_1316 = arith.constant 0 : i32
    %dma_start3A_1317 = arith.constant 0 : i32
    %dma_start3A_1318 = tpu.memref_slice %arg3[%dma_start3A_1316, %dma_start3A_1317] : memref<2600000x64xf32, #tpu.memory_space<hbm>> -> memref<2600000x64xf32, #tpu.memory_space<hbm>>
    tpu.enqueue_indirect_dma source(%dma_start3A_1318 : memref<2600000x64xf32, #tpu.memory_space<hbm>>) target(%dma_start3A_1312 : memref<128x64xf32, #tpu.memory_space<vmem>>) offsets(%dma_start3A_1315 : memref<128xi32, #tpu.memory_space<vmem>>) semaphore(%arg8 : memref<!tpu.dma_semaphore, #tpu.memory_space<semaphore_mem>>)
    %dma_wait3A_1319 = arith.constant 24 : i32
    %dma_wait3A_1320 = arith.constant 0 : i32
    %dma_wait3A_1321 = arith.constant 0 : i32
    %dma_wait3A_1322 = arith.constant 0 : i32
    %dma_wait3A_1323 = tpu.memref_slice %arg6[%dma_wait3A_1320, %dma_wait3A_1321, %dma_wait3A_1322] : memref<2x128x64xf32, #tpu.memory_space<vmem>> -> memref<1x128x64xf32, #tpu.memory_space<vmem>>
    %dma_wait3A_1324 = tpu.memref_squeeze %dma_wait3A_1323 : memref<1x128x64xf32, #tpu.memory_space<vmem>> -> memref<128x64xf32, #tpu.memory_space<vmem>>
    %dma_wait3A_1325 = arith.constant 0 : i32
    %dma_wait3A_1326 = tpu.memref_slice %arg5[%dma_wait3A_1319, %dma_wait3A_1325] : memref<26x128xi32, #tpu.memory_space<vmem>> -> memref<1x128xi32, #tpu.memory_space<vmem>>
    %dma_wait3A_1327 = tpu.memref_squeeze %dma_wait3A_1326 : memref<1x128xi32, #tpu.memory_space<vmem>> -> memref<128xi32, #tpu.memory_space<vmem>>
    %dma_wait3A_1328 = arith.constant 0 : i32
    %dma_wait3A_1329 = arith.constant 0 : i32
    %dma_wait3A_1330 = tpu.memref_slice %arg3[%dma_wait3A_1328, %dma_wait3A_1329] : memref<2600000x64xf32, #tpu.memory_space<hbm>> -> memref<2600000x64xf32, #tpu.memory_space<hbm>>
    tpu.wait_indirect_dma semaphore(%arg7 : memref<!tpu.dma_semaphore, #tpu.memory_space<semaphore_mem>>) src(%dma_wait3A_1330 : memref<2600000x64xf32, #tpu.memory_space<hbm>>) dst(%dma_wait3A_1324 : memref<128x64xf32, #tpu.memory_space<vmem>>)
    %mul3A_1331 = arith.constant 3328 : i32
    %mul3A_1332 = arith.muli %add3A, %mul3A_1331 : i32
    %add3A_1333 = arith.constant 3072 : i32
    %add3A_1334 = arith.addi %mul3A_1332, %add3A_1333 : i32
    %dma_start3A_1335 = arith.constant 0 : i32
    %dma_start3A_1336 = arith.constant 0 : i32
    %dma_start3A_1337 = arith.constant 0 : i32
    %dma_start3A_1338 = tpu.memref_slice %arg6[%dma_start3A_1335, %dma_start3A_1336, %dma_start3A_1337] : memref<2x128x64xf32, #tpu.memory_space<vmem>> -> memref<1x128x64xf32, #tpu.memory_space<vmem>>
    %dma_start3A_1339 = tpu.memref_squeeze %dma_start3A_1338 : memref<1x128x64xf32, #tpu.memory_space<vmem>> -> memref<128x64xf32, #tpu.memory_space<vmem>>
    %dma_start3A_1340 = arith.constant 0 : i32
    %dma_start3A_1341 = tpu.memref_slice %arg4[%add3A_1334, %dma_start3A_1340] : memref<106496x64xf32, #tpu.memory_space<hbm>> -> memref<128x64xf32, #tpu.memory_space<hbm>>
    %dma_start3A_1342 = arith.constant 0 : i32
    %dma_start3A_1343 = tpu.memref_slice %arg4[%add3A_1334, %dma_start3A_1342] : memref<106496x64xf32, #tpu.memory_space<hbm>> -> memref<128x64xf32, #tpu.memory_space<hbm>>
    %dma_start3A_1344 = arith.constant 0 : i32
    %dma_start3A_1345 = arith.constant 0 : i32
    %dma_start3A_1346 = tpu.memref_slice %arg6[%dma_start3A_1335, %dma_start3A_1344, %dma_start3A_1345] : memref<2x128x64xf32, #tpu.memory_space<vmem>> -> memref<1x128x64xf32, #tpu.memory_space<vmem>>
    %dma_start3A_1347 = tpu.memref_squeeze %dma_start3A_1346 : memref<1x128x64xf32, #tpu.memory_space<vmem>> -> memref<128x64xf32, #tpu.memory_space<vmem>>
    tpu.enqueue_dma source(%dma_start3A_1347 : memref<128x64xf32, #tpu.memory_space<vmem>>) target(%dma_start3A_1343 : memref<128x64xf32, #tpu.memory_space<hbm>>) target_semaphore(%arg9 : memref<!tpu.dma_semaphore, #tpu.memory_space<semaphore_mem>>)
    %dma_wait3A_1348 = arith.constant 25 : i32
    %dma_wait3A_1349 = arith.constant 1 : i32
    %dma_wait3A_1350 = arith.constant 0 : i32
    %dma_wait3A_1351 = arith.constant 0 : i32
    %dma_wait3A_1352 = tpu.memref_slice %arg6[%dma_wait3A_1349, %dma_wait3A_1350, %dma_wait3A_1351] : memref<2x128x64xf32, #tpu.memory_space<vmem>> -> memref<1x128x64xf32, #tpu.memory_space<vmem>>
    %dma_wait3A_1353 = tpu.memref_squeeze %dma_wait3A_1352 : memref<1x128x64xf32, #tpu.memory_space<vmem>> -> memref<128x64xf32, #tpu.memory_space<vmem>>
    %dma_wait3A_1354 = arith.constant 0 : i32
    %dma_wait3A_1355 = tpu.memref_slice %arg5[%dma_wait3A_1348, %dma_wait3A_1354] : memref<26x128xi32, #tpu.memory_space<vmem>> -> memref<1x128xi32, #tpu.memory_space<vmem>>
    %dma_wait3A_1356 = tpu.memref_squeeze %dma_wait3A_1355 : memref<1x128xi32, #tpu.memory_space<vmem>> -> memref<128xi32, #tpu.memory_space<vmem>>
    %dma_wait3A_1357 = arith.constant 0 : i32
    %dma_wait3A_1358 = arith.constant 0 : i32
    %dma_wait3A_1359 = tpu.memref_slice %arg3[%dma_wait3A_1357, %dma_wait3A_1358] : memref<2600000x64xf32, #tpu.memory_space<hbm>> -> memref<2600000x64xf32, #tpu.memory_space<hbm>>
    tpu.wait_indirect_dma semaphore(%arg8 : memref<!tpu.dma_semaphore, #tpu.memory_space<semaphore_mem>>) src(%dma_wait3A_1359 : memref<2600000x64xf32, #tpu.memory_space<hbm>>) dst(%dma_wait3A_1353 : memref<128x64xf32, #tpu.memory_space<vmem>>)
    %mul3A_1360 = arith.constant 3328 : i32
    %mul3A_1361 = arith.muli %add3A, %mul3A_1360 : i32
    %add3A_1362 = arith.constant 3200 : i32
    %add3A_1363 = arith.addi %mul3A_1361, %add3A_1362 : i32
    %dma_start3A_1364 = arith.constant 1 : i32
    %dma_start3A_1365 = arith.constant 0 : i32
    %dma_start3A_1366 = arith.constant 0 : i32
    %dma_start3A_1367 = tpu.memref_slice %arg6[%dma_start3A_1364, %dma_start3A_1365, %dma_start3A_1366] : memref<2x128x64xf32, #tpu.memory_space<vmem>> -> memref<1x128x64xf32, #tpu.memory_space<vmem>>
    %dma_start3A_1368 = tpu.memref_squeeze %dma_start3A_1367 : memref<1x128x64xf32, #tpu.memory_space<vmem>> -> memref<128x64xf32, #tpu.memory_space<vmem>>
    %dma_start3A_1369 = arith.constant 0 : i32
    %dma_start3A_1370 = tpu.memref_slice %arg4[%add3A_1363, %dma_start3A_1369] : memref<106496x64xf32, #tpu.memory_space<hbm>> -> memref<128x64xf32, #tpu.memory_space<hbm>>
    %dma_start3A_1371 = arith.constant 0 : i32
    %dma_start3A_1372 = tpu.memref_slice %arg4[%add3A_1363, %dma_start3A_1371] : memref<106496x64xf32, #tpu.memory_space<hbm>> -> memref<128x64xf32, #tpu.memory_space<hbm>>
    %dma_start3A_1373 = arith.constant 0 : i32
    %dma_start3A_1374 = arith.constant 0 : i32
    %dma_start3A_1375 = tpu.memref_slice %arg6[%dma_start3A_1364, %dma_start3A_1373, %dma_start3A_1374] : memref<2x128x64xf32, #tpu.memory_space<vmem>> -> memref<1x128x64xf32, #tpu.memory_space<vmem>>
    %dma_start3A_1376 = tpu.memref_squeeze %dma_start3A_1375 : memref<1x128x64xf32, #tpu.memory_space<vmem>> -> memref<128x64xf32, #tpu.memory_space<vmem>>
    tpu.enqueue_dma source(%dma_start3A_1376 : memref<128x64xf32, #tpu.memory_space<vmem>>) target(%dma_start3A_1372 : memref<128x64xf32, #tpu.memory_space<hbm>>) target_semaphore(%arg10 : memref<!tpu.dma_semaphore, #tpu.memory_space<semaphore_mem>>)
    %dma_wait3A_1377 = arith.constant 0 : i32
    %dma_wait3A_1378 = arith.constant 0 : i32
    %dma_wait3A_1379 = arith.constant 0 : i32
    %dma_wait3A_1380 = tpu.memref_slice %arg6[%dma_wait3A_1377, %dma_wait3A_1378, %dma_wait3A_1379] : memref<2x128x64xf32, #tpu.memory_space<vmem>> -> memref<1x128x64xf32, #tpu.memory_space<vmem>>
    %dma_wait3A_1381 = tpu.memref_squeeze %dma_wait3A_1380 : memref<1x128x64xf32, #tpu.memory_space<vmem>> -> memref<128x64xf32, #tpu.memory_space<vmem>>
    %dma_wait3A_1382 = arith.constant 0 : i32
    %dma_wait3A_1383 = tpu.memref_slice %arg4[%add3A_1334, %dma_wait3A_1382] : memref<106496x64xf32, #tpu.memory_space<hbm>> -> memref<128x64xf32, #tpu.memory_space<hbm>>
    %dma_wait3A_1384 = arith.constant 0 : i32
    %dma_wait3A_1385 = tpu.memref_slice %arg4[%add3A_1334, %dma_wait3A_1384] : memref<106496x64xf32, #tpu.memory_space<hbm>> -> memref<128x64xf32, #tpu.memory_space<hbm>>
    %dma_wait3A_1386 = arith.constant 0 : i32
    %dma_wait3A_1387 = arith.constant 0 : i32
    %dma_wait3A_1388 = tpu.memref_slice %arg6[%dma_wait3A_1377, %dma_wait3A_1386, %dma_wait3A_1387] : memref<2x128x64xf32, #tpu.memory_space<vmem>> -> memref<1x128x64xf32, #tpu.memory_space<vmem>>
    %dma_wait3A_1389 = tpu.memref_squeeze %dma_wait3A_1388 : memref<1x128x64xf32, #tpu.memory_space<vmem>> -> memref<128x64xf32, #tpu.memory_space<vmem>>
    tpu.wait_dma2 semaphore(%arg9 : memref<!tpu.dma_semaphore, #tpu.memory_space<semaphore_mem>>) src(%dma_wait3A_1389 : memref<128x64xf32, #tpu.memory_space<vmem>>) dst(%dma_wait3A_1385 : memref<128x64xf32, #tpu.memory_space<hbm>>)
    %dma_wait3A_1390 = arith.constant 1 : i32
    %dma_wait3A_1391 = arith.constant 0 : i32
    %dma_wait3A_1392 = arith.constant 0 : i32
    %dma_wait3A_1393 = tpu.memref_slice %arg6[%dma_wait3A_1390, %dma_wait3A_1391, %dma_wait3A_1392] : memref<2x128x64xf32, #tpu.memory_space<vmem>> -> memref<1x128x64xf32, #tpu.memory_space<vmem>>
    %dma_wait3A_1394 = tpu.memref_squeeze %dma_wait3A_1393 : memref<1x128x64xf32, #tpu.memory_space<vmem>> -> memref<128x64xf32, #tpu.memory_space<vmem>>
    %dma_wait3A_1395 = arith.constant 0 : i32
    %dma_wait3A_1396 = tpu.memref_slice %arg4[%add3A_1363, %dma_wait3A_1395] : memref<106496x64xf32, #tpu.memory_space<hbm>> -> memref<128x64xf32, #tpu.memory_space<hbm>>
    %dma_wait3A_1397 = arith.constant 0 : i32
    %dma_wait3A_1398 = tpu.memref_slice %arg4[%add3A_1363, %dma_wait3A_1397] : memref<106496x64xf32, #tpu.memory_space<hbm>> -> memref<128x64xf32, #tpu.memory_space<hbm>>
    %dma_wait3A_1399 = arith.constant 0 : i32
    %dma_wait3A_1400 = arith.constant 0 : i32
    %dma_wait3A_1401 = tpu.memref_slice %arg6[%dma_wait3A_1390, %dma_wait3A_1399, %dma_wait3A_1400] : memref<2x128x64xf32, #tpu.memory_space<vmem>> -> memref<1x128x64xf32, #tpu.memory_space<vmem>>
    %dma_wait3A_1402 = tpu.memref_squeeze %dma_wait3A_1401 : memref<1x128x64xf32, #tpu.memory_space<vmem>> -> memref<128x64xf32, #tpu.memory_space<vmem>>
    tpu.wait_dma2 semaphore(%arg10 : memref<!tpu.dma_semaphore, #tpu.memory_space<semaphore_mem>>) src(%dma_wait3A_1402 : memref<128x64xf32, #tpu.memory_space<vmem>>) dst(%dma_wait3A_1398 : memref<128x64xf32, #tpu.memory_space<hbm>>)
    return
  }
}

module attributes {stable_mosaic.version = 14 : i64} {
  func.func @_tc_body(%arg0: i32, %arg1: memref<512x16xf32, #tpu.memory_space<vmem>>, %arg2: memref<13312x64xf32, #tpu.memory_space<vmem>>, %arg3: memref<16x512xf32, #tpu.memory_space<vmem>>, %arg4: memref<1x512xf32, #tpu.memory_space<vmem>>, %arg5: memref<512x256xf32, #tpu.memory_space<vmem>>, %arg6: memref<1x256xf32, #tpu.memory_space<vmem>>, %arg7: memref<256x64xf32, #tpu.memory_space<vmem>>, %arg8: memref<1x64xf32, #tpu.memory_space<vmem>>, %arg9: memref<64x128xf32, #tpu.memory_space<vmem>>, %arg10: memref<729x128xf32, #tpu.memory_space<vmem>>, %arg11: memref<1x128xf32, #tpu.memory_space<vmem>>, %arg12: memref<512x128xf32, #tpu.memory_space<vmem>>) attributes {dimension_semantics = [#tpu.dimension_semantics<arbitrary>], iteration_bounds = array<i64: 8>, scalar_prefetch = 0 : i64, scratch_operands = 0 : i64, tpu.core_type = #tpu.core_type<tc>, window_params = [{transform_indices = @transform_0, window_bounds = array<i64: 512, 16>}, {transform_indices = @transform_1, window_bounds = array<i64: 13312, 64>}, {pipeline_mode = #tpu.pipeline_mode<synchronous>, transform_indices = @transform_2, window_bounds = array<i64: 16, 512>}, {pipeline_mode = #tpu.pipeline_mode<synchronous>, transform_indices = @transform_3, window_bounds = array<i64: 1, 512>}, {pipeline_mode = #tpu.pipeline_mode<synchronous>, transform_indices = @transform_4, window_bounds = array<i64: 512, 256>}, {pipeline_mode = #tpu.pipeline_mode<synchronous>, transform_indices = @transform_5, window_bounds = array<i64: 1, 256>}, {pipeline_mode = #tpu.pipeline_mode<synchronous>, transform_indices = @transform_6, window_bounds = array<i64: 256, 64>}, {pipeline_mode = #tpu.pipeline_mode<synchronous>, transform_indices = @transform_7, window_bounds = array<i64: 1, 64>}, {pipeline_mode = #tpu.pipeline_mode<synchronous>, transform_indices = @transform_8, window_bounds = array<i64: 64, 128>}, {pipeline_mode = #tpu.pipeline_mode<synchronous>, transform_indices = @transform_9, window_bounds = array<i64: 729, 128>}, {pipeline_mode = #tpu.pipeline_mode<synchronous>, transform_indices = @transform_10, window_bounds = array<i64: 1, 128>}, {transform_indices = @transform_11, window_bounds = array<i64: 512, 128>}]} {
    %get3A = arith.constant 0 : index
    %get3A_0 = arith.constant 0 : index
    %get3A_1 = vector.load %arg1[%get3A, %get3A_0] : memref<512x16xf32, #tpu.memory_space<vmem>>, vector<512x16xf32>
    %get3A_2 = arith.constant 0 : index
    %get3A_3 = arith.constant 0 : index
    %get3A_4 = vector.load %arg3[%get3A_2, %get3A_3] : memref<16x512xf32, #tpu.memory_space<vmem>>, vector<16x512xf32>
    %dot_general3A = arith.constant dense<0.000000e+00> : vector<512x512xf32>
    %dot_general3A_5 = tpu.matmul %get3A_1, %get3A_4, %dot_general3A {dimension_numbers = #tpu.dot_dimension_numbers<[1], [0], [0], [1], [0, 0, 1, 1], [], []>, transpose_lhs_hint = false} : vector<512x16xf32>, vector<16x512xf32>, vector<512x512xf32> -> vector<512x512xf32>
    %get3A_6 = arith.constant 0 : index
    %get3A_7 = arith.constant 0 : index
    %get3A_8 = vector.load %arg4[%get3A_6, %get3A_7] : memref<1x512xf32, #tpu.memory_space<vmem>>, vector<1x512xf32>
    %add3A = vector.broadcast %get3A_8 : vector<1x512xf32> to vector<512x512xf32>
    %add3A_9 = arith.addf %dot_general3A_5, %add3A : vector<512x512xf32>
    %max3A = arith.constant 0.000000e+00 : f32
    %max3A_10 = vector.broadcast %max3A : f32 to vector<512x512xf32>
    %max3A_11 = arith.maximumf %add3A_9, %max3A_10 : vector<512x512xf32>
    %get3A_12 = arith.constant 0 : index
    %get3A_13 = arith.constant 0 : index
    %get3A_14 = vector.load %arg5[%get3A_12, %get3A_13] : memref<512x256xf32, #tpu.memory_space<vmem>>, vector<512x256xf32>
    %dot_general3A_15 = arith.constant dense<0.000000e+00> : vector<512x256xf32>
    %dot_general3A_16 = tpu.matmul %max3A_11, %get3A_14, %dot_general3A_15 {dimension_numbers = #tpu.dot_dimension_numbers<[1], [0], [0], [1], [0, 0, 1, 1], [], []>, transpose_lhs_hint = false} : vector<512x512xf32>, vector<512x256xf32>, vector<512x256xf32> -> vector<512x256xf32>
    %get3A_17 = arith.constant 0 : index
    %get3A_18 = arith.constant 0 : index
    %get3A_19 = vector.load %arg6[%get3A_17, %get3A_18] : memref<1x256xf32, #tpu.memory_space<vmem>>, vector<1x256xf32>
    %add3A_20 = vector.broadcast %get3A_19 : vector<1x256xf32> to vector<512x256xf32>
    %add3A_21 = arith.addf %dot_general3A_16, %add3A_20 : vector<512x256xf32>
    %max3A_22 = arith.constant 0.000000e+00 : f32
    %max3A_23 = vector.broadcast %max3A_22 : f32 to vector<512x256xf32>
    %max3A_24 = arith.maximumf %add3A_21, %max3A_23 : vector<512x256xf32>
    %get3A_25 = arith.constant 0 : index
    %get3A_26 = arith.constant 0 : index
    %get3A_27 = vector.load %arg7[%get3A_25, %get3A_26] : memref<256x64xf32, #tpu.memory_space<vmem>>, vector<256x64xf32>
    %dot_general3A_28 = arith.constant dense<0.000000e+00> : vector<512x64xf32>
    %dot_general3A_29 = tpu.matmul %max3A_24, %get3A_27, %dot_general3A_28 {dimension_numbers = #tpu.dot_dimension_numbers<[1], [0], [0], [1], [0, 0, 1, 1], [], []>, transpose_lhs_hint = false} : vector<512x256xf32>, vector<256x64xf32>, vector<512x64xf32> -> vector<512x64xf32>
    %get3A_30 = arith.constant 0 : index
    %get3A_31 = arith.constant 0 : index
    %get3A_32 = vector.load %arg8[%get3A_30, %get3A_31] : memref<1x64xf32, #tpu.memory_space<vmem>>, vector<1x64xf32>
    %add3A_33 = vector.broadcast %get3A_32 : vector<1x64xf32> to vector<512x64xf32>
    %add3A_34 = arith.addf %dot_general3A_29, %add3A_33 : vector<512x64xf32>
    %get3A_35 = arith.constant 0 : index
    %get3A_36 = arith.constant 0 : index
    %get3A_37 = vector.load %arg2[%get3A_35, %get3A_36] : memref<13312x64xf32, #tpu.memory_space<vmem>>, vector<13312x64xf32>
    %reshape3A = vector.shape_cast %get3A_37 : vector<13312x64xf32> to vector<512x26x64xf32>
    %broadcast_in_dim3A = vector.shape_cast %add3A_34 : vector<512x64xf32> to vector<512x1x64xf32>
    %concatenate3A = tpu.concatenate %broadcast_in_dim3A, %reshape3A in 1 : vector<512x1x64xf32>, vector<512x26x64xf32> -> vector<512x27x64xf32>
    %dot_general3A_38 = arith.constant dense<0.000000e+00> : vector<512x27x27xf32>
    %dot_general3A_39 = tpu.matmul %concatenate3A, %concatenate3A, %dot_general3A_38 {dimension_numbers = #tpu.dot_dimension_numbers<[2], [2], [1], [1], [0, 0, 0, 1, 1, 1], [0], [0]>, transpose_lhs_hint = false} : vector<512x27x64xf32>, vector<512x27x64xf32>, vector<512x27x27xf32> -> vector<512x27x27xf32>
    %reshape3A_40 = vector.shape_cast %dot_general3A_39 : vector<512x27x27xf32> to vector<512x729xf32>
    %get3A_41 = arith.constant 0 : index
    %get3A_42 = arith.constant 0 : index
    %get3A_43 = vector.load %arg9[%get3A_41, %get3A_42] : memref<64x128xf32, #tpu.memory_space<vmem>>, vector<64x128xf32>
    %dot_general3A_44 = arith.constant dense<0.000000e+00> : vector<512x128xf32>
    %dot_general3A_45 = tpu.matmul %add3A_34, %get3A_43, %dot_general3A_44 {dimension_numbers = #tpu.dot_dimension_numbers<[1], [0], [0], [1], [0, 0, 1, 1], [], []>, transpose_lhs_hint = false} : vector<512x64xf32>, vector<64x128xf32>, vector<512x128xf32> -> vector<512x128xf32>
    %get3A_46 = arith.constant 0 : index
    %get3A_47 = arith.constant 0 : index
    %get3A_48 = vector.load %arg10[%get3A_46, %get3A_47] : memref<729x128xf32, #tpu.memory_space<vmem>>, vector<729x128xf32>
    %dot_general3A_49 = arith.constant dense<0.000000e+00> : vector<512x128xf32>
    %dot_general3A_50 = tpu.matmul %reshape3A_40, %get3A_48, %dot_general3A_49 {dimension_numbers = #tpu.dot_dimension_numbers<[1], [0], [0], [1], [0, 0, 1, 1], [], []>, transpose_lhs_hint = false} : vector<512x729xf32>, vector<729x128xf32>, vector<512x128xf32> -> vector<512x128xf32>
    %add3A_51 = arith.addf %dot_general3A_45, %dot_general3A_50 : vector<512x128xf32>
    %get3A_52 = arith.constant 0 : index
    %get3A_53 = arith.constant 0 : index
    %get3A_54 = vector.load %arg11[%get3A_52, %get3A_53] : memref<1x128xf32, #tpu.memory_space<vmem>>, vector<1x128xf32>
    %add3A_55 = vector.broadcast %get3A_54 : vector<1x128xf32> to vector<512x128xf32>
    %add3A_56 = arith.addf %add3A_51, %add3A_55 : vector<512x128xf32>
    %swap3A = arith.constant 0 : index
    %swap3A_57 = arith.constant 0 : index
    %swap3A_58 = vector.load %arg12[%swap3A, %swap3A_57] : memref<512x128xf32, #tpu.memory_space<vmem>>, vector<512x128xf32>
    tpu.vector_store %arg12[%swap3A, %swap3A_57], %add3A_56 {strides = array<i32>} : memref<512x128xf32, #tpu.memory_space<vmem>>, vector<512x128xf32>,
    return
  }
  func.func @transform_0(%arg0: i32) -> (i32, i32) {
    %c0_i32 = arith.constant 0 : i32
    %c0_i32_0 = arith.constant 0 : i32
    return %arg0, %c0_i32 : i32, i32
  }
  func.func @transform_1(%arg0: i32) -> (i32, i32) {
    %c0_i32 = arith.constant 0 : i32
    %c0_i32_0 = arith.constant 0 : i32
    return %arg0, %c0_i32 : i32, i32
  }
  func.func @transform_2(%arg0: i32) -> (i32, i32) {
    %c0_i32 = arith.constant 0 : i32
    %c0_i32_0 = arith.constant 0 : i32
    %c0_i32_1 = arith.constant 0 : i32
    return %c0_i32, %c0_i32_0 : i32, i32
  }
  func.func @transform_3(%arg0: i32) -> (i32, i32) {
    %c0_i32 = arith.constant 0 : i32
    %c0_i32_0 = arith.constant 0 : i32
    %c0_i32_1 = arith.constant 0 : i32
    return %c0_i32, %c0_i32_0 : i32, i32
  }
  func.func @transform_4(%arg0: i32) -> (i32, i32) {
    %c0_i32 = arith.constant 0 : i32
    %c0_i32_0 = arith.constant 0 : i32
    %c0_i32_1 = arith.constant 0 : i32
    return %c0_i32, %c0_i32_0 : i32, i32
  }
  func.func @transform_5(%arg0: i32) -> (i32, i32) {
    %c0_i32 = arith.constant 0 : i32
    %c0_i32_0 = arith.constant 0 : i32
    %c0_i32_1 = arith.constant 0 : i32
    return %c0_i32, %c0_i32_0 : i32, i32
  }
  func.func @transform_6(%arg0: i32) -> (i32, i32) {
    %c0_i32 = arith.constant 0 : i32
    %c0_i32_0 = arith.constant 0 : i32
    %c0_i32_1 = arith.constant 0 : i32
    return %c0_i32, %c0_i32_0 : i32, i32
  }
  func.func @transform_7(%arg0: i32) -> (i32, i32) {
    %c0_i32 = arith.constant 0 : i32
    %c0_i32_0 = arith.constant 0 : i32
    %c0_i32_1 = arith.constant 0 : i32
    return %c0_i32, %c0_i32_0 : i32, i32
  }
  func.func @transform_8(%arg0: i32) -> (i32, i32) {
    %c0_i32 = arith.constant 0 : i32
    %c0_i32_0 = arith.constant 0 : i32
    %c0_i32_1 = arith.constant 0 : i32
    return %c0_i32, %c0_i32_0 : i32, i32
  }
  func.func @transform_9(%arg0: i32) -> (i32, i32) {
    %c0_i32 = arith.constant 0 : i32
    %c0_i32_0 = arith.constant 0 : i32
    %c0_i32_1 = arith.constant 0 : i32
    return %c0_i32, %c0_i32_0 : i32, i32
  }
  func.func @transform_10(%arg0: i32) -> (i32, i32) {
    %c0_i32 = arith.constant 0 : i32
    %c0_i32_0 = arith.constant 0 : i32
    %c0_i32_1 = arith.constant 0 : i32
    return %c0_i32, %c0_i32_0 : i32, i32
  }
  func.func @transform_11(%arg0: i32) -> (i32, i32) {
    %c0_i32 = arith.constant 0 : i32
    %c0_i32_0 = arith.constant 0 : i32
    return %arg0, %c0_i32 : i32, i32
  }
}

</mosaic_0001>

<sc_bundles>
// kernel: kernel.4.cloned.1.call-start
scs
__scs_entry_jumppad:
0x0: {  	(pc) =	sbr.rel $0x88, $3  }
0x1: {  	(tag) =	ssettag $0x0;
	lr =	simm.s32 $0x1  }
0x2: {  	[smem:$0x3F96] =	sst lr;
	_ =	strace $0xD0000000  }
0x3: {  	_ = 	snop  }
0x4: {  	_ = 	snop  }
0x5: {  	_ = 	snop  }
0x6: {  	_ = 	snop  }
0x7: {  	_ = 	snop  }
__scs_overlays_trampoline_lowered:
0x8: {  	[smem:$0x3FA5] =	sst s0  }
0x9: {  	[smem:$0x3FA6] =	sst s1  }
0xa: {  	[smem:$0x3FA7] =	sst s2  }
0xb: {  	[smem:$0x3FA8] =	sst s3  }
0xc: {  	[smem:$0x3FA9] =	sst s4  }
0xd: {  	[smem:$0x3FAA] =	sst s5  }
0xe: {  	[smem:$0x3FAB] =	sst s6  }
0xf: {  	[smem:$0x3FAC] =	sst s7  }
0x10: {  	[smem:$0x3FAD] =	sst s8  }
0x11: {  	[smem:$0x3FAE] =	sst s9;
	s0 =	simm.s32 @!p0 $0x0  }
0x12: {  	s1 =	sld [smem:$0x3F94];
	s0 =	simm.s32 @p0 $0x1  }
0x13: {  	[smem:$0x3FAF] =	sst s0;
	s0 =	simm.s32 @!p1 $0x0  }
0x14: {  	s2 =	sld [smem:$0x3F93];
	s0 =	simm.s32 @p1 $0x1  }
0x15: {  	[smem:$0x3FB0] =	sst s0;
	s0 =	simm.s32 @!p2 $0x0  }
0x16: {  	s3 =	sld [smem:$0x3FDB];
	s0 =	simm.s32 @p2 $0x1  }
0x17: {  	s4 =	simm.s32 $0x1BF5;
	[smem:$0x3FB2] =	sst s0  }
0x18: {  	s0 =	sld [smem:$0x3F95];
	_ =	swait.ge [sflag:s4], $0x0  }
0x19: {  	s7 =	sld [smem:$0x3F96]  }
0x1a: {  	s8 =	sadd.s32 $0xFFFFE003, lr  }
0x1b: {  	s9 =	sadd.s32 $0xFFFFFEF7, lr;
	s5 =	simm.s32 $0xFFFFFFFF;
	p2 =	slt.u32 s8, $0xFFFFF086  }
0x1c: {  	p1 =	slt.u32 s9, $0xF7A;
	s5 =	simm.s32 @!p2 $0x0  }
0x1d: {  	s5 =	simm.s32 @p1 $0x1;
	p0 =	seq.s32 s7, s2  }
0x1e: {  	s7 =	smul.u32 @!p0 $0xF7A, s2;
	p2 =	seq.s32 @!p0 s5, $0x0  }
0x1f: {  	s9 =	smul.u32 $0xF7A, s1;
	s8 =	simm.s32 @!p0 $0x1BF5;
	p2 =	por !p2, p0  }
0x20: {  	[sflag:s8] =	ssyncset.s32 @!p0 $0xFFFFF086;
	s6 =	sadd.s32 @!p0 s3, s7;
	s7 =	simm.s32 @!p0 $0x108  }
0x21: {  	s3 =	sadd.s32 s3, s9;
	s6 =	sadd.s32 @!p0 $0x88, s6;
	s7 =	simm.s32 @p2 $0x1082  }
0x22: {  	[simem:s7], [sflag:s8] =	dma.local @!p0 [hbm:s6], $0xF7A  }
0x23: {  	s9 =	sor.u32 $0xD0000000, s2;
	s6 =	simm.s32 $0x108;
	_ =	swait.ge @!p0 [sflag:s8], $0x0  }
0x24: {  	s3 =	sadd.s32 $0x88, s3;
	s6 =	simm.s32 @!p1 $0x1082;
	[sflag:s4] =	ssyncset.s32 $0xFFFFF086  }
0x25: {  	[simem:s6], [sflag:s4] =	dma.local [hbm:s3], $0xF7A  }
0x26: {  	[smem:$0x3F96] =	sst s1;
	(tag) =	ssettag s2;
	_ =	strace s9  }
0x27: {  	s1 =	sld [smem:$0x3FA6]  }
0x28: {  	s2 =	sld [smem:$0x3FA7]  }
0x29: {  	s4 =	sld [smem:$0x3FA9]  }
0x2a: {  	p0 =	seq.s32 s5, $0x0;
	s5 =	sld [smem:$0x3FAA]  }
0x2b: {  	s6 =	sld [smem:$0x3FAB]  }
0x2c: {  	s7 =	sld [smem:$0x3FAC]  }
0x2d: {  	s3 =	simm.s32 $0x108;
	s8 =	sld [smem:$0x3FAD]  }
0x2e: {  	s3 =	simm.s32 @!p0 $0x1082;
	s9 =	sld [smem:$0x3FAE]  }
0x2f: {  	lr =	sadd.s32 s0, s3;
	s0 =	sld [smem:$0x3FA5]  }
0x30: {  	s3 =	sld [smem:$0x3FA8]  }
0x31: {  	[smem:$0x3FB1] =	sst s10  }
0x32: {  	s10 =	sld [smem:$0x3FAF];
	_ =	sdelay $0x3  }
0x33: {  	p0 =	seq.s32 s10, $0x1;
	s10 =	sld [smem:$0x3FB1];
	_ =	sdelay $0x3  }
0x34: {  	[smem:$0x3FB1] =	sst s10  }
0x35: {  	s10 =	sld [smem:$0x3FB0];
	_ =	sdelay $0x3  }
0x36: {  	p1 =	seq.s32 s10, $0x1;
	s10 =	sld [smem:$0x3FB1];
	_ =	sdelay $0x3  }
0x37: {  	[smem:$0x3FB1] =	sst s10  }
0x38: {  	s10 =	sld [smem:$0x3FB2]  }
0x39: {  	_ = 	snop;
	(pc) =	sbr.ind lr, $3  }
0x3a: {  	_ = 	snop  }
0x3b: {  	_ = 	snop  }
0x3c: {  	p2 =	seq.s32 s10, $0x1;
	s10 =	sld [smem:$0x3FB1]  }
0x3d: {  	_ =	shalt  }
0x3e: {  	_ =	shalt  }
0x3f: {  	_ =	shalt  }
0x40: {  	_ =	shalt  }
0x41: {  	_ =	shalt  }
0x42: {  	_ =	shalt  }
0x43: {  	_ =	shalt  }
0x44: {  	_ =	shalt  }
0x45: {  	_ =	shalt  }
0x46: {  	_ =	shalt  }
0x47: {  	_ =	shalt  }
0x48: {  	_ =	shalt  }
0x49: {  	_ =	shalt  }
0x4a: {  	_ =	shalt  }
0x4b: {  	_ =	shalt  }
0x4c: {  	_ =	shalt  }
0x4d: {  	_ =	shalt  }
0x4e: {  	_ =	shalt  }
0x4f: {  	_ =	shalt  }
0x50: {  	_ =	shalt  }
0x51: {  	_ =	shalt  }
0x52: {  	_ =	shalt  }
0x53: {  	_ =	shalt  }
0x54: {  	_ =	shalt  }
0x55: {  	_ =	shalt  }
0x56: {  	_ =	shalt  }
0x57: {  	_ =	shalt  }
0x58: {  	_ =	shalt  }
0x59: {  	_ =	shalt  }
0x5a: {  	_ =	shalt  }
0x5b: {  	_ =	shalt  }
0x5c: {  	_ =	shalt  }
0x5d: {  	_ =	shalt  }
0x5e: {  	_ =	shalt  }
0x5f: {  	_ =	shalt  }
0x60: {  	_ =	shalt  }
0x61: {  	_ =	shalt  }
0x62: {  	_ =	shalt  }
0x63: {  	_ =	shalt  }
0x64: {  	_ =	shalt  }
0x65: {  	_ =	shalt  }
0x66: {  	_ =	shalt  }
0x67: {  	_ =	shalt  }
0x68: {  	_ =	shalt  }
0x69: {  	_ =	shalt  }
0x6a: {  	_ =	shalt  }
0x6b: {  	_ =	shalt  }
0x6c: {  	_ =	shalt  }
0x6d: {  	_ =	shalt  }
0x6e: {  	_ =	shalt  }
0x6f: {  	_ =	shalt  }
0x70: {  	_ =	shalt  }
0x71: {  	_ =	shalt  }
0x72: {  	_ =	shalt  }
0x73: {  	_ =	shalt  }
0x74: {  	_ =	shalt  }
0x75: {  	_ =	shalt  }
0x76: {  	_ =	shalt  }
0x77: {  	_ =	shalt  }
0x78: {  	_ =	shalt  }
0x79: {  	_ =	shalt  }
0x7a: {  	_ =	shalt  }
0x7b: {  	_ =	shalt  }
0x7c: {  	_ =	shalt  }
0x7d: {  	_ =	shalt  }
0x7e: {  	_ =	shalt  }
0x7f: {  	_ =	shalt  }
0x80: {  	_ =	shalt  }
0x81: {  	_ =	shalt  }
0x82: {  	_ =	shalt  }
0x83: {  	_ =	shalt  }
0x84: {  	_ =	shalt  }
0x85: {  	_ =	shalt  }
0x86: {  	_ =	shalt  }
0x87: {  	_ =	shalt  }
.Lfunc_end0:
.L_simem_size_0:
called_computation_lowered:
.L_overlay_start_0:
0x88: {  	s2 =	sld [smem:$0x3FD9]  }
0x89: {  	s3 =	sld [smem:$0x3FFE];
	_ =	sdelay $0x1  }
0x8a: {  	s1 =	srdreg.scid  }
0x8b: {  	s0 =	sand.u32 $0x1, s1  }
0x8c: {  	s17 =	sshll.u32 s0, $0xA;
	s2 =	sadd.s32 s3, s2  }
0x8d: {  	s2 =	sadd.s32 s2, s17  }
0x8e: {  	[smem:$0x3FBD] =	sst s2  }
0x8f: {  	_ = 	snop  }
0x90: {  	s2 =	sld [smem:$0x3FD0];
	(tm) =	ssettm $0x1  }
0x91: {  	s18 =	sld [smem:$0x3FFB];
	_ =	sdelay $0x3  }
0x92: {  	_ =	strace s18  }
0x93: {  	s3 =	sld [smem:$0x3FFC];
	_ =	sdelay $0x3  }
0x94: {  	_ =	strace s3  }
0x95: {  	s3 =	sld [smem:$0x3FFD];
	_ =	sdelay $0x3  }
0x96: {  	_ =	strace s3  }
0x97: {  	_ =	strace $0x8FFFFFFF  }
0x98: {  	s19 =	sld [smem:$0x3FDB];
	_ =	sdelay $0x1  }
0x99: {  	s4 =	simm.s32 $_scs_section_size  }
0x9a: {  	s5 =	simm.s32 $_size__tile_overlayer_lowered;
	s6 =	simm.s32 $_tile_overlayer_lowered  }
0x9b: {  	s22 =	simm.s32 $0x1BFF;
	s21 =	sshll.u32 s6, $0x1;
	s3 =	sadd.s32 s4, s19  }
0x9c: {  	s7 =	simm.s32 $0x0;
	s20 =	sshll.u32 s5, $0x1;
	s5 =	sadd.s32 s21, s3  }
0x9d: {  	[timem:s7], [sflag:s22] =	dma.local [hbm:s5], s20  }
0x9e: {  	_ =	swait.ge [sflag:s22], s20  }
0x9f: {  	s4 =	ssub.s32 $0x0, s20;
	[sflag:s22] =	ssyncset.done $0x0  }
0xa0: {  	[sflag:s22] =	ssyncadd.s32 s4;
	_ =	sdelay $0x1  }
0xa1: {  	s23 =	simm.s32 $0x1B8B  }
0xa2: {  	_ =	swait.ge [sflag:s23], $0x1  }
0xa3: {  	[sflag:s23] =	ssyncset.done $0x0  }
0xa4: {  	s25 =	simm.s32 $0x1B8E;
	s24 =	sld [smem:$0x3FFE];
	[sflag:s23] =	ssyncadd.s32 $0xFFFFFFFF  }
0xa5: {  	s26 =	simm.s32 $execute0_lowered;
	[smem:$0x3FD2] =	sst s25  }
0xa6: {  	s5 =	sshll.u32 s26, $0x1;
	_ =	strace $0x80000046;
	[dreg:$0x1] =	wrdreg $0xFFFFFFFF  }
0xa7: {  	s28 =	simm.s32 $_size_execute0_lowered;
	s3 =	sadd.s32 s3, s5;
	[dreg:$0x0] =	wrdreg $0x0  }
0xa8: {  	s5 =	sshll.u32 s28, $0x1;
	[dreg:$0x2] =	wrdreg s3  }
0xa9: {  	[dreg:$0x3] =	wrdreg s5  }
0xaa: {  	[dreg:$0x4] =	wrdreg $0xC0  }
0xab: {  	_ =	task [dreg:s7], $0x5FFFF  }
0xac: {  	[dreg:$0x1] =	wrdreg $0xFFFFFFFF  }
0xad: {  	[dreg:$0x0] =	wrdreg $0x60  }
0xae: {  	[dreg:$0x2] =	wrdreg s2  }
0xaf: {  	[dreg:$0x3] =	wrdreg s24  }
0xb0: {  	[dreg:$0x4] =	wrdreg $0x9  }
0xb1: {  	_ =	task.clear_ibuf [dreg:s7], $0x5FFFF;
	_ =	strace $0x90000046  }
0xb2: {  	s29 =	simm.s32 $0x9;
	_ =	strace $0x80000048  }
0xb3: {  	_ =	swait.ge [sflag:s29], $0x1  }
0xb4: {  	[sflag:s29] =	ssyncadd.s32 $0xFFFFFFFF  }
0xb5: {  	_ =	strace $0x90000048  }
0xb6: {  	_ =	sfence  }
0xb7: {  	s30 =	sld [smem:$0x0];
	_ =	sdelay $0x2  }
0xb8: {  	s31 =	sshll.u32 s1, $0xD;
	s1 =	sshrl.u32 s1, $0x2  }
0xb9: {  	s3 =	sand.u32 $0x4000, s31;
	s1 =	sadd.s32 s1, s30  }
0xba: {  	s0 =	sor.u32 s3, s0;
	s1 =	sshll.u32 s1, $0x11  }
0xbb: {  	s0 =	sor.u32 s1, s0  }
0xbc: {  	s0 =	sadd.s32 $0x8F2B, s0  }
0xbd: {  	[sflag:s0] =	ssyncadd.remote.s32 $0x1  }
0xbe: {  	_ =	sfence.sel $0xFFFF  }
0xbf: {  	[dreg:$0x0] =	wrdreg $0xFFFFFFFF;
	(pc) =	sbr.abs _section_cstart, $3  }
0xc0: {  	[dreg:$0x1] =	wrdreg $0xFFFFFFFF  }
0xc1: {  	_ =	task.clear_ibuf [dreg:s7], $0x2FFFF;
	_ =	strace $0x9FFFFFFF  }
0xc2: {  	(tm) =	ssettm $0x7FFFFFFF  }
0xc3: {  	_ =	shalt  }
tec
execute0_lowered:
.L_overlay_start_1:
0x0: {  	(tag) =	ssettag $0x1  }
0x1: {  	s0 =	srdreg.scid;
	s1 =	stileid.u32  }
0x2: {  	s0 =	sand.u32 $0x1, s0;
	s1 =	sshll.u32 s1, $0x1  }
0x3: {  	s4 =	sor.u32 s0, s1  }
0x4: {  	s2 =	simm.s32 $0x0;
	s5 =	smul.u32 $0x1A0, s4  }
0x5: {  	[smem:$0x7FF] =	sst s2;
	s6 =	smul.u32 $0x6800, s4  }
0x6: {  	s1 =	rddreg [dreg:$0x1];
	s4 =	smul.u32 $0x34000, s4  }
0x7: {  	s3 =	rddreg [dreg:$0x0];
	_ =	strace $0x80000047;
	s7 =	sadd.s32 $0x1800, s1  }
0x8: {  	s3 =	sadd.s32 s3, s5;
	s28 =	sadd.s32 s7, s6;
	s4 =	sshrl.u32 s4, $0x3  }
0x9: {  	[dreg:$0x3] =	wrdreg s3;
	s17 =	sadd.s32 $0x400, s28;
	s4 =	sadd.s32 s7, s4  }
0xa: {  	[dreg:$0x4] =	wrdreg s17;
	s18 =	sadd.s32 $0x800, s4  }
0xb: {  	s19 =	sadd.s32 $0xC00, s4;
	[dreg:$0x5] =	wrdreg s18  }
0xc: {  	s20 =	sadd.s32 $0x1000, s4;
	[dreg:$0x6] =	wrdreg s19  }
0xd: {  	s21 =	sadd.s32 $0x1400, s4;
	[dreg:$0x7] =	wrdreg s20  }
0xe: {  	s22 =	sadd.s32 $0x1800, s4;
	[dreg:$0x8] =	wrdreg s21  }
0xf: {  	s23 =	sadd.s32 $0x1C00, s4;
	[dreg:$0x9] =	wrdreg s22  }
0x10: {  	s24 =	sadd.s32 $0x2000, s4;
	[dreg:$0xa] =	wrdreg s23  }
0x11: {  	s25 =	sadd.s32 $0x2400, s4;
	[dreg:$0xb] =	wrdreg s24  }
0x12: {  	s26 =	sadd.s32 $0x2800, s4;
	[dreg:$0xc] =	wrdreg s25  }
0x13: {  	s5 =	sadd.s32 $0x2C00, s4;
	[dreg:$0xd] =	wrdreg s26  }
0x14: {  	s6 =	sadd.s32 $0x3000, s4;
	[dreg:$0xe] =	wrdreg s5  }
0x15: {  	s7 =	sadd.s32 $0x3400, s4;
	[dreg:$0xf] =	wrdreg s6  }
0x16: {  	s8 =	sadd.s32 $0x3800, s4;
	[dreg:$0x10] =	wrdreg s7  }
0x17: {  	s9 =	sadd.s32 $0x3C00, s4;
	[dreg:$0x11] =	wrdreg s8  }
0x18: {  	s10 =	sadd.s32 $0x4000, s4;
	[dreg:$0x12] =	wrdreg s9  }
0x19: {  	s11 =	sadd.s32 $0x4400, s4;
	[dreg:$0x13] =	wrdreg s10  }
0x1a: {  	s12 =	sadd.s32 $0x4800, s4;
	[dreg:$0x14] =	wrdreg s11  }
0x1b: {  	s31 =	simm.s32 $0x5;
	s13 =	sadd.s32 $0x4C00, s4;
	[dreg:$0x15] =	wrdreg s12  }
0x1c: {  	s30 =	simm.s32 $0x400;
	s14 =	sadd.s32 $0x5000, s4;
	[dreg:$0x16] =	wrdreg s13  }
0x1d: {  	s29 =	simm.s32 $0x480;
	s15 =	sadd.s32 $0x5400, s4;
	[dreg:$0x17] =	wrdreg s14  }
0x1e: {  	p0 =	por $0x0, $0x0;
	s16 =	sadd.s32 $0x5800, s4;
	[dreg:$0x18] =	wrdreg s15  }
0x1f: {  	s0 =	ssub.s32 $0x2, s0;
	s17 =	sadd.s32 $0x5C00, s4;
	[dreg:$0x19] =	wrdreg s16  }
0x20: {  	s3 =	simm.s32 $0x2D00;
	s18 =	sshrl.u32 s0, $0x1;
	[dreg:$0x1a] =	wrdreg s17  }
0x21: {  	s19 =	sadd.s32 $0x6000, s4;
	s20 =	sadd.s32 $0x6400, s4;
	s4 =	sadd.s32 $0x27ADC00, s1  }
0x22: {  	s7 =	simm.s32 $0x80;
	s21 =	simm.s32 $0x100;
	s5 =	simm.s32 $0xD00  }
0x23: {  	s22 =	simm.s32 $0x180;
	s23 =	simm.s32 $0x200;
	s9 =	simm.s32 $0x1  }
0x24: {  	s24 =	simm.s32 $0x280;
	s6 =	simm.s32 $0x3;
	s25 =	simm.s32 $0x300  }
0x25: {  	s10 =	simm.s32 $0x2;
	s26 =	simm.s32 $0x380;
	[dreg:$0x1b] =	wrdreg s19  }
0x26: {  	s8 =	simm.s32 $0x4;
	s17 =	simm.s32 $0x980;
	[dreg:$0x1c] =	wrdreg s20  }
0x27: {  	s16 =	simm.s32 $0xA00;
	s15 =	simm.s32 $0xA80;
	[dreg:$0x1d] =	wrdreg s21  }
0x28: {  	s14 =	simm.s32 $0xB00;
	s0 =	ssub.s32 s0, s18;
	[dreg:$0x1e] =	wrdreg s22  }
0x29: {  	s13 =	simm.s32 $0xB80;
	[dreg:$0x1f] =	wrdreg s23;
	s0 =	smax.u32 s0, $0x1  }
0x2a: {  	s12 =	simm.s32 $0xC00;
	[smem:$0x7FB] =	sst s24;
	p1 =	sne.s32 s0, $0x1  }
.Ltmp0:
0x2b: {  	s11 =	simm.s32 $0xC80;
	[smem:$0x7FC] =	sst s25;
	(pc) =	sbr.rel @!p1 .LBB2_3-.Ltmp0, $4  }
0x2c: {  	[smem:$0x7FD] =	sst s26;
	s26 =	simm.s32 $0x500;
	s25 =	simm.s32 $0x580  }
0x2d: {  	s24 =	simm.s32 $0x600;
	s23 =	simm.s32 $0x680;
	s22 =	simm.s32 $0x700  }
0x2e: {  	s21 =	simm.s32 $0x780;
	s20 =	simm.s32 $0x800;
	s19 =	simm.s32 $0x880  }
0x2f: {  	s18 =	simm.s32 $0x900;
	s1 =	sadd.s32 $0xFFFFFFFF, s0;
	s0 =	rddreg [dreg:$0x3]  }
0x30: {  	[tilespmem:s2], [sflag:$0x5] =	stream.linear.gather [hbm4b:s0+s2], $0xD00, $0x38;
	[tilespmem:$0x4D00] =	vst v63  }
0x31: {  	_ =	swait.ge [sflag:s31], $0xD00  }
0x32: {  	[sflag:s31] =	ssyncset.done $0x0  }
0x33: {  	[sflag:s31] =	ssyncadd.s32 $0xFFFFF300  }
0x34: {  	[tilespmem:s5], [sflag:$0x1] =	stream.indirect.gather [hbm4b:s4+s7], $0x40, s2, s7, $0xb8;
	[tilespmem:$0x4D00] =	vst v63  }
0x35: {  	_ = 	snop  }
0x36: {  	[tilespmem:s3], [sflag:$0x2] =	stream.indirect.gather [hbm4b:s4+s7], $0x40, s7, s7, $0xb8;
	[tilespmem:$0x4D00] =	vst v63  }
0x37: {  	_ =	swait.ge [sflag:s9], $0x2000  }
0x38: {  	[sflag:s9] =	ssyncset.done $0x0  }
0x39: {  	[sflag:s9] =	ssyncadd.s32 $0xFFFFE000  }
0x3a: {  	[hbm4b:s28+s2] =	stream.linear.scatter [tilespmem:s5], [sflag:$0x3], $0x2000, $0x38;
	[tilespmem:$0x4D00] =	vst v63  }
0x3b: {  	_ =	swait.ge [sflag:s6], $0x2000  }
0x3c: {  	[sflag:s6] =	ssyncset.done $0x0  }
0x3d: {  	s0 =	rddreg [dreg:$0x1d];
	[sflag:s6] =	ssyncadd.s32 $0xFFFFE000  }
0x3e: {  	[tilespmem:s5], [sflag:$0x1] =	stream.indirect.gather [hbm4b:s4+s7], $0x40, s0, s7, $0xb8;
	[tilespmem:$0x4D00] =	vst v63  }
0x3f: {  	_ =	swait.ge [sflag:s10], $0x2000  }
0x40: {  	[sflag:s10] =	ssyncset.done $0x0  }
0x41: {  	s0 =	rddreg [dreg:$0x4];
	[sflag:s10] =	ssyncadd.s32 $0xFFFFE000  }
0x42: {  	[hbm4b:s0+s2] =	stream.linear.scatter [tilespmem:s3], [sflag:$0x4], $0x2000, $0x38;
	[tilespmem:$0x4D00] =	vst v63  }
0x43: {  	_ =	swait.ge [sflag:s8], $0x2000  }
0x44: {  	[sflag:s8] =	ssyncset.done $0x0  }
0x45: {  	s0 =	rddreg [dreg:$0x1e];
	[sflag:s8] =	ssyncadd.s32 $0xFFFFE000  }
0x46: {  	[tilespmem:s3], [sflag:$0x2] =	stream.indirect.gather [hbm4b:s4+s7], $0x40, s0, s7, $0xb8;
	[tilespmem:$0x4D00] =	vst v63  }
0x47: {  	_ =	swait.ge [sflag:s9], $0x2000  }
0x48: {  	[sflag:s9] =	ssyncset.done $0x0  }
0x49: {  	s0 =	rddreg [dreg:$0x5];
	[sflag:s9] =	ssyncadd.s32 $0xFFFFE000  }
0x4a: {  	[hbm4b:s0+s2] =	stream.linear.scatter [tilespmem:s5], [sflag:$0x3], $0x2000, $0x38;
	[tilespmem:$0x4D00] =	vst v63  }
0x4b: {  	_ =	swait.ge [sflag:s6], $0x2000  }
0x4c: {  	[sflag:s6] =	ssyncset.done $0x0  }
0x4d: {  	s0 =	rddreg [dreg:$0x1f];
	[sflag:s6] =	ssyncadd.s32 $0xFFFFE000  }
0x4e: {  	[tilespmem:s5], [sflag:$0x1] =	stream.indirect.gather [hbm4b:s4+s7], $0x40, s0, s7, $0xb8;
	[tilespmem:$0x4D00] =	vst v63  }
0x4f: {  	_ =	swait.ge [sflag:s10], $0x2000  }
0x50: {  	[sflag:s10] =	ssyncset.done $0x0  }
0x51: {  	s0 =	rddreg [dreg:$0x6];
	[sflag:s10] =	ssyncadd.s32 $0xFFFFE000  }
0x52: {  	[hbm4b:s0+s2] =	stream.linear.scatter [tilespmem:s3], [sflag:$0x4], $0x2000, $0x38;
	[tilespmem:$0x4D00] =	vst v63  }
0x53: {  	_ =	swait.ge [sflag:s8], $0x2000  }
0x54: {  	s0 =	sld [smem:$0x7FB]  }
0x55: {  	[sflag:s8] =	ssyncset.done $0x0  }
0x56: {  	[sflag:s8] =	ssyncadd.s32 $0xFFFFE000  }
0x57: {  	[tilespmem:s3], [sflag:$0x2] =	stream.indirect.gather [hbm4b:s4+s7], $0x40, s0, s7, $0xb8;
	[tilespmem:$0x4D00] =	vst v63  }
0x58: {  	_ =	swait.ge [sflag:s9], $0x2000  }
0x59: {  	[sflag:s9] =	ssyncset.done $0x0  }
0x5a: {  	s0 =	rddreg [dreg:$0x7];
	[sflag:s9] =	ssyncadd.s32 $0xFFFFE000  }
0x5b: {  	[hbm4b:s0+s2] =	stream.linear.scatter [tilespmem:s5], [sflag:$0x3], $0x2000, $0x38;
	[tilespmem:$0x4D00] =	vst v63  }
0x5c: {  	_ =	swait.ge [sflag:s6], $0x2000  }
0x5d: {  	s0 =	sld [smem:$0x7FC]  }
0x5e: {  	[sflag:s6] =	ssyncset.done $0x0  }
0x5f: {  	[sflag:s6] =	ssyncadd.s32 $0xFFFFE000  }
0x60: {  	[tilespmem:s5], [sflag:$0x1] =	stream.indirect.gather [hbm4b:s4+s7], $0x40, s0, s7, $0xb8;
	[tilespmem:$0x4D00] =	vst v63  }
0x61: {  	_ =	swait.ge [sflag:s10], $0x2000  }
0x62: {  	[sflag:s10] =	ssyncset.done $0x0  }
0x63: {  	s0 =	rddreg [dreg:$0x8];
	[sflag:s10] =	ssyncadd.s32 $0xFFFFE000  }
0x64: {  	[hbm4b:s0+s2] =	stream.linear.scatter [tilespmem:s3], [sflag:$0x4], $0x2000, $0x38;
	[tilespmem:$0x4D00] =	vst v63  }
0x65: {  	_ =	swait.ge [sflag:s8], $0x2000  }
0x66: {  	s0 =	sld [smem:$0x7FD]  }
0x67: {  	[sflag:s8] =	ssyncset.done $0x0  }
0x68: {  	[sflag:s8] =	ssyncadd.s32 $0xFFFFE000  }
0x69: {  	[tilespmem:s3], [sflag:$0x2] =	stream.indirect.gather [hbm4b:s4+s7], $0x40, s0, s7, $0xb8;
	[tilespmem:$0x4D00] =	vst v63  }
0x6a: {  	_ =	swait.ge [sflag:s9], $0x2000  }
0x6b: {  	[sflag:s9] =	ssyncset.done $0x0  }
0x6c: {  	s0 =	rddreg [dreg:$0x9];
	[sflag:s9] =	ssyncadd.s32 $0xFFFFE000  }
0x6d: {  	[hbm4b:s0+s2] =	stream.linear.scatter [tilespmem:s5], [sflag:$0x3], $0x2000, $0x38;
	[tilespmem:$0x4D00] =	vst v63  }
0x6e: {  	_ =	swait.ge [sflag:s6], $0x2000  }
0x6f: {  	[sflag:s6] =	ssyncset.done $0x0  }
0x70: {  	[sflag:s6] =	ssyncadd.s32 $0xFFFFE000  }
0x71: {  	[tilespmem:s5], [sflag:$0x1] =	stream.indirect.gather [hbm4b:s4+s7], $0x40, s30, s7, $0xb8;
	[tilespmem:$0x4D00] =	vst v63  }
0x72: {  	_ =	swait.ge [sflag:s10], $0x2000  }
0x73: {  	[sflag:s10] =	ssyncset.done $0x0  }
0x74: {  	s0 =	rddreg [dreg:$0xa];
	[sflag:s10] =	ssyncadd.s32 $0xFFFFE000  }
0x75: {  	[hbm4b:s0+s2] =	stream.linear.scatter [tilespmem:s3], [sflag:$0x4], $0x2000, $0x38;
	[tilespmem:$0x4D00] =	vst v63  }
0x76: {  	_ =	swait.ge [sflag:s8], $0x2000  }
0x77: {  	[sflag:s8] =	ssyncset.done $0x0  }
0x78: {  	[sflag:s8] =	ssyncadd.s32 $0xFFFFE000  }
0x79: {  	[tilespmem:s3], [sflag:$0x2] =	stream.indirect.gather [hbm4b:s4+s7], $0x40, s29, s7, $0xb8;
	[tilespmem:$0x4D00] =	vst v63  }
0x7a: {  	_ =	swait.ge [sflag:s9], $0x2000  }
0x7b: {  	[sflag:s9] =	ssyncset.done $0x0  }
0x7c: {  	s0 =	rddreg [dreg:$0xb];
	[sflag:s9] =	ssyncadd.s32 $0xFFFFE000  }
0x7d: {  	[hbm4b:s0+s2] =	stream.linear.scatter [tilespmem:s5], [sflag:$0x3], $0x2000, $0x38;
	[tilespmem:$0x4D00] =	vst v63  }
0x7e: {  	_ =	swait.ge [sflag:s6], $0x2000  }
0x7f: {  	[sflag:s6] =	ssyncset.done $0x0  }
0x80: {  	[sflag:s6] =	ssyncadd.s32 $0xFFFFE000  }
0x81: {  	[tilespmem:s5], [sflag:$0x1] =	stream.indirect.gather [hbm4b:s4+s7], $0x40, s26, s7, $0xb8;
	[tilespmem:$0x4D00] =	vst v63  }
0x82: {  	_ =	swait.ge [sflag:s10], $0x2000  }
0x83: {  	[sflag:s10] =	ssyncset.done $0x0  }
0x84: {  	s0 =	rddreg [dreg:$0xc];
	[sflag:s10] =	ssyncadd.s32 $0xFFFFE000  }
0x85: {  	[hbm4b:s0+s2] =	stream.linear.scatter [tilespmem:s3], [sflag:$0x4], $0x2000, $0x38;
	[tilespmem:$0x4D00] =	vst v63  }
0x86: {  	_ =	swait.ge [sflag:s8], $0x2000  }
0x87: {  	[sflag:s8] =	ssyncset.done $0x0  }
0x88: {  	[sflag:s8] =	ssyncadd.s32 $0xFFFFE000  }
0x89: {  	[tilespmem:s3], [sflag:$0x2] =	stream.indirect.gather [hbm4b:s4+s7], $0x40, s25, s7, $0xb8;
	[tilespmem:$0x4D00] =	vst v63  }
0x8a: {  	_ =	swait.ge [sflag:s9], $0x2000  }
0x8b: {  	[sflag:s9] =	ssyncset.done $0x0  }
0x8c: {  	s0 =	rddreg [dreg:$0xd];
	[sflag:s9] =	ssyncadd.s32 $0xFFFFE000  }
0x8d: {  	[hbm4b:s0+s2] =	stream.linear.scatter [tilespmem:s5], [sflag:$0x3], $0x2000, $0x38;
	[tilespmem:$0x4D00] =	vst v63  }
0x8e: {  	_ =	swait.ge [sflag:s6], $0x2000  }
0x8f: {  	[sflag:s6] =	ssyncset.done $0x0  }
0x90: {  	[sflag:s6] =	ssyncadd.s32 $0xFFFFE000  }
0x91: {  	[tilespmem:s5], [sflag:$0x1] =	stream.indirect.gather [hbm4b:s4+s7], $0x40, s24, s7, $0xb8;
	[tilespmem:$0x4D00] =	vst v63  }
0x92: {  	_ =	swait.ge [sflag:s10], $0x2000  }
0x93: {  	[sflag:s10] =	ssyncset.done $0x0  }
0x94: {  	s0 =	rddreg [dreg:$0xe];
	[sflag:s10] =	ssyncadd.s32 $0xFFFFE000  }
0x95: {  	[hbm4b:s0+s2] =	stream.linear.scatter [tilespmem:s3], [sflag:$0x4], $0x2000, $0x38;
	[tilespmem:$0x4D00] =	vst v63  }
0x96: {  	_ =	swait.ge [sflag:s8], $0x2000  }
0x97: {  	[sflag:s8] =	ssyncset.done $0x0  }
0x98: {  	[sflag:s8] =	ssyncadd.s32 $0xFFFFE000  }
0x99: {  	[tilespmem:s3], [sflag:$0x2] =	stream.indirect.gather [hbm4b:s4+s7], $0x40, s23, s7, $0xb8;
	[tilespmem:$0x4D00] =	vst v63  }
0x9a: {  	_ =	swait.ge [sflag:s9], $0x2000  }
0x9b: {  	[sflag:s9] =	ssyncset.done $0x0  }
0x9c: {  	s0 =	rddreg [dreg:$0xf];
	[sflag:s9] =	ssyncadd.s32 $0xFFFFE000  }
0x9d: {  	[hbm4b:s0+s2] =	stream.linear.scatter [tilespmem:s5], [sflag:$0x3], $0x2000, $0x38;
	[tilespmem:$0x4D00] =	vst v63  }
0x9e: {  	_ =	swait.ge [sflag:s6], $0x2000  }
0x9f: {  	[sflag:s6] =	ssyncset.done $0x0  }
0xa0: {  	[sflag:s6] =	ssyncadd.s32 $0xFFFFE000  }
0xa1: {  	[tilespmem:s5], [sflag:$0x1] =	stream.indirect.gather [hbm4b:s4+s7], $0x40, s22, s7, $0xb8;
	[tilespmem:$0x4D00] =	vst v63  }
0xa2: {  	_ =	swait.ge [sflag:s10], $0x2000  }
0xa3: {  	[sflag:s10] =	ssyncset.done $0x0  }
0xa4: {  	s0 =	rddreg [dreg:$0x10];
	[sflag:s10] =	ssyncadd.s32 $0xFFFFE000  }
0xa5: {  	[hbm4b:s0+s2] =	stream.linear.scatter [tilespmem:s3], [sflag:$0x4], $0x2000, $0x38;
	[tilespmem:$0x4D00] =	vst v63  }
0xa6: {  	_ =	swait.ge [sflag:s8], $0x2000  }
0xa7: {  	[sflag:s8] =	ssyncset.done $0x0  }
0xa8: {  	[sflag:s8] =	ssyncadd.s32 $0xFFFFE000  }
0xa9: {  	[tilespmem:s3], [sflag:$0x2] =	stream.indirect.gather [hbm4b:s4+s7], $0x40, s21, s7, $0xb8;
	[tilespmem:$0x4D00] =	vst v63  }
0xaa: {  	_ =	swait.ge [sflag:s9], $0x2000  }
0xab: {  	[sflag:s9] =	ssyncset.done $0x0  }
0xac: {  	s0 =	rddreg [dreg:$0x11];
	[sflag:s9] =	ssyncadd.s32 $0xFFFFE000  }
0xad: {  	[hbm4b:s0+s2] =	stream.linear.scatter [tilespmem:s5], [sflag:$0x3], $0x2000, $0x38;
	[tilespmem:$0x4D00] =	vst v63  }
0xae: {  	_ =	swait.ge [sflag:s6], $0x2000  }
0xaf: {  	[sflag:s6] =	ssyncset.done $0x0  }
0xb0: {  	[sflag:s6] =	ssyncadd.s32 $0xFFFFE000  }
0xb1: {  	[tilespmem:s5], [sflag:$0x1] =	stream.indirect.gather [hbm4b:s4+s7], $0x40, s20, s7, $0xb8;
	[tilespmem:$0x4D00] =	vst v63  }
0xb2: {  	_ =	swait.ge [sflag:s10], $0x2000  }
0xb3: {  	[sflag:s10] =	ssyncset.done $0x0  }
0xb4: {  	s0 =	rddreg [dreg:$0x12];
	[sflag:s10] =	ssyncadd.s32 $0xFFFFE000  }
0xb5: {  	[hbm4b:s0+s2] =	stream.linear.scatter [tilespmem:s3], [sflag:$0x4], $0x2000, $0x38;
	[tilespmem:$0x4D00] =	vst v63  }
0xb6: {  	_ =	swait.ge [sflag:s8], $0x2000  }
0xb7: {  	[sflag:s8] =	ssyncset.done $0x0  }
0xb8: {  	[sflag:s8] =	ssyncadd.s32 $0xFFFFE000  }
0xb9: {  	[tilespmem:s3], [sflag:$0x2] =	stream.indirect.gather [hbm4b:s4+s7], $0x40, s19, s7, $0xb8;
	[tilespmem:$0x4D00] =	vst v63  }
0xba: {  	_ =	swait.ge [sflag:s9], $0x2000  }
0xbb: {  	[sflag:s9] =	ssyncset.done $0x0  }
0xbc: {  	s0 =	rddreg [dreg:$0x13];
	[sflag:s9] =	ssyncadd.s32 $0xFFFFE000  }
0xbd: {  	[hbm4b:s0+s2] =	stream.linear.scatter [tilespmem:s5], [sflag:$0x3], $0x2000, $0x38;
	[tilespmem:$0x4D00] =	vst v63  }
0xbe: {  	_ =	swait.ge [sflag:s6], $0x2000  }
0xbf: {  	[sflag:s6] =	ssyncset.done $0x0  }
0xc0: {  	[sflag:s6] =	ssyncadd.s32 $0xFFFFE000  }
0xc1: {  	[tilespmem:s5], [sflag:$0x1] =	stream.indirect.gather [hbm4b:s4+s7], $0x40, s18, s7, $0xb8;
	[tilespmem:$0x4D00] =	vst v63  }
0xc2: {  	_ =	swait.ge [sflag:s10], $0x2000  }
0xc3: {  	[sflag:s10] =	ssyncset.done $0x0  }
0xc4: {  	s0 =	rddreg [dreg:$0x14];
	[sflag:s10] =	ssyncadd.s32 $0xFFFFE000  }
0xc5: {  	[hbm4b:s0+s2] =	stream.linear.scatter [tilespmem:s3], [sflag:$0x4], $0x2000, $0x38;
	[tilespmem:$0x4D00] =	vst v63  }
0xc6: {  	_ =	swait.ge [sflag:s8], $0x2000  }
0xc7: {  	[sflag:s8] =	ssyncset.done $0x0  }
0xc8: {  	[sflag:s8] =	ssyncadd.s32 $0xFFFFE000  }
0xc9: {  	[tilespmem:s3], [sflag:$0x2] =	stream.indirect.gather [hbm4b:s4+s7], $0x40, s17, s7, $0xb8;
	[tilespmem:$0x4D00] =	vst v63  }
0xca: {  	_ =	swait.ge [sflag:s9], $0x2000  }
0xcb: {  	[sflag:s9] =	ssyncset.done $0x0  }
0xcc: {  	s0 =	rddreg [dreg:$0x15];
	[sflag:s9] =	ssyncadd.s32 $0xFFFFE000  }
0xcd: {  	[hbm4b:s0+s2] =	stream.linear.scatter [tilespmem:s5], [sflag:$0x3], $0x2000, $0x38;
	[tilespmem:$0x4D00] =	vst v63  }
0xce: {  	_ =	swait.ge [sflag:s6], $0x2000  }
0xcf: {  	[sflag:s6] =	ssyncset.done $0x0  }
0xd0: {  	[sflag:s6] =	ssyncadd.s32 $0xFFFFE000  }
0xd1: {  	[tilespmem:s5], [sflag:$0x1] =	stream.indirect.gather [hbm4b:s4+s7], $0x40, s16, s7, $0xb8;
	[tilespmem:$0x4D00] =	vst v63  }
0xd2: {  	_ =	swait.ge [sflag:s10], $0x2000  }
0xd3: {  	[sflag:s10] =	ssyncset.done $0x0  }
0xd4: {  	s0 =	rddreg [dreg:$0x16];
	[sflag:s10] =	ssyncadd.s32 $0xFFFFE000  }
0xd5: {  	[hbm4b:s0+s2] =	stream.linear.scatter [tilespmem:s3], [sflag:$0x4], $0x2000, $0x38;
	[tilespmem:$0x4D00] =	vst v63  }
0xd6: {  	_ =	swait.ge [sflag:s8], $0x2000  }
0xd7: {  	[sflag:s8] =	ssyncset.done $0x0  }
0xd8: {  	[sflag:s8] =	ssyncadd.s32 $0xFFFFE000  }
0xd9: {  	[tilespmem:s3], [sflag:$0x2] =	stream.indirect.gather [hbm4b:s4+s7], $0x40, s15, s7, $0xb8;
	[tilespmem:$0x4D00] =	vst v63  }
0xda: {  	_ =	swait.ge [sflag:s9], $0x2000  }
0xdb: {  	[sflag:s9] =	ssyncset.done $0x0  }
0xdc: {  	s0 =	rddreg [dreg:$0x17];
	[sflag:s9] =	ssyncadd.s32 $0xFFFFE000  }
0xdd: {  	[hbm4b:s0+s2] =	stream.linear.scatter [tilespmem:s5], [sflag:$0x3], $0x2000, $0x38;
	[tilespmem:$0x4D00] =	vst v63  }
0xde: {  	_ =	swait.ge [sflag:s6], $0x2000  }
0xdf: {  	[sflag:s6] =	ssyncset.done $0x0  }
0xe0: {  	[sflag:s6] =	ssyncadd.s32 $0xFFFFE000  }
0xe1: {  	[tilespmem:s5], [sflag:$0x1] =	stream.indirect.gather [hbm4b:s4+s7], $0x40, s14, s7, $0xb8;
	[tilespmem:$0x4D00] =	vst v63  }
0xe2: {  	_ =	swait.ge [sflag:s10], $0x2000  }
0xe3: {  	[sflag:s10] =	ssyncset.done $0x0  }
0xe4: {  	s0 =	rddreg [dreg:$0x18];
	[sflag:s10] =	ssyncadd.s32 $0xFFFFE000  }
0xe5: {  	[hbm4b:s0+s2] =	stream.linear.scatter [tilespmem:s3], [sflag:$0x4], $0x2000, $0x38;
	[tilespmem:$0x4D00] =	vst v63  }
0xe6: {  	_ =	swait.ge [sflag:s8], $0x2000  }
0xe7: {  	[sflag:s8] =	ssyncset.done $0x0  }
0xe8: {  	[sflag:s8] =	ssyncadd.s32 $0xFFFFE000  }
0xe9: {  	[tilespmem:s3], [sflag:$0x2] =	stream.indirect.gather [hbm4b:s4+s7], $0x40, s13, s7, $0xb8;
	[tilespmem:$0x4D00] =	vst v63  }
0xea: {  	_ =	swait.ge [sflag:s9], $0x2000  }
0xeb: {  	[sflag:s9] =	ssyncset.done $0x0  }
0xec: {  	s0 =	rddreg [dreg:$0x19];
	[sflag:s9] =	ssyncadd.s32 $0xFFFFE000  }
0xed: {  	[hbm4b:s0+s2] =	stream.linear.scatter [tilespmem:s5], [sflag:$0x3], $0x2000, $0x38;
	[tilespmem:$0x4D00] =	vst v63  }
0xee: {  	_ =	swait.ge [sflag:s6], $0x2000  }
0xef: {  	[sflag:s6] =	ssyncset.done $0x0  }
0xf0: {  	[sflag:s6] =	ssyncadd.s32 $0xFFFFE000  }
0xf1: {  	[tilespmem:s5], [sflag:$0x1] =	stream.indirect.gather [hbm4b:s4+s7], $0x40, s12, s7, $0xb8;
	[tilespmem:$0x4D00] =	vst v63  }
0xf2: {  	_ =	swait.ge [sflag:s10], $0x2000  }
0xf3: {  	[sflag:s10] =	ssyncset.done $0x0  }
0xf4: {  	s0 =	rddreg [dreg:$0x1a];
	[sflag:s10] =	ssyncadd.s32 $0xFFFFE000  }
0xf5: {  	[hbm4b:s0+s2] =	stream.linear.scatter [tilespmem:s3], [sflag:$0x4], $0x2000, $0x38;
	[tilespmem:$0x4D00] =	vst v63  }
0xf6: {  	_ =	swait.ge [sflag:s8], $0x2000  }
0xf7: {  	[sflag:s8] =	ssyncset.done $0x0  }
0xf8: {  	[sflag:s8] =	ssyncadd.s32 $0xFFFFE000  }
0xf9: {  	[tilespmem:s3], [sflag:$0x2] =	stream.indirect.gather [hbm4b:s4+s7], $0x40, s11, s7, $0xb8;
	[tilespmem:$0x4D00] =	vst v63  }
0xfa: {  	_ =	swait.ge [sflag:s9], $0x2000  }
0xfb: {  	[sflag:s9] =	ssyncset.done $0x0  }
0xfc: {  	s0 =	rddreg [dreg:$0x1b];
	[sflag:s9] =	ssyncadd.s32 $0xFFFFE000  }
0xfd: {  	[hbm4b:s0+s2] =	stream.linear.scatter [tilespmem:s5], [sflag:$0x3], $0x2000, $0x38;
	[tilespmem:$0x4D00] =	vst v63  }
0xfe: {  	_ =	swait.ge [sflag:s10], $0x2000  }
0xff: {  	[sflag:s10] =	ssyncset.done $0x0  }
0x100: {  	p1 =	sne.s32 s1, $0x1;
	s0 =	rddreg [dreg:$0x1c];
	[sflag:s10] =	ssyncadd.s32 $0xFFFFE000  }
0x101: {  	[hbm4b:s0+s2] =	stream.linear.scatter [tilespmem:s3], [sflag:$0x4], $0x2000, $0x38;
	[tilespmem:$0x4D00] =	vst v63  }
.Ltmp1:
0x102: {  	_ =	swait.ge [sflag:s6], $0x2000;
	(pc) =	sbr.rel @!p1 .LBB2_3-.Ltmp1, $4  }
0x103: {  	[sflag:s6] =	ssyncset.done $0x0  }
0x104: {  	[sflag:s6] =	ssyncadd.s32 $0xFFFFE000  }
0x105: {  	s1 =	sadd.s32 $0xFFFFFFFF, s1;
	_ =	swait.ge [sflag:s8], $0x2000  }
0x106: {  	p0 =	por $0x1, $0x1;
	s0 =	rddreg [dreg:$0x3];
	[sflag:s8] =	ssyncset.done $0x0  }
.LBB2_2:
0x107: {  	[sflag:s8] =	ssyncadd.s32 $0xFFFFE000  }
0x108: {  	[tilespmem:s2], [sflag:$0x5] =	stream.linear.gather [hbm4b:s0+s2], $0xD00, $0x38;
	[tilespmem:$0x4D00] =	vst v63  }
0x109: {  	_ =	swait.ge [sflag:s31], $0xD00  }
0x10a: {  	[sflag:s31] =	ssyncset.done $0x0  }
0x10b: {  	[sflag:s31] =	ssyncadd.s32 $0xFFFFF300  }
0x10c: {  	[tilespmem:s5], [sflag:$0x1] =	stream.indirect.gather [hbm4b:s4+s7], $0x40, s2, s7, $0xb8;
	[tilespmem:$0x4D00] =	vst v63  }
0x10d: {  	_ = 	snop  }
0x10e: {  	[tilespmem:s3], [sflag:$0x2] =	stream.indirect.gather [hbm4b:s4+s7], $0x40, s7, s7, $0xb8;
	[tilespmem:$0x4D00] =	vst v63  }
0x10f: {  	_ =	swait.ge [sflag:s9], $0x2000  }
0x110: {  	[sflag:s9] =	ssyncset.done $0x0  }
0x111: {  	[sflag:s9] =	ssyncadd.s32 $0xFFFFE000  }
0x112: {  	[hbm4b:s28+s2] =	stream.linear.scatter [tilespmem:s5], [sflag:$0x3], $0x2000, $0x38;
	[tilespmem:$0x4D00] =	vst v63  }
0x113: {  	_ =	swait.ge [sflag:s6], $0x2000  }
0x114: {  	[sflag:s6] =	ssyncset.done $0x0  }
0x115: {  	s0 =	rddreg [dreg:$0x1d];
	[sflag:s6] =	ssyncadd.s32 $0xFFFFE000  }
0x116: {  	[tilespmem:s5], [sflag:$0x1] =	stream.indirect.gather [hbm4b:s4+s7], $0x40, s0, s7, $0xb8;
	[tilespmem:$0x4D00] =	vst v63  }
0x117: {  	_ =	swait.ge [sflag:s10], $0x2000  }
0x118: {  	[sflag:s10] =	ssyncset.done $0x0  }
0x119: {  	s0 =	rddreg [dreg:$0x4];
	[sflag:s10] =	ssyncadd.s32 $0xFFFFE000  }
0x11a: {  	[hbm4b:s0+s2] =	stream.linear.scatter [tilespmem:s3], [sflag:$0x4], $0x2000, $0x38;
	[tilespmem:$0x4D00] =	vst v63  }
0x11b: {  	_ =	swait.ge [sflag:s8], $0x2000  }
0x11c: {  	[sflag:s8] =	ssyncset.done $0x0  }
0x11d: {  	s0 =	rddreg [dreg:$0x1e];
	[sflag:s8] =	ssyncadd.s32 $0xFFFFE000  }
0x11e: {  	[tilespmem:s3], [sflag:$0x2] =	stream.indirect.gather [hbm4b:s4+s7], $0x40, s0, s7, $0xb8;
	[tilespmem:$0x4D00] =	vst v63  }
0x11f: {  	_ =	swait.ge [sflag:s9], $0x2000  }
0x120: {  	[sflag:s9] =	ssyncset.done $0x0  }
0x121: {  	s0 =	rddreg [dreg:$0x5];
	[sflag:s9] =	ssyncadd.s32 $0xFFFFE000  }
0x122: {  	[hbm4b:s0+s2] =	stream.linear.scatter [tilespmem:s5], [sflag:$0x3], $0x2000, $0x38;
	[tilespmem:$0x4D00] =	vst v63  }
0x123: {  	_ =	swait.ge [sflag:s6], $0x2000  }
0x124: {  	[sflag:s6] =	ssyncset.done $0x0  }
0x125: {  	s0 =	rddreg [dreg:$0x1f];
	[sflag:s6] =	ssyncadd.s32 $0xFFFFE000  }
0x126: {  	[tilespmem:s5], [sflag:$0x1] =	stream.indirect.gather [hbm4b:s4+s7], $0x40, s0, s7, $0xb8;
	[tilespmem:$0x4D00] =	vst v63  }
0x127: {  	_ =	swait.ge [sflag:s10], $0x2000  }
0x128: {  	[sflag:s10] =	ssyncset.done $0x0  }
0x129: {  	s0 =	rddreg [dreg:$0x6];
	[sflag:s10] =	ssyncadd.s32 $0xFFFFE000  }
0x12a: {  	[hbm4b:s0+s2] =	stream.linear.scatter [tilespmem:s3], [sflag:$0x4], $0x2000, $0x38;
	[tilespmem:$0x4D00] =	vst v63  }
0x12b: {  	_ =	swait.ge [sflag:s8], $0x2000  }
0x12c: {  	s0 =	sld [smem:$0x7FB]  }
0x12d: {  	[sflag:s8] =	ssyncset.done $0x0  }
0x12e: {  	[sflag:s8] =	ssyncadd.s32 $0xFFFFE000  }
0x12f: {  	[tilespmem:s3], [sflag:$0x2] =	stream.indirect.gather [hbm4b:s4+s7], $0x40, s0, s7, $0xb8;
	[tilespmem:$0x4D00] =	vst v63  }
0x130: {  	_ =	swait.ge [sflag:s9], $0x2000  }
0x131: {  	[sflag:s9] =	ssyncset.done $0x0  }
0x132: {  	s0 =	rddreg [dreg:$0x7];
	[sflag:s9] =	ssyncadd.s32 $0xFFFFE000  }
0x133: {  	[hbm4b:s0+s2] =	stream.linear.scatter [tilespmem:s5], [sflag:$0x3], $0x2000, $0x38;
	[tilespmem:$0x4D00] =	vst v63  }
0x134: {  	_ =	swait.ge [sflag:s6], $0x2000  }
0x135: {  	s0 =	sld [smem:$0x7FC]  }
0x136: {  	[sflag:s6] =	ssyncset.done $0x0  }
0x137: {  	[sflag:s6] =	ssyncadd.s32 $0xFFFFE000  }
0x138: {  	[tilespmem:s5], [sflag:$0x1] =	stream.indirect.gather [hbm4b:s4+s7], $0x40, s0, s7, $0xb8;
	[tilespmem:$0x4D00] =	vst v63  }
0x139: {  	_ =	swait.ge [sflag:s10], $0x2000  }
0x13a: {  	[sflag:s10] =	ssyncset.done $0x0  }
0x13b: {  	s0 =	rddreg [dreg:$0x8];
	[sflag:s10] =	ssyncadd.s32 $0xFFFFE000  }
0x13c: {  	[hbm4b:s0+s2] =	stream.linear.scatter [tilespmem:s3], [sflag:$0x4], $0x2000, $0x38;
	[tilespmem:$0x4D00] =	vst v63  }
0x13d: {  	_ =	swait.ge [sflag:s8], $0x2000  }
0x13e: {  	s0 =	sld [smem:$0x7FD]  }
0x13f: {  	[sflag:s8] =	ssyncset.done $0x0  }
0x140: {  	[sflag:s8] =	ssyncadd.s32 $0xFFFFE000  }
0x141: {  	[tilespmem:s3], [sflag:$0x2] =	stream.indirect.gather [hbm4b:s4+s7], $0x40, s0, s7, $0xb8;
	[tilespmem:$0x4D00] =	vst v63  }
0x142: {  	_ =	swait.ge [sflag:s9], $0x2000  }
0x143: {  	[sflag:s9] =	ssyncset.done $0x0  }
0x144: {  	s0 =	rddreg [dreg:$0x9];
	[sflag:s9] =	ssyncadd.s32 $0xFFFFE000  }
0x145: {  	[hbm4b:s0+s2] =	stream.linear.scatter [tilespmem:s5], [sflag:$0x3], $0x2000, $0x38;
	[tilespmem:$0x4D00] =	vst v63  }
0x146: {  	_ =	swait.ge [sflag:s6], $0x2000  }
0x147: {  	[sflag:s6] =	ssyncset.done $0x0  }
0x148: {  	[sflag:s6] =	ssyncadd.s32 $0xFFFFE000  }
0x149: {  	[tilespmem:s5], [sflag:$0x1] =	stream.indirect.gather [hbm4b:s4+s7], $0x40, s30, s7, $0xb8;
	[tilespmem:$0x4D00] =	vst v63  }
0x14a: {  	_ =	swait.ge [sflag:s10], $0x2000  }
0x14b: {  	[sflag:s10] =	ssyncset.done $0x0  }
0x14c: {  	s0 =	rddreg [dreg:$0xa];
	[sflag:s10] =	ssyncadd.s32 $0xFFFFE000  }
0x14d: {  	[hbm4b:s0+s2] =	stream.linear.scatter [tilespmem:s3], [sflag:$0x4], $0x2000, $0x38;
	[tilespmem:$0x4D00] =	vst v63  }
0x14e: {  	_ =	swait.ge [sflag:s8], $0x2000  }
0x14f: {  	[sflag:s8] =	ssyncset.done $0x0  }
0x150: {  	[sflag:s8] =	ssyncadd.s32 $0xFFFFE000  }
0x151: {  	[tilespmem:s3], [sflag:$0x2] =	stream.indirect.gather [hbm4b:s4+s7], $0x40, s29, s7, $0xb8;
	[tilespmem:$0x4D00] =	vst v63  }
0x152: {  	_ =	swait.ge [sflag:s9], $0x2000  }
0x153: {  	[sflag:s9] =	ssyncset.done $0x0  }
0x154: {  	s0 =	rddreg [dreg:$0xb];
	[sflag:s9] =	ssyncadd.s32 $0xFFFFE000  }
0x155: {  	[hbm4b:s0+s2] =	stream.linear.scatter [tilespmem:s5], [sflag:$0x3], $0x2000, $0x38;
	[tilespmem:$0x4D00] =	vst v63  }
0x156: {  	_ =	swait.ge [sflag:s6], $0x2000  }
0x157: {  	[sflag:s6] =	ssyncset.done $0x0  }
0x158: {  	[sflag:s6] =	ssyncadd.s32 $0xFFFFE000  }
0x159: {  	[tilespmem:s5], [sflag:$0x1] =	stream.indirect.gather [hbm4b:s4+s7], $0x40, s26, s7, $0xb8;
	[tilespmem:$0x4D00] =	vst v63  }
0x15a: {  	_ =	swait.ge [sflag:s10], $0x2000  }
0x15b: {  	[sflag:s10] =	ssyncset.done $0x0  }
0x15c: {  	s0 =	rddreg [dreg:$0xc];
	[sflag:s10] =	ssyncadd.s32 $0xFFFFE000  }
0x15d: {  	[hbm4b:s0+s2] =	stream.linear.scatter [tilespmem:s3], [sflag:$0x4], $0x2000, $0x38;
	[tilespmem:$0x4D00] =	vst v63  }
0x15e: {  	_ =	swait.ge [sflag:s8], $0x2000  }
0x15f: {  	[sflag:s8] =	ssyncset.done $0x0  }
0x160: {  	[sflag:s8] =	ssyncadd.s32 $0xFFFFE000  }
0x161: {  	[tilespmem:s3], [sflag:$0x2] =	stream.indirect.gather [hbm4b:s4+s7], $0x40, s25, s7, $0xb8;
	[tilespmem:$0x4D00] =	vst v63  }
0x162: {  	_ =	swait.ge [sflag:s9], $0x2000  }
0x163: {  	[sflag:s9] =	ssyncset.done $0x0  }
0x164: {  	s0 =	rddreg [dreg:$0xd];
	[sflag:s9] =	ssyncadd.s32 $0xFFFFE000  }
0x165: {  	[hbm4b:s0+s2] =	stream.linear.scatter [tilespmem:s5], [sflag:$0x3], $0x2000, $0x38;
	[tilespmem:$0x4D00] =	vst v63  }
0x166: {  	_ =	swait.ge [sflag:s6], $0x2000  }
0x167: {  	[sflag:s6] =	ssyncset.done $0x0  }
0x168: {  	[sflag:s6] =	ssyncadd.s32 $0xFFFFE000  }
0x169: {  	[tilespmem:s5], [sflag:$0x1] =	stream.indirect.gather [hbm4b:s4+s7], $0x40, s24, s7, $0xb8;
	[tilespmem:$0x4D00] =	vst v63  }
0x16a: {  	_ =	swait.ge [sflag:s10], $0x2000  }
0x16b: {  	[sflag:s10] =	ssyncset.done $0x0  }
0x16c: {  	s0 =	rddreg [dreg:$0xe];
	[sflag:s10] =	ssyncadd.s32 $0xFFFFE000  }
0x16d: {  	[hbm4b:s0+s2] =	stream.linear.scatter [tilespmem:s3], [sflag:$0x4], $0x2000, $0x38;
	[tilespmem:$0x4D00] =	vst v63  }
0x16e: {  	_ =	swait.ge [sflag:s8], $0x2000  }
0x16f: {  	[sflag:s8] =	ssyncset.done $0x0  }
0x170: {  	[sflag:s8] =	ssyncadd.s32 $0xFFFFE000  }
0x171: {  	[tilespmem:s3], [sflag:$0x2] =	stream.indirect.gather [hbm4b:s4+s7], $0x40, s23, s7, $0xb8;
	[tilespmem:$0x4D00] =	vst v63  }
0x172: {  	_ =	swait.ge [sflag:s9], $0x2000  }
0x173: {  	[sflag:s9] =	ssyncset.done $0x0  }
0x174: {  	s0 =	rddreg [dreg:$0xf];
	[sflag:s9] =	ssyncadd.s32 $0xFFFFE000  }
0x175: {  	[hbm4b:s0+s2] =	stream.linear.scatter [tilespmem:s5], [sflag:$0x3], $0x2000, $0x38;
	[tilespmem:$0x4D00] =	vst v63  }
0x176: {  	_ =	swait.ge [sflag:s6], $0x2000  }
0x177: {  	[sflag:s6] =	ssyncset.done $0x0  }
0x178: {  	[sflag:s6] =	ssyncadd.s32 $0xFFFFE000  }
0x179: {  	[tilespmem:s5], [sflag:$0x1] =	stream.indirect.gather [hbm4b:s4+s7], $0x40, s22, s7, $0xb8;
	[tilespmem:$0x4D00] =	vst v63  }
0x17a: {  	_ =	swait.ge [sflag:s10], $0x2000  }
0x17b: {  	[sflag:s10] =	ssyncset.done $0x0  }
0x17c: {  	s0 =	rddreg [dreg:$0x10];
	[sflag:s10] =	ssyncadd.s32 $0xFFFFE000  }
0x17d: {  	[hbm4b:s0+s2] =	stream.linear.scatter [tilespmem:s3], [sflag:$0x4], $0x2000, $0x38;
	[tilespmem:$0x4D00] =	vst v63  }
0x17e: {  	_ =	swait.ge [sflag:s8], $0x2000  }
0x17f: {  	[sflag:s8] =	ssyncset.done $0x0  }
0x180: {  	[sflag:s8] =	ssyncadd.s32 $0xFFFFE000  }
0x181: {  	[tilespmem:s3], [sflag:$0x2] =	stream.indirect.gather [hbm4b:s4+s7], $0x40, s21, s7, $0xb8;
	[tilespmem:$0x4D00] =	vst v63  }
0x182: {  	_ =	swait.ge [sflag:s9], $0x2000  }
0x183: {  	[sflag:s9] =	ssyncset.done $0x0  }
0x184: {  	s0 =	rddreg [dreg:$0x11];
	[sflag:s9] =	ssyncadd.s32 $0xFFFFE000  }
0x185: {  	[hbm4b:s0+s2] =	stream.linear.scatter [tilespmem:s5], [sflag:$0x3], $0x2000, $0x38;
	[tilespmem:$0x4D00] =	vst v63  }
0x186: {  	_ =	swait.ge [sflag:s6], $0x2000  }
0x187: {  	[sflag:s6] =	ssyncset.done $0x0  }
0x188: {  	[sflag:s6] =	ssyncadd.s32 $0xFFFFE000  }
0x189: {  	[tilespmem:s5], [sflag:$0x1] =	stream.indirect.gather [hbm4b:s4+s7], $0x40, s20, s7, $0xb8;
	[tilespmem:$0x4D00] =	vst v63  }
0x18a: {  	_ =	swait.ge [sflag:s10], $0x2000  }
0x18b: {  	[sflag:s10] =	ssyncset.done $0x0  }
0x18c: {  	s0 =	rddreg [dreg:$0x12];
	[sflag:s10] =	ssyncadd.s32 $0xFFFFE000  }
0x18d: {  	[hbm4b:s0+s2] =	stream.linear.scatter [tilespmem:s3], [sflag:$0x4], $0x2000, $0x38;
	[tilespmem:$0x4D00] =	vst v63  }
0x18e: {  	_ =	swait.ge [sflag:s8], $0x2000  }
0x18f: {  	[sflag:s8] =	ssyncset.done $0x0  }
0x190: {  	[sflag:s8] =	ssyncadd.s32 $0xFFFFE000  }
0x191: {  	[tilespmem:s3], [sflag:$0x2] =	stream.indirect.gather [hbm4b:s4+s7], $0x40, s19, s7, $0xb8;
	[tilespmem:$0x4D00] =	vst v63  }
0x192: {  	_ =	swait.ge [sflag:s9], $0x2000  }
0x193: {  	[sflag:s9] =	ssyncset.done $0x0  }
0x194: {  	s0 =	rddreg [dreg:$0x13];
	[sflag:s9] =	ssyncadd.s32 $0xFFFFE000  }
0x195: {  	[hbm4b:s0+s2] =	stream.linear.scatter [tilespmem:s5], [sflag:$0x3], $0x2000, $0x38;
	[tilespmem:$0x4D00] =	vst v63  }
0x196: {  	_ =	swait.ge [sflag:s6], $0x2000  }
0x197: {  	[sflag:s6] =	ssyncset.done $0x0  }
0x198: {  	[sflag:s6] =	ssyncadd.s32 $0xFFFFE000  }
0x199: {  	[tilespmem:s5], [sflag:$0x1] =	stream.indirect.gather [hbm4b:s4+s7], $0x40, s18, s7, $0xb8;
	[tilespmem:$0x4D00] =	vst v63  }
0x19a: {  	_ =	swait.ge [sflag:s10], $0x2000  }
0x19b: {  	[sflag:s10] =	ssyncset.done $0x0  }
0x19c: {  	s0 =	rddreg [dreg:$0x14];
	[sflag:s10] =	ssyncadd.s32 $0xFFFFE000  }
0x19d: {  	[hbm4b:s0+s2] =	stream.linear.scatter [tilespmem:s3], [sflag:$0x4], $0x2000, $0x38;
	[tilespmem:$0x4D00] =	vst v63  }
0x19e: {  	_ =	swait.ge [sflag:s8], $0x2000  }
0x19f: {  	[sflag:s8] =	ssyncset.done $0x0  }
0x1a0: {  	[sflag:s8] =	ssyncadd.s32 $0xFFFFE000  }
0x1a1: {  	[tilespmem:s3], [sflag:$0x2] =	stream.indirect.gather [hbm4b:s4+s7], $0x40, s17, s7, $0xb8;
	[tilespmem:$0x4D00] =	vst v63  }
0x1a2: {  	_ =	swait.ge [sflag:s9], $0x2000  }
0x1a3: {  	[sflag:s9] =	ssyncset.done $0x0  }
0x1a4: {  	s0 =	rddreg [dreg:$0x15];
	[sflag:s9] =	ssyncadd.s32 $0xFFFFE000  }
0x1a5: {  	[hbm4b:s0+s2] =	stream.linear.scatter [tilespmem:s5], [sflag:$0x3], $0x2000, $0x38;
	[tilespmem:$0x4D00] =	vst v63  }
0x1a6: {  	_ =	swait.ge [sflag:s6], $0x2000  }
0x1a7: {  	[sflag:s6] =	ssyncset.done $0x0  }
0x1a8: {  	[sflag:s6] =	ssyncadd.s32 $0xFFFFE000  }
0x1a9: {  	[tilespmem:s5], [sflag:$0x1] =	stream.indirect.gather [hbm4b:s4+s7], $0x40, s16, s7, $0xb8;
	[tilespmem:$0x4D00] =	vst v63  }
0x1aa: {  	_ =	swait.ge [sflag:s10], $0x2000  }
0x1ab: {  	[sflag:s10] =	ssyncset.done $0x0  }
0x1ac: {  	s0 =	rddreg [dreg:$0x16];
	[sflag:s10] =	ssyncadd.s32 $0xFFFFE000  }
0x1ad: {  	[hbm4b:s0+s2] =	stream.linear.scatter [tilespmem:s3], [sflag:$0x4], $0x2000, $0x38;
	[tilespmem:$0x4D00] =	vst v63  }
0x1ae: {  	_ =	swait.ge [sflag:s8], $0x2000  }
0x1af: {  	[sflag:s8] =	ssyncset.done $0x0  }
0x1b0: {  	[sflag:s8] =	ssyncadd.s32 $0xFFFFE000  }
0x1b1: {  	[tilespmem:s3], [sflag:$0x2] =	stream.indirect.gather [hbm4b:s4+s7], $0x40, s15, s7, $0xb8;
	[tilespmem:$0x4D00] =	vst v63  }
0x1b2: {  	_ =	swait.ge [sflag:s9], $0x2000  }
0x1b3: {  	[sflag:s9] =	ssyncset.done $0x0  }
0x1b4: {  	s0 =	rddreg [dreg:$0x17];
	[sflag:s9] =	ssyncadd.s32 $0xFFFFE000  }
0x1b5: {  	[hbm4b:s0+s2] =	stream.linear.scatter [tilespmem:s5], [sflag:$0x3], $0x2000, $0x38;
	[tilespmem:$0x4D00] =	vst v63  }
0x1b6: {  	_ =	swait.ge [sflag:s6], $0x2000  }
0x1b7: {  	[sflag:s6] =	ssyncset.done $0x0  }
0x1b8: {  	[sflag:s6] =	ssyncadd.s32 $0xFFFFE000  }
0x1b9: {  	[tilespmem:s5], [sflag:$0x1] =	stream.indirect.gather [hbm4b:s4+s7], $0x40, s14, s7, $0xb8;
	[tilespmem:$0x4D00] =	vst v63  }
0x1ba: {  	_ =	swait.ge [sflag:s10], $0x2000  }
0x1bb: {  	[sflag:s10] =	ssyncset.done $0x0  }
0x1bc: {  	s0 =	rddreg [dreg:$0x18];
	[sflag:s10] =	ssyncadd.s32 $0xFFFFE000  }
0x1bd: {  	[hbm4b:s0+s2] =	stream.linear.scatter [tilespmem:s3], [sflag:$0x4], $0x2000, $0x38;
	[tilespmem:$0x4D00] =	vst v63  }
0x1be: {  	_ =	swait.ge [sflag:s8], $0x2000  }
0x1bf: {  	[sflag:s8] =	ssyncset.done $0x0  }
0x1c0: {  	[sflag:s8] =	ssyncadd.s32 $0xFFFFE000  }
0x1c1: {  	[tilespmem:s3], [sflag:$0x2] =	stream.indirect.gather [hbm4b:s4+s7], $0x40, s13, s7, $0xb8;
	[tilespmem:$0x4D00] =	vst v63  }
0x1c2: {  	_ =	swait.ge [sflag:s9], $0x2000  }
0x1c3: {  	[sflag:s9] =	ssyncset.done $0x0  }
0x1c4: {  	s0 =	rddreg [dreg:$0x19];
	[sflag:s9] =	ssyncadd.s32 $0xFFFFE000  }
0x1c5: {  	[hbm4b:s0+s2] =	stream.linear.scatter [tilespmem:s5], [sflag:$0x3], $0x2000, $0x38;
	[tilespmem:$0x4D00] =	vst v63  }
0x1c6: {  	_ =	swait.ge [sflag:s6], $0x2000  }
0x1c7: {  	[sflag:s6] =	ssyncset.done $0x0  }
0x1c8: {  	[sflag:s6] =	ssyncadd.s32 $0xFFFFE000  }
0x1c9: {  	[tilespmem:s5], [sflag:$0x1] =	stream.indirect.gather [hbm4b:s4+s7], $0x40, s12, s7, $0xb8;
	[tilespmem:$0x4D00] =	vst v63  }
0x1ca: {  	_ =	swait.ge [sflag:s10], $0x2000  }
0x1cb: {  	[sflag:s10] =	ssyncset.done $0x0  }
0x1cc: {  	s0 =	rddreg [dreg:$0x1a];
	[sflag:s10] =	ssyncadd.s32 $0xFFFFE000  }
0x1cd: {  	[hbm4b:s0+s2] =	stream.linear.scatter [tilespmem:s3], [sflag:$0x4], $0x2000, $0x38;
	[tilespmem:$0x4D00] =	vst v63  }
0x1ce: {  	_ =	swait.ge [sflag:s8], $0x2000  }
0x1cf: {  	[sflag:s8] =	ssyncset.done $0x0  }
0x1d0: {  	[sflag:s8] =	ssyncadd.s32 $0xFFFFE000  }
0x1d1: {  	[tilespmem:s3], [sflag:$0x2] =	stream.indirect.gather [hbm4b:s4+s7], $0x40, s11, s7, $0xb8;
	[tilespmem:$0x4D00] =	vst v63  }
0x1d2: {  	_ =	swait.ge [sflag:s9], $0x2000  }
0x1d3: {  	[sflag:s9] =	ssyncset.done $0x0  }
0x1d4: {  	s0 =	rddreg [dreg:$0x1b];
	[sflag:s9] =	ssyncadd.s32 $0xFFFFE000  }
0x1d5: {  	[hbm4b:s0+s2] =	stream.linear.scatter [tilespmem:s5], [sflag:$0x3], $0x2000, $0x38;
	[tilespmem:$0x4D00] =	vst v63  }
0x1d6: {  	_ =	swait.ge [sflag:s10], $0x2000  }
0x1d7: {  	[sflag:s10] =	ssyncset.done $0x0  }
0x1d8: {  	p1 =	sne.s32 s1, $0x1;
	s0 =	rddreg [dreg:$0x1c];
	[sflag:s10] =	ssyncadd.s32 $0xFFFFE000  }
0x1d9: {  	[hbm4b:s0+s2] =	stream.linear.scatter [tilespmem:s3], [sflag:$0x4], $0x2000, $0x38;
	[tilespmem:$0x4D00] =	vst v63  }
.Ltmp2:
0x1da: {  	_ =	swait.ge [sflag:s6], $0x2000;
	(pc) =	sbr.rel @p1 .LBB2_2-.Ltmp2, $4  }
0x1db: {  	[sflag:s6] =	ssyncset.done $0x0  }
0x1dc: {  	[sflag:s6] =	ssyncadd.s32 $0xFFFFE000  }
0x1dd: {  	_ =	swait.ge [sflag:s8], $0x2000  }
0x1de: {  	s1 =	sadd.s32 $0xFFFFFFFF, s1;
	s0 =	rddreg [dreg:$0x3];
	[sflag:s8] =	ssyncset.done $0x0  }
.LBB2_3:
0x1df: {  	[sflag:s8] =	ssyncadd.s32 @p0 $0xFFFFE000  }
0x1e0: {  	[tilespmem:s2], [sflag:$0x5] =	stream.linear.gather [hbm4b:s0+s2], $0xD00, $0x38;
	[tilespmem:$0x4D00] =	vst v63  }
0x1e1: {  	_ =	swait.ge [sflag:s31], $0xD00  }
0x1e2: {  	[sflag:s31] =	ssyncset.done $0x0  }
0x1e3: {  	[sflag:s31] =	ssyncadd.s32 $0xFFFFF300  }
0x1e4: {  	[tilespmem:s5], [sflag:$0x1] =	stream.indirect.gather [hbm4b:s4+s7], $0x40, s2, s7, $0xb8;
	[tilespmem:$0x4D00] =	vst v63  }
0x1e5: {  	_ = 	snop  }
0x1e6: {  	[tilespmem:s3], [sflag:$0x2] =	stream.indirect.gather [hbm4b:s4+s7], $0x40, s7, s7, $0xb8;
	[tilespmem:$0x4D00] =	vst v63  }
0x1e7: {  	_ =	swait.ge [sflag:s9], $0x2000  }
0x1e8: {  	[sflag:s9] =	ssyncset.done $0x0  }
0x1e9: {  	[sflag:s9] =	ssyncadd.s32 $0xFFFFE000  }
0x1ea: {  	[hbm4b:s28+s2] =	stream.linear.scatter [tilespmem:s5], [sflag:$0x3], $0x2000, $0x38;
	[tilespmem:$0x4D00] =	vst v63  }
0x1eb: {  	_ =	swait.ge [sflag:s6], $0x2000  }
0x1ec: {  	[sflag:s6] =	ssyncset.done $0x0  }
0x1ed: {  	s31 =	rddreg [dreg:$0x1d];
	[sflag:s6] =	ssyncadd.s32 $0xFFFFE000  }
0x1ee: {  	[tilespmem:s5], [sflag:$0x1] =	stream.indirect.gather [hbm4b:s4+s7], $0x40, s31, s7, $0xb8;
	[tilespmem:$0x4D00] =	vst v63  }
0x1ef: {  	_ =	swait.ge [sflag:s10], $0x2000  }
0x1f0: {  	[sflag:s10] =	ssyncset.done $0x0  }
0x1f1: {  	s1 =	rddreg [dreg:$0x4];
	[sflag:s10] =	ssyncadd.s32 $0xFFFFE000  }
0x1f2: {  	[hbm4b:s1+s2] =	stream.linear.scatter [tilespmem:s3], [sflag:$0x4], $0x2000, $0x38;
	[tilespmem:$0x4D00] =	vst v63  }
0x1f3: {  	_ =	swait.ge [sflag:s8], $0x2000  }
0x1f4: {  	[sflag:s8] =	ssyncset.done $0x0  }
0x1f5: {  	s28 =	rddreg [dreg:$0x1e];
	[sflag:s8] =	ssyncadd.s32 $0xFFFFE000  }
0x1f6: {  	[tilespmem:s3], [sflag:$0x2] =	stream.indirect.gather [hbm4b:s4+s7], $0x40, s28, s7, $0xb8;
	[tilespmem:$0x4D00] =	vst v63  }
0x1f7: {  	_ =	swait.ge [sflag:s9], $0x2000  }
0x1f8: {  	[sflag:s9] =	ssyncset.done $0x0  }
0x1f9: {  	s31 =	rddreg [dreg:$0x5];
	[sflag:s9] =	ssyncadd.s32 $0xFFFFE000  }
0x1fa: {  	[hbm4b:s31+s2] =	stream.linear.scatter [tilespmem:s5], [sflag:$0x3], $0x2000, $0x38;
	[tilespmem:$0x4D00] =	vst v63  }
0x1fb: {  	_ =	swait.ge [sflag:s6], $0x2000  }
0x1fc: {  	[sflag:s6] =	ssyncset.done $0x0  }
0x1fd: {  	s1 =	rddreg [dreg:$0x1f];
	[sflag:s6] =	ssyncadd.s32 $0xFFFFE000  }
0x1fe: {  	[tilespmem:s5], [sflag:$0x1] =	stream.indirect.gather [hbm4b:s4+s7], $0x40, s1, s7, $0xb8;
	[tilespmem:$0x4D00] =	vst v63  }
0x1ff: {  	_ =	swait.ge [sflag:s10], $0x2000  }
0x200: {  	[sflag:s10] =	ssyncset.done $0x0  }
0x201: {  	s28 =	rddreg [dreg:$0x6];
	[sflag:s10] =	ssyncadd.s32 $0xFFFFE000  }
0x202: {  	[hbm4b:s28+s2] =	stream.linear.scatter [tilespmem:s3], [sflag:$0x4], $0x2000, $0x38;
	[tilespmem:$0x4D00] =	vst v63  }
0x203: {  	_ =	swait.ge [sflag:s8], $0x2000  }
0x204: {  	s31 =	sld [smem:$0x7FB]  }
0x205: {  	[sflag:s8] =	ssyncset.done $0x0  }
0x206: {  	[sflag:s8] =	ssyncadd.s32 $0xFFFFE000  }
0x207: {  	[tilespmem:s3], [sflag:$0x2] =	stream.indirect.gather [hbm4b:s4+s7], $0x40, s31, s7, $0xb8;
	[tilespmem:$0x4D00] =	vst v63  }
0x208: {  	_ =	swait.ge [sflag:s9], $0x2000  }
0x209: {  	[sflag:s9] =	ssyncset.done $0x0  }
0x20a: {  	s1 =	rddreg [dreg:$0x7];
	[sflag:s9] =	ssyncadd.s32 $0xFFFFE000  }
0x20b: {  	[hbm4b:s1+s2] =	stream.linear.scatter [tilespmem:s5], [sflag:$0x3], $0x2000, $0x38;
	[tilespmem:$0x4D00] =	vst v63  }
0x20c: {  	_ =	swait.ge [sflag:s6], $0x2000  }
0x20d: {  	s28 =	sld [smem:$0x7FC]  }
0x20e: {  	[sflag:s6] =	ssyncset.done $0x0  }
0x20f: {  	[sflag:s6] =	ssyncadd.s32 $0xFFFFE000  }
0x210: {  	[tilespmem:s5], [sflag:$0x1] =	stream.indirect.gather [hbm4b:s4+s7], $0x40, s28, s7, $0xb8;
	[tilespmem:$0x4D00] =	vst v63  }
0x211: {  	_ =	swait.ge [sflag:s10], $0x2000  }
0x212: {  	[sflag:s10] =	ssyncset.done $0x0  }
0x213: {  	s31 =	rddreg [dreg:$0x8];
	[sflag:s10] =	ssyncadd.s32 $0xFFFFE000  }
0x214: {  	[hbm4b:s31+s2] =	stream.linear.scatter [tilespmem:s3], [sflag:$0x4], $0x2000, $0x38;
	[tilespmem:$0x4D00] =	vst v63  }
0x215: {  	_ =	swait.ge [sflag:s8], $0x2000  }
0x216: {  	s1 =	sld [smem:$0x7FD]  }
0x217: {  	[sflag:s8] =	ssyncset.done $0x0  }
0x218: {  	[sflag:s8] =	ssyncadd.s32 $0xFFFFE000  }
0x219: {  	[tilespmem:s3], [sflag:$0x2] =	stream.indirect.gather [hbm4b:s4+s7], $0x40, s1, s7, $0xb8;
	[tilespmem:$0x4D00] =	vst v63  }
0x21a: {  	_ =	swait.ge [sflag:s9], $0x2000  }
0x21b: {  	[sflag:s9] =	ssyncset.done $0x0  }
0x21c: {  	s28 =	rddreg [dreg:$0x9];
	[sflag:s9] =	ssyncadd.s32 $0xFFFFE000  }
0x21d: {  	[hbm4b:s28+s2] =	stream.linear.scatter [tilespmem:s5], [sflag:$0x3], $0x2000, $0x38;
	[tilespmem:$0x4D00] =	vst v63  }
0x21e: {  	_ =	swait.ge [sflag:s6], $0x2000  }
0x21f: {  	[sflag:s6] =	ssyncset.done $0x0  }
0x220: {  	[sflag:s6] =	ssyncadd.s32 $0xFFFFE000  }
0x221: {  	[tilespmem:s5], [sflag:$0x1] =	stream.indirect.gather [hbm4b:s4+s7], $0x40, s30, s7, $0xb8;
	[tilespmem:$0x4D00] =	vst v63  }
0x222: {  	_ =	swait.ge [sflag:s10], $0x2000  }
0x223: {  	[sflag:s10] =	ssyncset.done $0x0  }
0x224: {  	s30 =	rddreg [dreg:$0xa];
	[sflag:s10] =	ssyncadd.s32 $0xFFFFE000  }
0x225: {  	[hbm4b:s30+s2] =	stream.linear.scatter [tilespmem:s3], [sflag:$0x4], $0x2000, $0x38;
	[tilespmem:$0x4D00] =	vst v63  }
0x226: {  	_ =	swait.ge [sflag:s8], $0x2000  }
0x227: {  	[sflag:s8] =	ssyncset.done $0x0  }
0x228: {  	[sflag:s8] =	ssyncadd.s32 $0xFFFFE000  }
0x229: {  	[tilespmem:s3], [sflag:$0x2] =	stream.indirect.gather [hbm4b:s4+s7], $0x40, s29, s7, $0xb8;
	[tilespmem:$0x4D00] =	vst v63  }
0x22a: {  	_ =	swait.ge [sflag:s9], $0x2000  }
0x22b: {  	[sflag:s9] =	ssyncset.done $0x0  }
0x22c: {  	s31 =	rddreg [dreg:$0xb];
	[sflag:s9] =	ssyncadd.s32 $0xFFFFE000  }
0x22d: {  	[hbm4b:s31+s2] =	stream.linear.scatter [tilespmem:s5], [sflag:$0x3], $0x2000, $0x38;
	[tilespmem:$0x4D00] =	vst v63  }
0x22e: {  	_ =	swait.ge [sflag:s6], $0x2000  }
0x22f: {  	[sflag:s6] =	ssyncset.done $0x0  }
0x230: {  	[sflag:s6] =	ssyncadd.s32 $0xFFFFE000  }
0x231: {  	[tilespmem:s5], [sflag:$0x1] =	stream.indirect.gather [hbm4b:s4+s7], $0x40, s26, s7, $0xb8;
	[tilespmem:$0x4D00] =	vst v63  }
0x232: {  	_ =	swait.ge [sflag:s10], $0x2000  }
0x233: {  	[sflag:s10] =	ssyncset.done $0x0  }
0x234: {  	s1 =	rddreg [dreg:$0xc];
	[sflag:s10] =	ssyncadd.s32 $0xFFFFE000  }
0x235: {  	[hbm4b:s1+s2] =	stream.linear.scatter [tilespmem:s3], [sflag:$0x4], $0x2000, $0x38;
	[tilespmem:$0x4D00] =	vst v63  }
0x236: {  	_ =	swait.ge [sflag:s8], $0x2000  }
0x237: {  	[sflag:s8] =	ssyncset.done $0x0  }
0x238: {  	[sflag:s8] =	ssyncadd.s32 $0xFFFFE000  }
0x239: {  	[tilespmem:s3], [sflag:$0x2] =	stream.indirect.gather [hbm4b:s4+s7], $0x40, s25, s7, $0xb8;
	[tilespmem:$0x4D00] =	vst v63  }
0x23a: {  	_ =	swait.ge [sflag:s9], $0x2000  }
0x23b: {  	[sflag:s9] =	ssyncset.done $0x0  }
0x23c: {  	s26 =	rddreg [dreg:$0xd];
	[sflag:s9] =	ssyncadd.s32 $0xFFFFE000  }
0x23d: {  	[hbm4b:s26+s2] =	stream.linear.scatter [tilespmem:s5], [sflag:$0x3], $0x2000, $0x38;
	[tilespmem:$0x4D00] =	vst v63  }
0x23e: {  	_ =	swait.ge [sflag:s6], $0x2000  }
0x23f: {  	[sflag:s6] =	ssyncset.done $0x0  }
0x240: {  	[sflag:s6] =	ssyncadd.s32 $0xFFFFE000  }
0x241: {  	[tilespmem:s5], [sflag:$0x1] =	stream.indirect.gather [hbm4b:s4+s7], $0x40, s24, s7, $0xb8;
	[tilespmem:$0x4D00] =	vst v63  }
0x242: {  	_ =	swait.ge [sflag:s10], $0x2000  }
0x243: {  	[sflag:s10] =	ssyncset.done $0x0  }
0x244: {  	s28 =	rddreg [dreg:$0xe];
	[sflag:s10] =	ssyncadd.s32 $0xFFFFE000  }
0x245: {  	[hbm4b:s28+s2] =	stream.linear.scatter [tilespmem:s3], [sflag:$0x4], $0x2000, $0x38;
	[tilespmem:$0x4D00] =	vst v63  }
0x246: {  	_ =	swait.ge [sflag:s8], $0x2000  }
0x247: {  	[sflag:s8] =	ssyncset.done $0x0  }
0x248: {  	[sflag:s8] =	ssyncadd.s32 $0xFFFFE000  }
0x249: {  	[tilespmem:s3], [sflag:$0x2] =	stream.indirect.gather [hbm4b:s4+s7], $0x40, s23, s7, $0xb8;
	[tilespmem:$0x4D00] =	vst v63  }
0x24a: {  	_ =	swait.ge [sflag:s9], $0x2000  }
0x24b: {  	[sflag:s9] =	ssyncset.done $0x0  }
0x24c: {  	s29 =	rddreg [dreg:$0xf];
	[sflag:s9] =	ssyncadd.s32 $0xFFFFE000  }
0x24d: {  	[hbm4b:s29+s2] =	stream.linear.scatter [tilespmem:s5], [sflag:$0x3], $0x2000, $0x38;
	[tilespmem:$0x4D00] =	vst v63  }
0x24e: {  	_ =	swait.ge [sflag:s6], $0x2000  }
0x24f: {  	[sflag:s6] =	ssyncset.done $0x0  }
0x250: {  	[sflag:s6] =	ssyncadd.s32 $0xFFFFE000  }
0x251: {  	[tilespmem:s5], [sflag:$0x1] =	stream.indirect.gather [hbm4b:s4+s7], $0x40, s22, s7, $0xb8;
	[tilespmem:$0x4D00] =	vst v63  }
0x252: {  	_ =	swait.ge [sflag:s10], $0x2000  }
0x253: {  	[sflag:s10] =	ssyncset.done $0x0  }
0x254: {  	s30 =	rddreg [dreg:$0x10];
	[sflag:s10] =	ssyncadd.s32 $0xFFFFE000  }
0x255: {  	[hbm4b:s30+s2] =	stream.linear.scatter [tilespmem:s3], [sflag:$0x4], $0x2000, $0x38;
	[tilespmem:$0x4D00] =	vst v63  }
0x256: {  	_ =	swait.ge [sflag:s8], $0x2000  }
0x257: {  	[sflag:s8] =	ssyncset.done $0x0  }
0x258: {  	[sflag:s8] =	ssyncadd.s32 $0xFFFFE000  }
0x259: {  	[tilespmem:s3], [sflag:$0x2] =	stream.indirect.gather [hbm4b:s4+s7], $0x40, s21, s7, $0xb8;
	[tilespmem:$0x4D00] =	vst v63  }
0x25a: {  	_ =	swait.ge [sflag:s9], $0x2000  }
0x25b: {  	[sflag:s9] =	ssyncset.done $0x0  }
0x25c: {  	s31 =	rddreg [dreg:$0x11];
	[sflag:s9] =	ssyncadd.s32 $0xFFFFE000  }
0x25d: {  	[hbm4b:s31+s2] =	stream.linear.scatter [tilespmem:s5], [sflag:$0x3], $0x2000, $0x38;
	[tilespmem:$0x4D00] =	vst v63  }
0x25e: {  	_ =	swait.ge [sflag:s6], $0x2000  }
0x25f: {  	[sflag:s6] =	ssyncset.done $0x0  }
0x260: {  	[sflag:s6] =	ssyncadd.s32 $0xFFFFE000  }
0x261: {  	[tilespmem:s5], [sflag:$0x1] =	stream.indirect.gather [hbm4b:s4+s7], $0x40, s20, s7, $0xb8;
	[tilespmem:$0x4D00] =	vst v63  }
0x262: {  	_ =	swait.ge [sflag:s10], $0x2000  }
0x263: {  	[sflag:s10] =	ssyncset.done $0x0  }
0x264: {  	s1 =	rddreg [dreg:$0x12];
	[sflag:s10] =	ssyncadd.s32 $0xFFFFE000  }
0x265: {  	[hbm4b:s1+s2] =	stream.linear.scatter [tilespmem:s3], [sflag:$0x4], $0x2000, $0x38;
	[tilespmem:$0x4D00] =	vst v63  }
0x266: {  	_ =	swait.ge [sflag:s8], $0x2000  }
0x267: {  	[sflag:s8] =	ssyncset.done $0x0  }
0x268: {  	[sflag:s8] =	ssyncadd.s32 $0xFFFFE000  }
0x269: {  	[tilespmem:s3], [sflag:$0x2] =	stream.indirect.gather [hbm4b:s4+s7], $0x40, s19, s7, $0xb8;
	[tilespmem:$0x4D00] =	vst v63  }
0x26a: {  	_ =	swait.ge [sflag:s9], $0x2000  }
0x26b: {  	[sflag:s9] =	ssyncset.done $0x0  }
0x26c: {  	s20 =	rddreg [dreg:$0x13];
	[sflag:s9] =	ssyncadd.s32 $0xFFFFE000  }
0x26d: {  	[hbm4b:s20+s2] =	stream.linear.scatter [tilespmem:s5], [sflag:$0x3], $0x2000, $0x38;
	[tilespmem:$0x4D00] =	vst v63  }
0x26e: {  	_ =	swait.ge [sflag:s6], $0x2000  }
0x26f: {  	[sflag:s6] =	ssyncset.done $0x0  }
0x270: {  	[sflag:s6] =	ssyncadd.s32 $0xFFFFE000  }
0x271: {  	[tilespmem:s5], [sflag:$0x1] =	stream.indirect.gather [hbm4b:s4+s7], $0x40, s18, s7, $0xb8;
	[tilespmem:$0x4D00] =	vst v63  }
0x272: {  	_ =	swait.ge [sflag:s10], $0x2000  }
0x273: {  	[sflag:s10] =	ssyncset.done $0x0  }
0x274: {  	s21 =	rddreg [dreg:$0x14];
	[sflag:s10] =	ssyncadd.s32 $0xFFFFE000  }
0x275: {  	[hbm4b:s21+s2] =	stream.linear.scatter [tilespmem:s3], [sflag:$0x4], $0x2000, $0x38;
	[tilespmem:$0x4D00] =	vst v63  }
0x276: {  	_ =	swait.ge [sflag:s8], $0x2000  }
0x277: {  	[sflag:s8] =	ssyncset.done $0x0  }
0x278: {  	[sflag:s8] =	ssyncadd.s32 $0xFFFFE000  }
0x279: {  	[tilespmem:s3], [sflag:$0x2] =	stream.indirect.gather [hbm4b:s4+s7], $0x40, s17, s7, $0xb8;
	[tilespmem:$0x4D00] =	vst v63  }
0x27a: {  	_ =	swait.ge [sflag:s9], $0x2000  }
0x27b: {  	[sflag:s9] =	ssyncset.done $0x0  }
0x27c: {  	s22 =	rddreg [dreg:$0x15];
	[sflag:s9] =	ssyncadd.s32 $0xFFFFE000  }
0x27d: {  	[hbm4b:s22+s2] =	stream.linear.scatter [tilespmem:s5], [sflag:$0x3], $0x2000, $0x38;
	[tilespmem:$0x4D00] =	vst v63  }
0x27e: {  	_ =	swait.ge [sflag:s6], $0x2000  }
0x27f: {  	[sflag:s6] =	ssyncset.done $0x0  }
0x280: {  	[sflag:s6] =	ssyncadd.s32 $0xFFFFE000  }
0x281: {  	[tilespmem:s5], [sflag:$0x1] =	stream.indirect.gather [hbm4b:s4+s7], $0x40, s16, s7, $0xb8;
	[tilespmem:$0x4D00] =	vst v63  }
0x282: {  	_ =	swait.ge [sflag:s10], $0x2000  }
0x283: {  	[sflag:s10] =	ssyncset.done $0x0  }
0x284: {  	s23 =	rddreg [dreg:$0x16];
	[sflag:s10] =	ssyncadd.s32 $0xFFFFE000  }
0x285: {  	[hbm4b:s23+s2] =	stream.linear.scatter [tilespmem:s3], [sflag:$0x4], $0x2000, $0x38;
	[tilespmem:$0x4D00] =	vst v63  }
0x286: {  	_ =	swait.ge [sflag:s8], $0x2000  }
0x287: {  	[sflag:s8] =	ssyncset.done $0x0  }
0x288: {  	[sflag:s8] =	ssyncadd.s32 $0xFFFFE000  }
0x289: {  	[tilespmem:s3], [sflag:$0x2] =	stream.indirect.gather [hbm4b:s4+s7], $0x40, s15, s7, $0xb8;
	[tilespmem:$0x4D00] =	vst v63  }
0x28a: {  	_ =	swait.ge [sflag:s9], $0x2000  }
0x28b: {  	[sflag:s9] =	ssyncset.done $0x0  }
0x28c: {  	s24 =	rddreg [dreg:$0x17];
	[sflag:s9] =	ssyncadd.s32 $0xFFFFE000  }
0x28d: {  	[hbm4b:s24+s2] =	stream.linear.scatter [tilespmem:s5], [sflag:$0x3], $0x2000, $0x38;
	[tilespmem:$0x4D00] =	vst v63  }
0x28e: {  	_ =	swait.ge [sflag:s6], $0x2000  }
0x28f: {  	[sflag:s6] =	ssyncset.done $0x0  }
0x290: {  	[sflag:s6] =	ssyncadd.s32 $0xFFFFE000  }
0x291: {  	[tilespmem:s5], [sflag:$0x1] =	stream.indirect.gather [hbm4b:s4+s7], $0x40, s14, s7, $0xb8;
	[tilespmem:$0x4D00] =	vst v63  }
0x292: {  	_ =	swait.ge [sflag:s10], $0x2000  }
0x293: {  	[sflag:s10] =	ssyncset.done $0x0  }
0x294: {  	s25 =	rddreg [dreg:$0x18];
	[sflag:s10] =	ssyncadd.s32 $0xFFFFE000  }
0x295: {  	[hbm4b:s25+s2] =	stream.linear.scatter [tilespmem:s3], [sflag:$0x4], $0x2000, $0x38;
	[tilespmem:$0x4D00] =	vst v63  }
0x296: {  	_ =	swait.ge [sflag:s8], $0x2000  }
0x297: {  	[sflag:s8] =	ssyncset.done $0x0  }
0x298: {  	[sflag:s8] =	ssyncadd.s32 $0xFFFFE000  }
0x299: {  	[tilespmem:s3], [sflag:$0x2] =	stream.indirect.gather [hbm4b:s4+s7], $0x40, s13, s7, $0xb8;
	[tilespmem:$0x4D00] =	vst v63  }
0x29a: {  	_ =	swait.ge [sflag:s9], $0x2000  }
0x29b: {  	[sflag:s9] =	ssyncset.done $0x0  }
0x29c: {  	s26 =	rddreg [dreg:$0x19];
	[sflag:s9] =	ssyncadd.s32 $0xFFFFE000  }
0x29d: {  	[hbm4b:s26+s2] =	stream.linear.scatter [tilespmem:s5], [sflag:$0x3], $0x2000, $0x38;
	[tilespmem:$0x4D00] =	vst v63  }
0x29e: {  	_ =	swait.ge [sflag:s6], $0x2000  }
0x29f: {  	[sflag:s6] =	ssyncset.done $0x0  }
0x2a0: {  	[sflag:s6] =	ssyncadd.s32 $0xFFFFE000  }
0x2a1: {  	[tilespmem:s5], [sflag:$0x1] =	stream.indirect.gather [hbm4b:s4+s7], $0x40, s12, s7, $0xb8;
	[tilespmem:$0x4D00] =	vst v63  }
0x2a2: {  	_ =	swait.ge [sflag:s10], $0x2000  }
0x2a3: {  	[sflag:s10] =	ssyncset.done $0x0  }
0x2a4: {  	s28 =	rddreg [dreg:$0x1a];
	[sflag:s10] =	ssyncadd.s32 $0xFFFFE000  }
0x2a5: {  	[hbm4b:s28+s2] =	stream.linear.scatter [tilespmem:s3], [sflag:$0x4], $0x2000, $0x38;
	[tilespmem:$0x4D00] =	vst v63  }
0x2a6: {  	_ =	swait.ge [sflag:s8], $0x2000  }
0x2a7: {  	[sflag:s8] =	ssyncset.done $0x0  }
0x2a8: {  	[sflag:s8] =	ssyncadd.s32 $0xFFFFE000  }
0x2a9: {  	[tilespmem:s3], [sflag:$0x2] =	stream.indirect.gather [hbm4b:s4+s7], $0x40, s11, s7, $0xb8;
	[tilespmem:$0x4D00] =	vst v63  }
0x2aa: {  	_ =	swait.ge [sflag:s9], $0x2000  }
0x2ab: {  	[sflag:s9] =	ssyncset.done $0x0  }
0x2ac: {  	s29 =	rddreg [dreg:$0x1b];
	[sflag:s9] =	ssyncadd.s32 $0xFFFFE000  }
0x2ad: {  	[hbm4b:s29+s2] =	stream.linear.scatter [tilespmem:s5], [sflag:$0x3], $0x2000, $0x38;
	[tilespmem:$0x4D00] =	vst v63  }
0x2ae: {  	_ =	swait.ge [sflag:s10], $0x2000  }
0x2af: {  	[sflag:s10] =	ssyncset.done $0x0  }
0x2b0: {  	s30 =	rddreg [dreg:$0x1c];
	[sflag:s10] =	ssyncadd.s32 $0xFFFFE000  }
0x2b1: {  	[hbm4b:s30+s2] =	stream.linear.scatter [tilespmem:s3], [sflag:$0x4], $0x2000, $0x38;
	[tilespmem:$0x4D00] =	vst v63  }
0x2b2: {  	_ =	swait.ge [sflag:s6], $0x2000  }
0x2b3: {  	[sflag:s6] =	ssyncset.done $0x0  }
0x2b4: {  	[sflag:s6] =	ssyncadd.s32 $0xFFFFE000  }
0x2b5: {  	_ =	swait.ge [sflag:s8], $0x2000  }
0x2b6: {  	[sflag:s8] =	ssyncset.done $0x0  }
0x2b7: {  	[sflag:s8] =	ssyncadd.s32 $0xFFFFE000  }
0x2b8: {  	_ =	sfence.sel $0x180000  }
0x2b9: {  	[bflag:$0x0] =	sbarrier.arrive $0xFFFF  }
0x2ba: {  	_ =	strace $0x90000047  }
0x2bb: {  	s31 =	stileid.u32;
	[bflag:$0x2] =	sbarrier.arrive $0xFFFF  }
0x2bc: {  	p0 =	sne.s32 s31, $0x0;
	s0 =	rddreg [dreg:$0x2]  }
0x2bd: {  	s0 =	sadd.s32 @!p0 $0x100000, s0  }
0x2be: {  	[sflag:s0] =	ssyncadd.tile.s32 @!p0 $0x1;
	_ =	shalt  }
.Lfunc_end2:
_tile_overlayer_lowered:
.L_overlay_start_2:
0x2bf: {  	(tag) =	ssettag $0x2  }
0x2c0: {  	s0 =	rddreg [dreg:$0x0];
	s2 =	stileid.u32  }
0x2c1: {  	s1 =	rddreg [dreg:$0x1];
	p0 =	sne.s32 s2, $0x0  }
0x2c2: {  	s3 =	rddreg [dreg:$0x2];
	[bflag:$0x3] =	sbarrier.arrive $0xFFFF;
	s2 =	simm.s32 @!p0 $0x1C05  }
0x2c3: {  	[timem:s3], [sflag:s2] =	dma.local @!p0 [hbm:s0], s1  }
0x2c4: {  	s0 =	simm.s32 @!p0 $0x5  }
0x2c5: {  	_ =	swait.ge @!p0 [sflag:s0], s1  }
0x2c6: {  	s1 =	ssub.s32 @!p0 $0x0, s1;
	[sflag:s0] =	ssyncset.done @!p0 $0x0  }
0x2c7: {  	[sflag:s0] =	ssyncadd.s32 @!p0 s1  }
0x2c8: {  	[bflag:$0x3] =	sbarrier.arrive $0xFFFF  }
0x2c9: {  	_ =	shalt  }

</sc_bundles>
